<compile_context>
chip_gen: v7x
topology: tpu7x:2x2x1
jax: 0.10.2.dev20260603
libtpu: 0.0.44.dev20260713+nightly
codegen_flags: <defaults>
</compile_context>

<pallas_src>
import functools

import jax
import jax.numpy as jnp
from jax import lax
from jax.experimental import pallas as pl
from jax.experimental.pallas import tpu as pltpu
from jax.experimental.pallas import tpu_sc as plsc


_NC = 2
_NS = 16



def _node_dense_body(x_ref, w_ref, b_ref, o1, o2, o3, o4):
    acc = jnp.dot(x_ref[...], w_ref[...], preferred_element_type=jnp.float32)
    acc = acc + b_ref[...]
    d = o1.shape[1]
    o1[...] = acc[:, 0 * d:1 * d]
    o2[...] = acc[:, 1 * d:2 * d]
    o3[...] = acc[:, 2 * d:3 * d]
    o4[...] = acc[:, 3 * d:4 * d]


def _edgewise_body(gsum_ref, ef_ref, w_ref, b_ref, sc_ref, bi_ref,
                   eo_ref, s_ref):
    p = jnp.dot(ef_ref[...], w_ref[...], preferred_element_type=jnp.float32)
    sg = jax.nn.sigmoid(gsum_ref[...].astype(jnp.float32) + p + b_ref[...])
    y = sg * ef_ref[...]
    mu = jnp.mean(y, axis=-1, keepdims=True)
    var = jnp.mean((y - mu) ** 2, axis=-1, keepdims=True)
    eo_ref[...] = (y - mu) * lax.rsqrt(var + 1e-5) * sc_ref[...] + bi_ref[...]
    s_ref[...] = sg


def _node_out_body(ah_ref, hn_ref, hd_ref, sc_ref, bi_ref, o_ref):
    x = ah_ref[...] + hn_ref[...] / (hd_ref[...] + 1e-8)
    mu = jnp.mean(x, axis=-1, keepdims=True)
    var = jnp.mean((x - mu) ** 2, axis=-1, keepdims=True)
    o_ref[...] = (x - mu) * lax.rsqrt(var + 1e-5) * sc_ref[...] + bi_ref[...]



def _make_sc_gather(E, D, C):
    NW = _NC * _NS
    EW = E // NW
    K = EW // C
    KB = (K - 1) // 2
    mesh = plsc.VectorSubcoreMesh(core_axis_name="c", subcore_axis_name="s",
                                  num_cores=_NC, num_subcores=_NS)

    buf_set = [
        pltpu.VMEM((C,), jnp.int32),
        pltpu.VMEM((C,), jnp.int32),
        pltpu.VMEM((C, D), jnp.float32),
        pltpu.VMEM((C, D), jnp.float32),
        pltpu.SemaphoreType.DMA,
        pltpu.SemaphoreType.DMA,
    ]

    @functools.partial(
        pl.kernel,
        out_type=jax.ShapeDtypeStruct((E, D), jnp.float32),
        mesh=mesh,
        scratch_types=buf_set + buf_set,
    )
    def k(src_hbm, dst_hbm, esrc_hbm, edst_hbm, gsum_hbm,
          si0, di0, ba0, bb0, sl0, ss0,
          si1, di1, ba1, bb1, sl1, ss1):
        wid = lax.axis_index("c") * _NS + lax.axis_index("s")
        sets = ((si0, di0, ba0, bb0, sl0, ss0),
                (si1, di1, ba1, bb1, sl1, ss1))

        def wait_store(sid):
            si, di, ba, bb, sl, ss = sets[sid]
            pltpu.make_async_copy(ba, gsum_hbm.at[pl.ds(0, C), :], ss).wait()

        def start(sid, ck):
            si, di, ba, bb, sl, ss = sets[sid]
            base = wid * EW + ck * C
            pltpu.sync_copy(src_hbm.at[pl.ds(base, C)], si)
            pltpu.sync_copy(dst_hbm.at[pl.ds(base, C)], di)
            pltpu.async_copy(esrc_hbm.at[si], ba, sl)
            pltpu.async_copy(edst_hbm.at[di], bb, sl)

        def finish(sid, ck):
            si, di, ba, bb, sl, ss = sets[sid]
            base = wid * EW + ck * C
            pltpu.make_async_copy(esrc_hbm.at[si], ba, sl).wait()
            pltpu.make_async_copy(edst_hbm.at[di], bb, sl).wait()

            @plsc.parallel_loop(0, C, unroll=4)
            def _add(r):
                for j in range(D // 16):
                    sl2 = pl.ds(j * 16, 16)
                    ba[r, sl2] = ba[r, sl2] + bb[r, sl2]

            pltpu.async_copy(ba, gsum_hbm.at[pl.ds(base, C), :], ss)

        start(0, 0)

        def body(k2, carry):
            c0 = 2 * k2

            @pl.when(k2 > 0)
            def _():
                wait_store(1)

            start(1, c0 + 1)
            finish(0, c0)
            wait_store(0)
            start(0, c0 + 2)
            finish(1, c0 + 1)
            return carry

        lax.fori_loop(0, KB, body, 0)
        finish(0, K - 1)
        wait_store(1)
        wait_store(0)

    return k


def _make_sc_scatter(E, NP, D, C):
    ET = E // _NS
    K = ET // C
    KB = K // 2
    RPT = NP // _NS
    mesh = plsc.VectorSubcoreMesh(core_axis_name="c", subcore_axis_name="s",
                                  num_cores=_NC, num_subcores=_NS)

    buf_set = [
        pltpu.VMEM((C,), jnp.int32),
        pltpu.VMEM((C,), jnp.int32),
        pltpu.VMEM((C, D), jnp.float32),
        pltpu.VMEM((C, D), jnp.float32),
        pltpu.SemaphoreType.DMA,
        pltpu.SemaphoreType.DMA,
    ]

    @functools.partial(
        pl.kernel,
        out_type=(jax.ShapeDtypeStruct((NP, D), jnp.float32),
                  jax.ShapeDtypeStruct((NP, D), jnp.float32)),
        mesh=mesh,
        scratch_types=[pltpu.VMEM_SHARED((NP, D), jnp.float32)]
        + buf_set + buf_set,
    )
    def k(src_hbm, dst_hbm, s_hbm, bh_hbm, z_hbm, acch_hbm, accs_hbm,
          acc, di0, si0, bs0, bg0, sl0, sc0,
          di1, si1, bs1, bg1, sl1, sc1):
        c = lax.axis_index("c")
        s = lax.axis_index("s")
        r0 = s * RPT
        pltpu.sync_copy(z_hbm.at[pl.ds(r0, RPT), :], acc.at[pl.ds(r0, RPT), :])
        plsc.subcore_barrier()
        sets = ((di0, si0, bs0, bg0, sl0, sc0),
                (di1, si1, bs1, bg1, sl1, sc1))

        def start(sid, ck):
            di, si, bs, bg, sl, sc = sets[sid]
            base = s * ET + ck * C
            pltpu.sync_copy(dst_hbm.at[pl.ds(base, C)], di)
            pltpu.async_copy(s_hbm.at[pl.ds(base, C), :], bs, sl)

            @pl.when(c == 0)
            def _():
                pltpu.sync_copy(src_hbm.at[pl.ds(base, C)], si)
                pltpu.async_copy(bh_hbm.at[si], bg, sl)

        def finish(sid, ck):
            di, si, bs, bg, sl, sc = sets[sid]
            base = s * ET + ck * C
            pltpu.make_async_copy(s_hbm.at[pl.ds(base, C), :], bs, sl).wait()

            @pl.when(c == 0)
            def _():
                pltpu.make_async_copy(bh_hbm.at[si], bg, sl).wait()

                @plsc.parallel_loop(0, C, unroll=4)
                def _mul(r):
                    for j in range(D // 16):
                        sl2 = pl.ds(j * 16, 16)
                        bs[r, sl2] = bs[r, sl2] * bg[r, sl2]

            pltpu.async_copy(bs, acc.at[di], sc, add=True)

        def wait_scatter(sid):
            di, si, bs, bg, sl, sc = sets[sid]
            pltpu.make_async_copy(bs, acc.at[di], sc).wait()

        start(0, 0)

        def body(k2, carry):
            c0 = 2 * k2

            @pl.when(k2 > 0)
            def _():
                wait_scatter(1)

            start(1, c0 + 1)
            finish(0, c0)

            @pl.when(k2 < KB - 1)
            def _():
                wait_scatter(0)
                start(0, c0 + 2)

            finish(1, c0 + 1)
            return carry

        lax.fori_loop(0, KB, body, 0)
        wait_scatter(0)
        wait_scatter(1)
        plsc.subcore_barrier()

        @pl.when(c == 0)
        def _():
            pltpu.sync_copy(acc.at[pl.ds(r0, RPT), :],
                            acch_hbm.at[pl.ds(r0, RPT), :])

        @pl.when(c == 1)
        def _():
            pltpu.sync_copy(acc.at[pl.ds(r0, RPT), :],
                            accs_hbm.at[pl.ds(r0, RPT), :])

    return k



def kernel(node_feats, edge_feats, edge_index,
           W_src_gate, b_src_gate, W_dst_gate, b_dst_gate,
           W_edge_gate, b_edge_gate, W_src_update, b_src_update,
           W_dst_update, b_dst_update,
           ln_e_scale, ln_e_bias, ln_n_scale, ln_n_bias):
    N, D = node_feats.shape
    E = edge_feats.shape[0]
    BN = 2000
    BE = 4000
    C = 80

    src = edge_index[0]
    dst = edge_index[1]

    Wn = jnp.concatenate([W_src_gate, W_dst_gate, W_dst_update, W_src_update],
                         axis=1)
    bn = jnp.concatenate([b_src_gate, b_dst_gate, b_dst_update, b_src_update]
                         ).reshape(1, 4 * D)
    esrc, edst, bh, ah = pl.pallas_call(
        _node_dense_body,
        grid=(N // BN,),
        in_specs=[
            pl.BlockSpec((BN, D), lambda i: (i, 0)),
            pl.BlockSpec((D, 4 * D), lambda i: (0, 0)),
            pl.BlockSpec((1, 4 * D), lambda i: (0, 0)),
        ],
        out_specs=[pl.BlockSpec((BN, D), lambda i: (i, 0))] * 4,
        out_shape=[jax.ShapeDtypeStruct((N, D), jnp.float32)] * 4,
    )(node_feats, Wn, bn)

    gsum = _make_sc_gather(E, D, C)(src, dst, esrc, edst)

    edge_out, sgm = pl.pallas_call(
        _edgewise_body,
        grid=(E // BE,),
        in_specs=[
            pl.BlockSpec((BE, D), lambda i: (i, 0)),
            pl.BlockSpec((BE, D), lambda i: (i, 0)),
            pl.BlockSpec((D, D), lambda i: (0, 0)),
            pl.BlockSpec((1, D), lambda i: (0, 0)),
            pl.BlockSpec((1, D), lambda i: (0, 0)),
            pl.BlockSpec((1, D), lambda i: (0, 0)),
        ],
        out_specs=[pl.BlockSpec((BE, D), lambda i: (i, 0))] * 2,
        out_shape=[jax.ShapeDtypeStruct((E, D), jnp.float32)] * 2,
    )(gsum, edge_feats, W_edge_gate, b_edge_gate.reshape(1, D),
      ln_e_scale.reshape(1, D), ln_e_bias.reshape(1, D))

    NP = ((N + 8 * _NS - 1) // (8 * _NS)) * (8 * _NS)
    zeros = jnp.zeros((NP, D), jnp.float32)
    acc_h, acc_s = _make_sc_scatter(E, NP, D, C)(src, dst, sgm, bh, zeros)
    acc_h = acc_h[:N]
    acc_s = acc_s[:N]

    node_out = pl.pallas_call(
        _node_out_body,
        grid=(N // BN,),
        in_specs=[
            pl.BlockSpec((BN, D), lambda i: (i, 0)),
            pl.BlockSpec((BN, D), lambda i: (i, 0)),
            pl.BlockSpec((BN, D), lambda i: (i, 0)),
            pl.BlockSpec((1, D), lambda i: (0, 0)),
            pl.BlockSpec((1, D), lambda i: (0, 0)),
        ],
        out_specs=pl.BlockSpec((BN, D), lambda i: (i, 0)),
        out_shape=jax.ShapeDtypeStruct((N, D), jnp.float32),
    )(ah, acc_h, acc_s, ln_n_scale.reshape(1, D), ln_n_bias.reshape(1, D))

    return node_out, edge_out

# --- scband reference (transcript-rebuilt; emitter-appended) ---
"""Pipeline reference for scband-edge-gated-graph-conv-2594160247294 (READ-ONLY COPY).

The authoritative reference and input builder live on the scoring server;
editing this copy changes nothing except your own understanding.
"""

import jax, jax.numpy as jnp
import numpy as np

N = 10000
E = 320000
D = 128

def _layernorm(x, scale, bias):
    mu = jnp.mean(x, axis=-1, keepdims=True)
    var = jnp.var(x, axis=-1, keepdims=True)
    return (x - mu) / jnp.sqrt(var + 1e-5) * scale + bias

def setup_inputs(seed: int = 0):
    key = jax.random.key(seed)
    ks = jax.random.split(key, 20)
    s = 1.0 / np.sqrt(D)
    inp = {}
    inp['node_feats'] = jax.random.normal(ks[0], (N, D), dtype=jnp.float32)
    inp['edge_feats'] = jax.random.normal(ks[1], (E, D), dtype=jnp.float32)
    inp['edge_index'] = jax.random.randint(ks[2], (2, E), 0, N)
    names = ['src_gate', 'dst_gate', 'edge_gate', 'src_update', 'dst_update']
    for i, nm in enumerate(names):
        inp['W_' + nm] = jax.random.uniform(ks[3 + 2 * i], (D, D), minval=-s, maxval=s, dtype=jnp.float32)
        inp['b_' + nm] = jax.random.uniform(ks[4 + 2 * i], (D,), minval=-s, maxval=s, dtype=jnp.float32)
    inp['ln_e_scale'] = jnp.ones((D,), jnp.float32)
    inp['ln_e_bias'] = jnp.zeros((D,), jnp.float32)
    inp['ln_n_scale'] = jnp.ones((D,), jnp.float32)
    inp['ln_n_bias'] = jnp.zeros((D,), jnp.float32)
    return inp

def reference(node_feats, edge_feats, edge_index, W_src_gate, b_src_gate, W_dst_gate, b_dst_gate, W_edge_gate, b_edge_gate, W_src_update, b_src_update, W_dst_update, b_dst_update, ln_e_scale, ln_e_bias, ln_n_scale, ln_n_bias):
    src = edge_index[0]
    dst = edge_index[1]
    e_src = node_feats @ W_src_gate + b_src_gate
    e_dst = node_feats @ W_dst_gate + b_dst_gate
    sigma_e = jax.nn.sigmoid(e_src[src] + e_dst[dst] + edge_feats @ W_edge_gate + b_edge_gate)
    edge_out = _layernorm(sigma_e * edge_feats, ln_e_scale, ln_e_bias)
    Bh = node_feats @ W_dst_update + b_dst_update
    sum_sigma_h = jax.ops.segment_sum(Bh[src] * sigma_e, dst, num_segments=N)
    sum_sigma = jax.ops.segment_sum(sigma_e, dst, num_segments=N)
    h = sum_sigma_h / (sum_sigma + 1e-08)
    node_out = _layernorm(node_feats @ W_src_update + b_src_update + h, ln_n_scale, ln_n_bias)
    return (node_out, edge_out)

if __name__ == "__main__":
    import jax
    _d = setup_inputs()
    print(jax.jit(kernel)(*tuple(_d.values())))

</pallas_src>

<mosaic_0001>
#map = affine_map<(d0, d1) -> (0)>
#map1 = affine_map<(d0, d1) -> (0, 0)>
module attributes {stable_mosaic.version = 14 : i64} {
  func.func @k(%arg0: i32, %arg1: i32, %arg2: memref<320000xi32, #tpu.memory_space<hbm>>, %arg3: memref<320000xi32, #tpu.memory_space<hbm>>, %arg4: memref<320000x128xf32, #tpu.memory_space<hbm>>, %arg5: memref<10000x128xf32, #tpu.memory_space<hbm>>, %arg6: memref<10112x128xf32, #tpu.memory_space<hbm>>, %arg7: memref<10112x128xf32, #tpu.memory_space<hbm>>, %arg8: memref<10112x128xf32, #tpu.memory_space<hbm>>, %arg9: memref<10112x128xf32, #tpu.memory_space<vmem_shared>>, %arg10: memref<80xi32, #tpu.memory_space<vmem>>, %arg11: memref<80xi32, #tpu.memory_space<vmem>>, %arg12: memref<80x128xf32, #tpu.memory_space<vmem>>, %arg13: memref<80x128xf32, #tpu.memory_space<vmem>>, %arg14: memref<!tpu.dma_semaphore, #tpu.memory_space<semaphore_mem>>, %arg15: memref<!tpu.dma_semaphore, #tpu.memory_space<semaphore_mem>>, %arg16: memref<80xi32, #tpu.memory_space<vmem>>, %arg17: memref<80xi32, #tpu.memory_space<vmem>>, %arg18: memref<80x128xf32, #tpu.memory_space<vmem>>, %arg19: memref<80x128xf32, #tpu.memory_space<vmem>>, %arg20: memref<!tpu.dma_semaphore, #tpu.memory_space<semaphore_mem>>, %arg21: memref<!tpu.dma_semaphore, #tpu.memory_space<semaphore_mem>>) attributes {dimension_semantics = [#tpu.dimension_semantics<core_parallel>, #tpu.dimension_semantics<subcore_parallel>], iteration_bounds = array<i64: 2, 16>, scalar_prefetch = 0 : i64, scratch_operands = 13 : i64, tpu.core_type = #tpu.core_type<sc_vector_subcore>, window_params = [{transform_indices = #map}, {transform_indices = #map}, {transform_indices = #map1}, {transform_indices = #map1}, {transform_indices = #map1}, {transform_indices = #map1}, {transform_indices = #map1}]} {
    %mul3A = arith.constant 632 : i32
    %mul3A_0 = arith.muli %arg1, %mul3A : i32
    "tpu.region"() ({
      %run_scoped3A = tpu.sem_alloc : memref<!tpu.dma_semaphore, #tpu.memory_space<semaphore_mem>>
      %dma_start3A_30 = arith.constant 0 : i32
      %dma_start3A_31 = tpu.memref_slice %arg9[%mul3A_0, %dma_start3A_30] : memref<10112x128xf32, #tpu.memory_space<vmem_shared>> -> memref<632x128xf32, #tpu.memory_space<vmem_shared>>
      %dma_start3A_32 = arith.constant 0 : i32
      %dma_start3A_33 = tpu.memref_slice %arg6[%mul3A_0, %dma_start3A_32] : memref<10112x128xf32, #tpu.memory_space<hbm>> -> memref<632x128xf32, #tpu.memory_space<hbm>>
      tpu.enqueue_dma source(%dma_start3A_33 : memref<632x128xf32, #tpu.memory_space<hbm>>) target(%dma_start3A_31 : memref<632x128xf32, #tpu.memory_space<vmem_shared>>) target_semaphore(%run_scoped3A : memref<!tpu.dma_semaphore, #tpu.memory_space<semaphore_mem>>)
      %dma_wait3A_34 = arith.constant 0 : i32
      %dma_wait3A_35 = tpu.memref_slice %arg9[%mul3A_0, %dma_wait3A_34] : memref<10112x128xf32, #tpu.memory_space<vmem_shared>> -> memref<632x128xf32, #tpu.memory_space<vmem_shared>>
      %dma_wait3A_36 = arith.constant 0 : i32
      %dma_wait3A_37 = tpu.memref_slice %arg6[%mul3A_0, %dma_wait3A_36] : memref<10112x128xf32, #tpu.memory_space<hbm>> -> memref<632x128xf32, #tpu.memory_space<hbm>>
      tpu.wait_dma2 semaphore(%run_scoped3A : memref<!tpu.dma_semaphore, #tpu.memory_space<semaphore_mem>>) src(%dma_wait3A_37 : memref<632x128xf32, #tpu.memory_space<hbm>>) dst(%dma_wait3A_35 : memref<632x128xf32, #tpu.memory_space<vmem_shared>>)
      tpu.yield
    }) : () -> ()
    %barrier3A = arith.constant 0 : index
    tpu.barrier barrier_id(%barrier3A)
    %mul3A_1 = arith.constant 20000 : i32
    %mul3A_2 = arith.muli %arg1, %mul3A_1 : i32
    %add3A = arith.constant 0 : i32
    %add3A_3 = arith.addi %mul3A_2, %add3A : i32
    "tpu.region"() ({
      %run_scoped3A = tpu.sem_alloc : memref<!tpu.dma_semaphore, #tpu.memory_space<semaphore_mem>>
      %dma_start3A_30 = tpu.memref_slice %arg3[%add3A_3] : memref<320000xi32, #tpu.memory_space<hbm>> -> memref<80xi32, #tpu.memory_space<hbm>>
      %dma_start3A_31 = tpu.memref_slice %arg3[%add3A_3] : memref<320000xi32, #tpu.memory_space<hbm>> -> memref<80xi32, #tpu.memory_space<hbm>>
      tpu.enqueue_dma source(%dma_start3A_31 : memref<80xi32, #tpu.memory_space<hbm>>) target(%arg10 : memref<80xi32, #tpu.memory_space<vmem>>) target_semaphore(%run_scoped3A : memref<!tpu.dma_semaphore, #tpu.memory_space<semaphore_mem>>)
      %dma_wait3A_32 = tpu.memref_slice %arg3[%add3A_3] : memref<320000xi32, #tpu.memory_space<hbm>> -> memref<80xi32, #tpu.memory_space<hbm>>
      %dma_wait3A_33 = tpu.memref_slice %arg3[%add3A_3] : memref<320000xi32, #tpu.memory_space<hbm>> -> memref<80xi32, #tpu.memory_space<hbm>>
      tpu.wait_dma2 semaphore(%run_scoped3A : memref<!tpu.dma_semaphore, #tpu.memory_space<semaphore_mem>>) src(%dma_wait3A_33 : memref<80xi32, #tpu.memory_space<hbm>>) dst(%arg10 : memref<80xi32, #tpu.memory_space<vmem>>)
      tpu.yield
    }) : () -> ()
    %dma_start3A = arith.constant 0 : i32
    %dma_start3A_4 = tpu.memref_slice %arg4[%add3A_3, %dma_start3A] : memref<320000x128xf32, #tpu.memory_space<hbm>> -> memref<80x128xf32, #tpu.memory_space<hbm>>
    %dma_start3A_5 = arith.constant 0 : i32
    %dma_start3A_6 = tpu.memref_slice %arg4[%add3A_3, %dma_start3A_5] : memref<320000x128xf32, #tpu.memory_space<hbm>> -> memref<80x128xf32, #tpu.memory_space<hbm>>
    tpu.enqueue_dma source(%dma_start3A_6 : memref<80x128xf32, #tpu.memory_space<hbm>>) target(%arg12 : memref<80x128xf32, #tpu.memory_space<vmem>>) target_semaphore(%arg14 : memref<!tpu.dma_semaphore, #tpu.memory_space<semaphore_mem>>)
    %eq3A = arith.constant 0 : i32
    %eq3A_7 = arith.cmpi eq, %arg0, %eq3A : i32
    %convert_element_type3A = arith.extui %eq3A_7 : i1 to i32
    %cond3A = arith.constant 0 : i32
    %cond3A_8 = arith.cmpi ne, %convert_element_type3A, %cond3A : i32
    scf.if %cond3A_8 {
      "tpu.region"() ({
        %run_scoped3A = tpu.sem_alloc : memref<!tpu.dma_semaphore, #tpu.memory_space<semaphore_mem>>
        %dma_start3A_33 = tpu.memref_slice %arg2[%add3A_3] : memref<320000xi32, #tpu.memory_space<hbm>> -> memref<80xi32, #tpu.memory_space<hbm>>
        %dma_start3A_34 = tpu.memref_slice %arg2[%add3A_3] : memref<320000xi32, #tpu.memory_space<hbm>> -> memref<80xi32, #tpu.memory_space<hbm>>
        tpu.enqueue_dma source(%dma_start3A_34 : memref<80xi32, #tpu.memory_space<hbm>>) target(%arg11 : memref<80xi32, #tpu.memory_space<vmem>>) target_semaphore(%run_scoped3A : memref<!tpu.dma_semaphore, #tpu.memory_space<semaphore_mem>>)
        %dma_wait3A_35 = tpu.memref_slice %arg2[%add3A_3] : memref<320000xi32, #tpu.memory_space<hbm>> -> memref<80xi32, #tpu.memory_space<hbm>>
        %dma_wait3A_36 = tpu.memref_slice %arg2[%add3A_3] : memref<320000xi32, #tpu.memory_space<hbm>> -> memref<80xi32, #tpu.memory_space<hbm>>
        tpu.wait_dma2 semaphore(%run_scoped3A : memref<!tpu.dma_semaphore, #tpu.memory_space<semaphore_mem>>) src(%dma_wait3A_36 : memref<80xi32, #tpu.memory_space<hbm>>) dst(%arg11 : memref<80xi32, #tpu.memory_space<vmem>>)
        tpu.yield
      }) : () -> ()
      %dma_start3A_30 = arith.constant 0 : i32
      %dma_start3A_31 = arith.constant 0 : i32
      %dma_start3A_32 = tpu.memref_slice %arg5[%dma_start3A_30, %dma_start3A_31] : memref<10000x128xf32, #tpu.memory_space<hbm>> -> memref<10000x128xf32, #tpu.memory_space<hbm>>
      tpu.enqueue_indirect_dma source(%dma_start3A_32 : memref<10000x128xf32, #tpu.memory_space<hbm>>) target(%arg13 : memref<80x128xf32, #tpu.memory_space<vmem>>) offsets(%arg11 : memref<80xi32, #tpu.memory_space<vmem>>) semaphore(%arg14 : memref<!tpu.dma_semaphore, #tpu.memory_space<semaphore_mem>>)
    } else {
    }
    %scan3A = arith.constant 0 : i32
    %scan3A_9 = arith.constant 0 : i32
    %scan3A_10 = arith.constant 125 : i32
    %scan3A_11 = arith.addi %scan3A_9, %scan3A_10 : i32
    %scan3A_12 = arith.constant 1 : i32
    scf.for %scan3A_30 = %scan3A_9 to %scan3A_11 step %scan3A_12  : i32 {
      %mul3A_31 = arith.constant 2 : i32
      %mul3A_32 = arith.muli %mul3A_31, %scan3A_30 : i32
      %gt3A = arith.constant 0 : i32
      %gt3A_33 = arith.cmpi sgt, %scan3A_30, %gt3A : i32
      %convert_element_type3A_34 = arith.extui %gt3A_33 : i1 to i32
      %cond3A_35 = arith.constant 0 : i32
      %cond3A_36 = arith.cmpi ne, %convert_element_type3A_34, %cond3A_35 : i32
      scf.if %cond3A_36 {
        %dma_wait3A_93 = arith.constant 0 : i32
        %dma_wait3A_94 = arith.constant 0 : i32
        %dma_wait3A_95 = tpu.memref_slice %arg9[%dma_wait3A_93, %dma_wait3A_94] : memref<10112x128xf32, #tpu.memory_space<vmem_shared>> -> memref<10112x128xf32, #tpu.memory_space<vmem_shared>>
        tpu.wait_indirect_dma semaphore(%arg21 : memref<!tpu.dma_semaphore, #tpu.memory_space<semaphore_mem>>) src(%arg18 : memref<80x128xf32, #tpu.memory_space<vmem>>) dst(%dma_wait3A_95 : memref<10112x128xf32, #tpu.memory_space<vmem_shared>>)
      } else {
      }
      %add3A_37 = arith.constant 1 : i32
      %add3A_38 = arith.addi %mul3A_32, %add3A_37 : i32
      %mul3A_39 = arith.constant 20000 : i32
      %mul3A_40 = arith.muli %arg1, %mul3A_39 : i32
      %mul3A_41 = arith.constant 80 : i32
      %mul3A_42 = arith.muli %add3A_38, %mul3A_41 : i32
      %add3A_43 = arith.addi %mul3A_40, %mul3A_42 : i32
      "tpu.region"() ({
        %run_scoped3A = tpu.sem_alloc : memref<!tpu.dma_semaphore, #tpu.memory_space<semaphore_mem>>
        %dma_start3A_93 = tpu.memref_slice %arg3[%add3A_43] : memref<320000xi32, #tpu.memory_space<hbm>> -> memref<80xi32, #tpu.memory_space<hbm>>
        %dma_start3A_94 = tpu.memref_slice %arg3[%add3A_43] : memref<320000xi32, #tpu.memory_space<hbm>> -> memref<80xi32, #tpu.memory_space<hbm>>
        tpu.enqueue_dma source(%dma_start3A_94 : memref<80xi32, #tpu.memory_space<hbm>>) target(%arg16 : memref<80xi32, #tpu.memory_space<vmem>>) target_semaphore(%run_scoped3A : memref<!tpu.dma_semaphore, #tpu.memory_space<semaphore_mem>>)
        %dma_wait3A_95 = tpu.memref_slice %arg3[%add3A_43] : memref<320000xi32, #tpu.memory_space<hbm>> -> memref<80xi32, #tpu.memory_space<hbm>>
        %dma_wait3A_96 = tpu.memref_slice %arg3[%add3A_43] : memref<320000xi32, #tpu.memory_space<hbm>> -> memref<80xi32, #tpu.memory_space<hbm>>
        tpu.wait_dma2 semaphore(%run_scoped3A : memref<!tpu.dma_semaphore, #tpu.memory_space<semaphore_mem>>) src(%dma_wait3A_96 : memref<80xi32, #tpu.memory_space<hbm>>) dst(%arg16 : memref<80xi32, #tpu.memory_space<vmem>>)
        tpu.yield
      }) : () -> ()
      %dma_start3A_44 = arith.constant 0 : i32
      %dma_start3A_45 = tpu.memref_slice %arg4[%add3A_43, %dma_start3A_44] : memref<320000x128xf32, #tpu.memory_space<hbm>> -> memref<80x128xf32, #tpu.memory_space<hbm>>
      %dma_start3A_46 = arith.constant 0 : i32
      %dma_start3A_47 = tpu.memref_slice %arg4[%add3A_43, %dma_start3A_46] : memref<320000x128xf32, #tpu.memory_space<hbm>> -> memref<80x128xf32, #tpu.memory_space<hbm>>
      tpu.enqueue_dma source(%dma_start3A_47 : memref<80x128xf32, #tpu.memory_space<hbm>>) target(%arg18 : memref<80x128xf32, #tpu.memory_space<vmem>>) target_semaphore(%arg20 : memref<!tpu.dma_semaphore, #tpu.memory_space<semaphore_mem>>)
      %eq3A_48 = arith.constant 0 : i32
      %eq3A_49 = arith.cmpi eq, %arg0, %eq3A_48 : i32
      %convert_element_type3A_50 = arith.extui %eq3A_49 : i1 to i32
      %cond3A_51 = arith.constant 0 : i32
      %cond3A_52 = arith.cmpi ne, %convert_element_type3A_50, %cond3A_51 : i32
      scf.if %cond3A_52 {
        "tpu.region"() ({
          %run_scoped3A = tpu.sem_alloc : memref<!tpu.dma_semaphore, #tpu.memory_space<semaphore_mem>>
          %dma_start3A_96 = tpu.memref_slice %arg2[%add3A_43] : memref<320000xi32, #tpu.memory_space<hbm>> -> memref<80xi32, #tpu.memory_space<hbm>>
          %dma_start3A_97 = tpu.memref_slice %arg2[%add3A_43] : memref<320000xi32, #tpu.memory_space<hbm>> -> memref<80xi32, #tpu.memory_space<hbm>>
          tpu.enqueue_dma source(%dma_start3A_97 : memref<80xi32, #tpu.memory_space<hbm>>) target(%arg17 : memref<80xi32, #tpu.memory_space<vmem>>) target_semaphore(%run_scoped3A : memref<!tpu.dma_semaphore, #tpu.memory_space<semaphore_mem>>)
          %dma_wait3A_98 = tpu.memref_slice %arg2[%add3A_43] : memref<320000xi32, #tpu.memory_space<hbm>> -> memref<80xi32, #tpu.memory_space<hbm>>
          %dma_wait3A_99 = tpu.memref_slice %arg2[%add3A_43] : memref<320000xi32, #tpu.memory_space<hbm>> -> memref<80xi32, #tpu.memory_space<hbm>>
          tpu.wait_dma2 semaphore(%run_scoped3A : memref<!tpu.dma_semaphore, #tpu.memory_space<semaphore_mem>>) src(%dma_wait3A_99 : memref<80xi32, #tpu.memory_space<hbm>>) dst(%arg17 : memref<80xi32, #tpu.memory_space<vmem>>)
          tpu.yield
        }) : () -> ()
        %dma_start3A_93 = arith.constant 0 : i32
        %dma_start3A_94 = arith.constant 0 : i32
        %dma_start3A_95 = tpu.memref_slice %arg5[%dma_start3A_93, %dma_start3A_94] : memref<10000x128xf32, #tpu.memory_space<hbm>> -> memref<10000x128xf32, #tpu.memory_space<hbm>>
        tpu.enqueue_indirect_dma source(%dma_start3A_95 : memref<10000x128xf32, #tpu.memory_space<hbm>>) target(%arg19 : memref<80x128xf32, #tpu.memory_space<vmem>>) offsets(%arg17 : memref<80xi32, #tpu.memory_space<vmem>>) semaphore(%arg20 : memref<!tpu.dma_semaphore, #tpu.memory_space<semaphore_mem>>)
      } else {
      }
      %mul3A_53 = arith.constant 20000 : i32
      %mul3A_54 = arith.muli %arg1, %mul3A_53 : i32
      %mul3A_55 = arith.constant 80 : i32
      %mul3A_56 = arith.muli %mul3A_32, %mul3A_55 : i32
      %add3A_57 = arith.addi %mul3A_54, %mul3A_56 : i32
      %dma_wait3A_58 = arith.constant 0 : i32
      %dma_wait3A_59 = tpu.memref_slice %arg4[%add3A_57, %dma_wait3A_58] : memref<320000x128xf32, #tpu.memory_space<hbm>> -> memref<80x128xf32, #tpu.memory_space<hbm>>
      %dma_wait3A_60 = arith.constant 0 : i32
      %dma_wait3A_61 = tpu.memref_slice %arg4[%add3A_57, %dma_wait3A_60] : memref<320000x128xf32, #tpu.memory_space<hbm>> -> memref<80x128xf32, #tpu.memory_space<hbm>>
      tpu.wait_dma2 semaphore(%arg14 : memref<!tpu.dma_semaphore, #tpu.memory_space<semaphore_mem>>) src(%dma_wait3A_61 : memref<80x128xf32, #tpu.memory_space<hbm>>) dst(%arg12 : memref<80x128xf32, #tpu.memory_space<vmem>>)
      %eq3A_62 = arith.constant 0 : i32
      %eq3A_63 = arith.cmpi eq, %arg0, %eq3A_62 : i32
      %convert_element_type3A_64 = arith.extui %eq3A_63 : i1 to i32
      %cond3A_65 = arith.constant 0 : i32
      %cond3A_66 = arith.cmpi ne, %convert_element_type3A_64, %cond3A_65 : i32
      scf.if %cond3A_66 {
        %dma_wait3A_93 = arith.constant 0 : i32
        %dma_wait3A_94 = arith.constant 0 : i32
        %dma_wait3A_95 = tpu.memref_slice %arg5[%dma_wait3A_93, %dma_wait3A_94] : memref<10000x128xf32, #tpu.memory_space<hbm>> -> memref<10000x128xf32, #tpu.memory_space<hbm>>
        tpu.wait_indirect_dma semaphore(%arg14 : memref<!tpu.dma_semaphore, #tpu.memory_space<semaphore_mem>>) src(%dma_wait3A_95 : memref<10000x128xf32, #tpu.memory_space<hbm>>) dst(%arg13 : memref<80x128xf32, #tpu.memory_space<vmem>>)
        %parallel_loop3A = arith.constant 0 : i32
        %parallel_loop3A_96 = arith.constant 80 : i32
        %parallel_loop3A_97 = arith.constant 1 : i32
        scf.for %parallel_loop3A_98 = %parallel_loop3A to %parallel_loop3A_96 step %parallel_loop3A_97  : i32 {
          %parallel_loop3A_99 = arith.index_cast %parallel_loop3A_98 : i32 to index
          %parallel_loop3A_100 = arith.constant 0 : index
          %parallel_loop3A_101 = tpu.vector_load %arg12[%parallel_loop3A_99, %parallel_loop3A_100] {strides = array<i32>} : memref<80x128xf32, #tpu.memory_space<vmem>>, vector<1x16xf32>,
          %parallel_loop3A_102 = vector.shape_cast %parallel_loop3A_101 : vector<1x16xf32> to vector<16xf32>
          %parallel_loop3A_103 = arith.index_cast %parallel_loop3A_98 : i32 to index
          %parallel_loop3A_104 = arith.constant 0 : index
          %parallel_loop3A_105 = tpu.vector_load %arg13[%parallel_loop3A_103, %parallel_loop3A_104] {strides = array<i32>} : memref<80x128xf32, #tpu.memory_space<vmem>>, vector<1x16xf32>,
          %parallel_loop3A_106 = vector.shape_cast %parallel_loop3A_105 : vector<1x16xf32> to vector<16xf32>
          %parallel_loop3A_107 = arith.mulf %parallel_loop3A_102, %parallel_loop3A_106 : vector<16xf32>
          %parallel_loop3A_108 = arith.index_cast %parallel_loop3A_98 : i32 to index
          %parallel_loop3A_109 = arith.constant 0 : index
          %parallel_loop3A_110 = tpu.vector_load %arg12[%parallel_loop3A_108, %parallel_loop3A_109] {strides = array<i32>} : memref<80x128xf32, #tpu.memory_space<vmem>>, vector<1x16xf32>,
          %parallel_loop3A_111 = vector.shape_cast %parallel_loop3A_110 : vector<1x16xf32> to vector<16xf32>
          %parallel_loop3A_112 = vector.shape_cast %parallel_loop3A_107 : vector<16xf32> to vector<1x16xf32>
          tpu.vector_store %arg12[%parallel_loop3A_108, %parallel_loop3A_109], %parallel_loop3A_112 {strides = array<i32>} : memref<80x128xf32, #tpu.memory_space<vmem>>, vector<1x16xf32>,
          %parallel_loop3A_113 = arith.index_cast %parallel_loop3A_98 : i32 to index
          %parallel_loop3A_114 = arith.constant 16 : index
          %parallel_loop3A_115 = tpu.vector_load %arg12[%parallel_loop3A_113, %parallel_loop3A_114] {strides = array<i32>} : memref<80x128xf32, #tpu.memory_space<vmem>>, vector<1x16xf32>,
          %parallel_loop3A_116 = vector.shape_cast %parallel_loop3A_115 : vector<1x16xf32> to vector<16xf32>
          %parallel_loop3A_117 = arith.index_cast %parallel_loop3A_98 : i32 to index
          %parallel_loop3A_118 = arith.constant 16 : index
          %parallel_loop3A_119 = tpu.vector_load %arg13[%parallel_loop3A_117, %parallel_loop3A_118] {strides = array<i32>} : memref<80x128xf32, #tpu.memory_space<vmem>>, vector<1x16xf32>,
          %parallel_loop3A_120 = vector.shape_cast %parallel_loop3A_119 : vector<1x16xf32> to vector<16xf32>
          %parallel_loop3A_121 = arith.mulf %parallel_loop3A_116, %parallel_loop3A_120 : vector<16xf32>
          %parallel_loop3A_122 = arith.index_cast %parallel_loop3A_98 : i32 to index
          %parallel_loop3A_123 = arith.constant 16 : index
          %parallel_loop3A_124 = tpu.vector_load %arg12[%parallel_loop3A_122, %parallel_loop3A_123] {strides = array<i32>} : memref<80x128xf32, #tpu.memory_space<vmem>>, vector<1x16xf32>,
          %parallel_loop3A_125 = vector.shape_cast %parallel_loop3A_124 : vector<1x16xf32> to vector<16xf32>
          %parallel_loop3A_126 = vector.shape_cast %parallel_loop3A_121 : vector<16xf32> to vector<1x16xf32>
          tpu.vector_store %arg12[%parallel_loop3A_122, %parallel_loop3A_123], %parallel_loop3A_126 {strides = array<i32>} : memref<80x128xf32, #tpu.memory_space<vmem>>, vector<1x16xf32>,
          %parallel_loop3A_127 = arith.index_cast %parallel_loop3A_98 : i32 to index
          %parallel_loop3A_128 = arith.constant 32 : index
          %parallel_loop3A_129 = tpu.vector_load %arg12[%parallel_loop3A_127, %parallel_loop3A_128] {strides = array<i32>} : memref<80x128xf32, #tpu.memory_space<vmem>>, vector<1x16xf32>,
          %parallel_loop3A_130 = vector.shape_cast %parallel_loop3A_129 : vector<1x16xf32> to vector<16xf32>
          %parallel_loop3A_131 = arith.index_cast %parallel_loop3A_98 : i32 to index
          %parallel_loop3A_132 = arith.constant 32 : index
          %parallel_loop3A_133 = tpu.vector_load %arg13[%parallel_loop3A_131, %parallel_loop3A_132] {strides = array<i32>} : memref<80x128xf32, #tpu.memory_space<vmem>>, vector<1x16xf32>,
          %parallel_loop3A_134 = vector.shape_cast %parallel_loop3A_133 : vector<1x16xf32> to vector<16xf32>
          %parallel_loop3A_135 = arith.mulf %parallel_loop3A_130, %parallel_loop3A_134 : vector<16xf32>
          %parallel_loop3A_136 = arith.index_cast %parallel_loop3A_98 : i32 to index
          %parallel_loop3A_137 = arith.constant 32 : index
          %parallel_loop3A_138 = tpu.vector_load %arg12[%parallel_loop3A_136, %parallel_loop3A_137] {strides = array<i32>} : memref<80x128xf32, #tpu.memory_space<vmem>>, vector<1x16xf32>,
          %parallel_loop3A_139 = vector.shape_cast %parallel_loop3A_138 : vector<1x16xf32> to vector<16xf32>
          %parallel_loop3A_140 = vector.shape_cast %parallel_loop3A_135 : vector<16xf32> to vector<1x16xf32>
          tpu.vector_store %arg12[%parallel_loop3A_136, %parallel_loop3A_137], %parallel_loop3A_140 {strides = array<i32>} : memref<80x128xf32, #tpu.memory_space<vmem>>, vector<1x16xf32>,
          %parallel_loop3A_141 = arith.index_cast %parallel_loop3A_98 : i32 to index
          %parallel_loop3A_142 = arith.constant 48 : index
          %parallel_loop3A_143 = tpu.vector_load %arg12[%parallel_loop3A_141, %parallel_loop3A_142] {strides = array<i32>} : memref<80x128xf32, #tpu.memory_space<vmem>>, vector<1x16xf32>,
          %parallel_loop3A_144 = vector.shape_cast %parallel_loop3A_143 : vector<1x16xf32> to vector<16xf32>
          %parallel_loop3A_145 = arith.index_cast %parallel_loop3A_98 : i32 to index
          %parallel_loop3A_146 = arith.constant 48 : index
          %parallel_loop3A_147 = tpu.vector_load %arg13[%parallel_loop3A_145, %parallel_loop3A_146] {strides = array<i32>} : memref<80x128xf32, #tpu.memory_space<vmem>>, vector<1x16xf32>,
          %parallel_loop3A_148 = vector.shape_cast %parallel_loop3A_147 : vector<1x16xf32> to vector<16xf32>
          %parallel_loop3A_149 = arith.mulf %parallel_loop3A_144, %parallel_loop3A_148 : vector<16xf32>
          %parallel_loop3A_150 = arith.index_cast %parallel_loop3A_98 : i32 to index
          %parallel_loop3A_151 = arith.constant 48 : index
          %parallel_loop3A_152 = tpu.vector_load %arg12[%parallel_loop3A_150, %parallel_loop3A_151] {strides = array<i32>} : memref<80x128xf32, #tpu.memory_space<vmem>>, vector<1x16xf32>,
          %parallel_loop3A_153 = vector.shape_cast %parallel_loop3A_152 : vector<1x16xf32> to vector<16xf32>
          %parallel_loop3A_154 = vector.shape_cast %parallel_loop3A_149 : vector<16xf32> to vector<1x16xf32>
          tpu.vector_store %arg12[%parallel_loop3A_150, %parallel_loop3A_151], %parallel_loop3A_154 {strides = array<i32>} : memref<80x128xf32, #tpu.memory_space<vmem>>, vector<1x16xf32>,
          %parallel_loop3A_155 = arith.index_cast %parallel_loop3A_98 : i32 to index
          %parallel_loop3A_156 = arith.constant 64 : index
          %parallel_loop3A_157 = tpu.vector_load %arg12[%parallel_loop3A_155, %parallel_loop3A_156] {strides = array<i32>} : memref<80x128xf32, #tpu.memory_space<vmem>>, vector<1x16xf32>,
          %parallel_loop3A_158 = vector.shape_cast %parallel_loop3A_157 : vector<1x16xf32> to vector<16xf32>
          %parallel_loop3A_159 = arith.index_cast %parallel_loop3A_98 : i32 to index
          %parallel_loop3A_160 = arith.constant 64 : index
          %parallel_loop3A_161 = tpu.vector_load %arg13[%parallel_loop3A_159, %parallel_loop3A_160] {strides = array<i32>} : memref<80x128xf32, #tpu.memory_space<vmem>>, vector<1x16xf32>,
          %parallel_loop3A_162 = vector.shape_cast %parallel_loop3A_161 : vector<1x16xf32> to vector<16xf32>
          %parallel_loop3A_163 = arith.mulf %parallel_loop3A_158, %parallel_loop3A_162 : vector<16xf32>
          %parallel_loop3A_164 = arith.index_cast %parallel_loop3A_98 : i32 to index
          %parallel_loop3A_165 = arith.constant 64 : index
          %parallel_loop3A_166 = tpu.vector_load %arg12[%parallel_loop3A_164, %parallel_loop3A_165] {strides = array<i32>} : memref<80x128xf32, #tpu.memory_space<vmem>>, vector<1x16xf32>,
          %parallel_loop3A_167 = vector.shape_cast %parallel_loop3A_166 : vector<1x16xf32> to vector<16xf32>
          %parallel_loop3A_168 = vector.shape_cast %parallel_loop3A_163 : vector<16xf32> to vector<1x16xf32>
          tpu.vector_store %arg12[%parallel_loop3A_164, %parallel_loop3A_165], %parallel_loop3A_168 {strides = array<i32>} : memref<80x128xf32, #tpu.memory_space<vmem>>, vector<1x16xf32>,
          %parallel_loop3A_169 = arith.index_cast %parallel_loop3A_98 : i32 to index
          %parallel_loop3A_170 = arith.constant 80 : index
          %parallel_loop3A_171 = tpu.vector_load %arg12[%parallel_loop3A_169, %parallel_loop3A_170] {strides = array<i32>} : memref<80x128xf32, #tpu.memory_space<vmem>>, vector<1x16xf32>,
          %parallel_loop3A_172 = vector.shape_cast %parallel_loop3A_171 : vector<1x16xf32> to vector<16xf32>
          %parallel_loop3A_173 = arith.index_cast %parallel_loop3A_98 : i32 to index
          %parallel_loop3A_174 = arith.constant 80 : index
          %parallel_loop3A_175 = tpu.vector_load %arg13[%parallel_loop3A_173, %parallel_loop3A_174] {strides = array<i32>} : memref<80x128xf32, #tpu.memory_space<vmem>>, vector<1x16xf32>,
          %parallel_loop3A_176 = vector.shape_cast %parallel_loop3A_175 : vector<1x16xf32> to vector<16xf32>
          %parallel_loop3A_177 = arith.mulf %parallel_loop3A_172, %parallel_loop3A_176 : vector<16xf32>
          %parallel_loop3A_178 = arith.index_cast %parallel_loop3A_98 : i32 to index
          %parallel_loop3A_179 = arith.constant 80 : index
          %parallel_loop3A_180 = tpu.vector_load %arg12[%parallel_loop3A_178, %parallel_loop3A_179] {strides = array<i32>} : memref<80x128xf32, #tpu.memory_space<vmem>>, vector<1x16xf32>,
          %parallel_loop3A_181 = vector.shape_cast %parallel_loop3A_180 : vector<1x16xf32> to vector<16xf32>
          %parallel_loop3A_182 = vector.shape_cast %parallel_loop3A_177 : vector<16xf32> to vector<1x16xf32>
          tpu.vector_store %arg12[%parallel_loop3A_178, %parallel_loop3A_179], %parallel_loop3A_182 {strides = array<i32>} : memref<80x128xf32, #tpu.memory_space<vmem>>, vector<1x16xf32>,
          %parallel_loop3A_183 = arith.index_cast %parallel_loop3A_98 : i32 to index
          %parallel_loop3A_184 = arith.constant 96 : index
          %parallel_loop3A_185 = tpu.vector_load %arg12[%parallel_loop3A_183, %parallel_loop3A_184] {strides = array<i32>} : memref<80x128xf32, #tpu.memory_space<vmem>>, vector<1x16xf32>,
          %parallel_loop3A_186 = vector.shape_cast %parallel_loop3A_185 : vector<1x16xf32> to vector<16xf32>
          %parallel_loop3A_187 = arith.index_cast %parallel_loop3A_98 : i32 to index
          %parallel_loop3A_188 = arith.constant 96 : index
          %parallel_loop3A_189 = tpu.vector_load %arg13[%parallel_loop3A_187, %parallel_loop3A_188] {strides = array<i32>} : memref<80x128xf32, #tpu.memory_space<vmem>>, vector<1x16xf32>,
          %parallel_loop3A_190 = vector.shape_cast %parallel_loop3A_189 : vector<1x16xf32> to vector<16xf32>
          %parallel_loop3A_191 = arith.mulf %parallel_loop3A_186, %parallel_loop3A_190 : vector<16xf32>
          %parallel_loop3A_192 = arith.index_cast %parallel_loop3A_98 : i32 to index
          %parallel_loop3A_193 = arith.constant 96 : index
          %parallel_loop3A_194 = tpu.vector_load %arg12[%parallel_loop3A_192, %parallel_loop3A_193] {strides = array<i32>} : memref<80x128xf32, #tpu.memory_space<vmem>>, vector<1x16xf32>,
          %parallel_loop3A_195 = vector.shape_cast %parallel_loop3A_194 : vector<1x16xf32> to vector<16xf32>
          %parallel_loop3A_196 = vector.shape_cast %parallel_loop3A_191 : vector<16xf32> to vector<1x16xf32>
          tpu.vector_store %arg12[%parallel_loop3A_192, %parallel_loop3A_193], %parallel_loop3A_196 {strides = array<i32>} : memref<80x128xf32, #tpu.memory_space<vmem>>, vector<1x16xf32>,
          %parallel_loop3A_197 = arith.index_cast %parallel_loop3A_98 : i32 to index
          %parallel_loop3A_198 = arith.constant 112 : index
          %parallel_loop3A_199 = tpu.vector_load %arg12[%parallel_loop3A_197, %parallel_loop3A_198] {strides = array<i32>} : memref<80x128xf32, #tpu.memory_space<vmem>>, vector<1x16xf32>,
          %parallel_loop3A_200 = vector.shape_cast %parallel_loop3A_199 : vector<1x16xf32> to vector<16xf32>
          %parallel_loop3A_201 = arith.index_cast %parallel_loop3A_98 : i32 to index
          %parallel_loop3A_202 = arith.constant 112 : index
          %parallel_loop3A_203 = tpu.vector_load %arg13[%parallel_loop3A_201, %parallel_loop3A_202] {strides = array<i32>} : memref<80x128xf32, #tpu.memory_space<vmem>>, vector<1x16xf32>,
          %parallel_loop3A_204 = vector.shape_cast %parallel_loop3A_203 : vector<1x16xf32> to vector<16xf32>
          %parallel_loop3A_205 = arith.mulf %parallel_loop3A_200, %parallel_loop3A_204 : vector<16xf32>
          %parallel_loop3A_206 = arith.index_cast %parallel_loop3A_98 : i32 to index
          %parallel_loop3A_207 = arith.constant 112 : index
          %parallel_loop3A_208 = tpu.vector_load %arg12[%parallel_loop3A_206, %parallel_loop3A_207] {strides = array<i32>} : memref<80x128xf32, #tpu.memory_space<vmem>>, vector<1x16xf32>,
          %parallel_loop3A_209 = vector.shape_cast %parallel_loop3A_208 : vector<1x16xf32> to vector<16xf32>
          %parallel_loop3A_210 = vector.shape_cast %parallel_loop3A_205 : vector<16xf32> to vector<1x16xf32>
          tpu.vector_store %arg12[%parallel_loop3A_206, %parallel_loop3A_207], %parallel_loop3A_210 {strides = array<i32>} : memref<80x128xf32, #tpu.memory_space<vmem>>, vector<1x16xf32>,
        } {sc.loop_unroll_factor = 4 : i64, sc.parallel_access}
      } else {
      }
      %dma_start3A_67 = arith.constant 0 : i32
      %dma_start3A_68 = arith.constant 0 : i32
      %dma_start3A_69 = tpu.memref_slice %arg9[%dma_start3A_67, %dma_start3A_68] : memref<10112x128xf32, #tpu.memory_space<vmem_shared>> -> memref<10112x128xf32, #tpu.memory_space<vmem_shared>>
      tpu.enqueue_indirect_dma source(%arg12 : memref<80x128xf32, #tpu.memory_space<vmem>>) target(%dma_start3A_69 : memref<10112x128xf32, #tpu.memory_space<vmem_shared>>) offsets(%arg10 : memref<80xi32, #tpu.memory_space<vmem>>) semaphore(%arg15 : memref<!tpu.dma_semaphore, #tpu.memory_space<semaphore_mem>>) {add = true}
      %lt3A = arith.constant 124 : i32
      %lt3A_70 = arith.cmpi slt, %scan3A_30, %lt3A : i32
      %convert_element_type3A_71 = arith.extui %lt3A_70 : i1 to i32
      %cond3A_72 = arith.constant 0 : i32
      %cond3A_73 = arith.cmpi ne, %convert_element_type3A_71, %cond3A_72 : i32
      scf.if %cond3A_73 {
        %dma_wait3A_93 = arith.constant 0 : i32
        %dma_wait3A_94 = arith.constant 0 : i32
        %dma_wait3A_95 = tpu.memref_slice %arg9[%dma_wait3A_93, %dma_wait3A_94] : memref<10112x128xf32, #tpu.memory_space<vmem_shared>> -> memref<10112x128xf32, #tpu.memory_space<vmem_shared>>
        tpu.wait_indirect_dma semaphore(%arg15 : memref<!tpu.dma_semaphore, #tpu.memory_space<semaphore_mem>>) src(%arg12 : memref<80x128xf32, #tpu.memory_space<vmem>>) dst(%dma_wait3A_95 : memref<10112x128xf32, #tpu.memory_space<vmem_shared>>)
        %add3A_96 = arith.constant 2 : i32
        %add3A_97 = arith.addi %mul3A_32, %add3A_96 : i32
        %mul3A_98 = arith.constant 20000 : i32
        %mul3A_99 = arith.muli %arg1, %mul3A_98 : i32
        %mul3A_100 = arith.constant 80 : i32
        %mul3A_101 = arith.muli %add3A_97, %mul3A_100 : i32
        %add3A_102 = arith.addi %mul3A_99, %mul3A_101 : i32
        "tpu.region"() ({
          %run_scoped3A = tpu.sem_alloc : memref<!tpu.dma_semaphore, #tpu.memory_space<semaphore_mem>>
          %dma_start3A_112 = tpu.memref_slice %arg3[%add3A_102] : memref<320000xi32, #tpu.memory_space<hbm>> -> memref<80xi32, #tpu.memory_space<hbm>>
          %dma_start3A_113 = tpu.memref_slice %arg3[%add3A_102] : memref<320000xi32, #tpu.memory_space<hbm>> -> memref<80xi32, #tpu.memory_space<hbm>>
          tpu.enqueue_dma source(%dma_start3A_113 : memref<80xi32, #tpu.memory_space<hbm>>) target(%arg10 : memref<80xi32, #tpu.memory_space<vmem>>) target_semaphore(%run_scoped3A : memref<!tpu.dma_semaphore, #tpu.memory_space<semaphore_mem>>)
          %dma_wait3A_114 = tpu.memref_slice %arg3[%add3A_102] : memref<320000xi32, #tpu.memory_space<hbm>> -> memref<80xi32, #tpu.memory_space<hbm>>
          %dma_wait3A_115 = tpu.memref_slice %arg3[%add3A_102] : memref<320000xi32, #tpu.memory_space<hbm>> -> memref<80xi32, #tpu.memory_space<hbm>>
          tpu.wait_dma2 semaphore(%run_scoped3A : memref<!tpu.dma_semaphore, #tpu.memory_space<semaphore_mem>>) src(%dma_wait3A_115 : memref<80xi32, #tpu.memory_space<hbm>>) dst(%arg10 : memref<80xi32, #tpu.memory_space<vmem>>)
          tpu.yield
        }) : () -> ()
        %dma_start3A_103 = arith.constant 0 : i32
        %dma_start3A_104 = tpu.memref_slice %arg4[%add3A_102, %dma_start3A_103] : memref<320000x128xf32, #tpu.memory_space<hbm>> -> memref<80x128xf32, #tpu.memory_space<hbm>>
        %dma_start3A_105 = arith.constant 0 : i32
        %dma_start3A_106 = tpu.memref_slice %arg4[%add3A_102, %dma_start3A_105] : memref<320000x128xf32, #tpu.memory_space<hbm>> -> memref<80x128xf32, #tpu.memory_space<hbm>>
        tpu.enqueue_dma source(%dma_start3A_106 : memref<80x128xf32, #tpu.memory_space<hbm>>) target(%arg12 : memref<80x128xf32, #tpu.memory_space<vmem>>) target_semaphore(%arg14 : memref<!tpu.dma_semaphore, #tpu.memory_space<semaphore_mem>>)
        %eq3A_107 = arith.constant 0 : i32
        %eq3A_108 = arith.cmpi eq, %arg0, %eq3A_107 : i32
        %convert_element_type3A_109 = arith.extui %eq3A_108 : i1 to i32
        %cond3A_110 = arith.constant 0 : i32
        %cond3A_111 = arith.cmpi ne, %convert_element_type3A_109, %cond3A_110 : i32
        scf.if %cond3A_111 {
          "tpu.region"() ({
            %run_scoped3A = tpu.sem_alloc : memref<!tpu.dma_semaphore, #tpu.memory_space<semaphore_mem>>
            %dma_start3A_115 = tpu.memref_slice %arg2[%add3A_102] : memref<320000xi32, #tpu.memory_space<hbm>> -> memref<80xi32, #tpu.memory_space<hbm>>
            %dma_start3A_116 = tpu.memref_slice %arg2[%add3A_102] : memref<320000xi32, #tpu.memory_space<hbm>> -> memref<80xi32, #tpu.memory_space<hbm>>
            tpu.enqueue_dma source(%dma_start3A_116 : memref<80xi32, #tpu.memory_space<hbm>>) target(%arg11 : memref<80xi32, #tpu.memory_space<vmem>>) target_semaphore(%run_scoped3A : memref<!tpu.dma_semaphore, #tpu.memory_space<semaphore_mem>>)
            %dma_wait3A_117 = tpu.memref_slice %arg2[%add3A_102] : memref<320000xi32, #tpu.memory_space<hbm>> -> memref<80xi32, #tpu.memory_space<hbm>>
            %dma_wait3A_118 = tpu.memref_slice %arg2[%add3A_102] : memref<320000xi32, #tpu.memory_space<hbm>> -> memref<80xi32, #tpu.memory_space<hbm>>
            tpu.wait_dma2 semaphore(%run_scoped3A : memref<!tpu.dma_semaphore, #tpu.memory_space<semaphore_mem>>) src(%dma_wait3A_118 : memref<80xi32, #tpu.memory_space<hbm>>) dst(%arg11 : memref<80xi32, #tpu.memory_space<vmem>>)
            tpu.yield
          }) : () -> ()
          %dma_start3A_112 = arith.constant 0 : i32
          %dma_start3A_113 = arith.constant 0 : i32
          %dma_start3A_114 = tpu.memref_slice %arg5[%dma_start3A_112, %dma_start3A_113] : memref<10000x128xf32, #tpu.memory_space<hbm>> -> memref<10000x128xf32, #tpu.memory_space<hbm>>
          tpu.enqueue_indirect_dma source(%dma_start3A_114 : memref<10000x128xf32, #tpu.memory_space<hbm>>) target(%arg13 : memref<80x128xf32, #tpu.memory_space<vmem>>) offsets(%arg11 : memref<80xi32, #tpu.memory_space<vmem>>) semaphore(%arg14 : memref<!tpu.dma_semaphore, #tpu.memory_space<semaphore_mem>>)
        } else {
        }
      } else {
      }
      %add3A_74 = arith.constant 1 : i32
      %add3A_75 = arith.addi %mul3A_32, %add3A_74 : i32
      %mul3A_76 = arith.constant 20000 : i32
      %mul3A_77 = arith.muli %arg1, %mul3A_76 : i32
      %mul3A_78 = arith.constant 80 : i32
      %mul3A_79 = arith.muli %add3A_75, %mul3A_78 : i32
      %add3A_80 = arith.addi %mul3A_77, %mul3A_79 : i32
      %dma_wait3A_81 = arith.constant 0 : i32
      %dma_wait3A_82 = tpu.memref_slice %arg4[%add3A_80, %dma_wait3A_81] : memref<320000x128xf32, #tpu.memory_space<hbm>> -> memref<80x128xf32, #tpu.memory_space<hbm>>
      %dma_wait3A_83 = arith.constant 0 : i32
      %dma_wait3A_84 = tpu.memref_slice %arg4[%add3A_80, %dma_wait3A_83] : memref<320000x128xf32, #tpu.memory_space<hbm>> -> memref<80x128xf32, #tpu.memory_space<hbm>>
      tpu.wait_dma2 semaphore(%arg20 : memref<!tpu.dma_semaphore, #tpu.memory_space<semaphore_mem>>) src(%dma_wait3A_84 : memref<80x128xf32, #tpu.memory_space<hbm>>) dst(%arg18 : memref<80x128xf32, #tpu.memory_space<vmem>>)
      %eq3A_85 = arith.constant 0 : i32
      %eq3A_86 = arith.cmpi eq, %arg0, %eq3A_85 : i32
      %convert_element_type3A_87 = arith.extui %eq3A_86 : i1 to i32
      %cond3A_88 = arith.constant 0 : i32
      %cond3A_89 = arith.cmpi ne, %convert_element_type3A_87, %cond3A_88 : i32
      scf.if %cond3A_89 {
        %dma_wait3A_93 = arith.constant 0 : i32
        %dma_wait3A_94 = arith.constant 0 : i32
        %dma_wait3A_95 = tpu.memref_slice %arg5[%dma_wait3A_93, %dma_wait3A_94] : memref<10000x128xf32, #tpu.memory_space<hbm>> -> memref<10000x128xf32, #tpu.memory_space<hbm>>
        tpu.wait_indirect_dma semaphore(%arg20 : memref<!tpu.dma_semaphore, #tpu.memory_space<semaphore_mem>>) src(%dma_wait3A_95 : memref<10000x128xf32, #tpu.memory_space<hbm>>) dst(%arg19 : memref<80x128xf32, #tpu.memory_space<vmem>>)
        %parallel_loop3A = arith.constant 0 : i32
        %parallel_loop3A_96 = arith.constant 80 : i32
        %parallel_loop3A_97 = arith.constant 1 : i32
        scf.for %parallel_loop3A_98 = %parallel_loop3A to %parallel_loop3A_96 step %parallel_loop3A_97  : i32 {
          %parallel_loop3A_99 = arith.index_cast %parallel_loop3A_98 : i32 to index
          %parallel_loop3A_100 = arith.constant 0 : index
          %parallel_loop3A_101 = tpu.vector_load %arg18[%parallel_loop3A_99, %parallel_loop3A_100] {strides = array<i32>} : memref<80x128xf32, #tpu.memory_space<vmem>>, vector<1x16xf32>,
          %parallel_loop3A_102 = vector.shape_cast %parallel_loop3A_101 : vector<1x16xf32> to vector<16xf32>
          %parallel_loop3A_103 = arith.index_cast %parallel_loop3A_98 : i32 to index
          %parallel_loop3A_104 = arith.constant 0 : index
          %parallel_loop3A_105 = tpu.vector_load %arg19[%parallel_loop3A_103, %parallel_loop3A_104] {strides = array<i32>} : memref<80x128xf32, #tpu.memory_space<vmem>>, vector<1x16xf32>,
          %parallel_loop3A_106 = vector.shape_cast %parallel_loop3A_105 : vector<1x16xf32> to vector<16xf32>
          %parallel_loop3A_107 = arith.mulf %parallel_loop3A_102, %parallel_loop3A_106 : vector<16xf32>
          %parallel_loop3A_108 = arith.index_cast %parallel_loop3A_98 : i32 to index
          %parallel_loop3A_109 = arith.constant 0 : index
          %parallel_loop3A_110 = tpu.vector_load %arg18[%parallel_loop3A_108, %parallel_loop3A_109] {strides = array<i32>} : memref<80x128xf32, #tpu.memory_space<vmem>>, vector<1x16xf32>,
          %parallel_loop3A_111 = vector.shape_cast %parallel_loop3A_110 : vector<1x16xf32> to vector<16xf32>
          %parallel_loop3A_112 = vector.shape_cast %parallel_loop3A_107 : vector<16xf32> to vector<1x16xf32>
          tpu.vector_store %arg18[%parallel_loop3A_108, %parallel_loop3A_109], %parallel_loop3A_112 {strides = array<i32>} : memref<80x128xf32, #tpu.memory_space<vmem>>, vector<1x16xf32>,
          %parallel_loop3A_113 = arith.index_cast %parallel_loop3A_98 : i32 to index
          %parallel_loop3A_114 = arith.constant 16 : index
          %parallel_loop3A_115 = tpu.vector_load %arg18[%parallel_loop3A_113, %parallel_loop3A_114] {strides = array<i32>} : memref<80x128xf32, #tpu.memory_space<vmem>>, vector<1x16xf32>,
          %parallel_loop3A_116 = vector.shape_cast %parallel_loop3A_115 : vector<1x16xf32> to vector<16xf32>
          %parallel_loop3A_117 = arith.index_cast %parallel_loop3A_98 : i32 to index
          %parallel_loop3A_118 = arith.constant 16 : index
          %parallel_loop3A_119 = tpu.vector_load %arg19[%parallel_loop3A_117, %parallel_loop3A_118] {strides = array<i32>} : memref<80x128xf32, #tpu.memory_space<vmem>>, vector<1x16xf32>,
          %parallel_loop3A_120 = vector.shape_cast %parallel_loop3A_119 : vector<1x16xf32> to vector<16xf32>
          %parallel_loop3A_121 = arith.mulf %parallel_loop3A_116, %parallel_loop3A_120 : vector<16xf32>
          %parallel_loop3A_122 = arith.index_cast %parallel_loop3A_98 : i32 to index
          %parallel_loop3A_123 = arith.constant 16 : index
          %parallel_loop3A_124 = tpu.vector_load %arg18[%parallel_loop3A_122, %parallel_loop3A_123] {strides = array<i32>} : memref<80x128xf32, #tpu.memory_space<vmem>>, vector<1x16xf32>,
          %parallel_loop3A_125 = vector.shape_cast %parallel_loop3A_124 : vector<1x16xf32> to vector<16xf32>
          %parallel_loop3A_126 = vector.shape_cast %parallel_loop3A_121 : vector<16xf32> to vector<1x16xf32>
          tpu.vector_store %arg18[%parallel_loop3A_122, %parallel_loop3A_123], %parallel_loop3A_126 {strides = array<i32>} : memref<80x128xf32, #tpu.memory_space<vmem>>, vector<1x16xf32>,
          %parallel_loop3A_127 = arith.index_cast %parallel_loop3A_98 : i32 to index
          %parallel_loop3A_128 = arith.constant 32 : index
          %parallel_loop3A_129 = tpu.vector_load %arg18[%parallel_loop3A_127, %parallel_loop3A_128] {strides = array<i32>} : memref<80x128xf32, #tpu.memory_space<vmem>>, vector<1x16xf32>,
          %parallel_loop3A_130 = vector.shape_cast %parallel_loop3A_129 : vector<1x16xf32> to vector<16xf32>
          %parallel_loop3A_131 = arith.index_cast %parallel_loop3A_98 : i32 to index
          %parallel_loop3A_132 = arith.constant 32 : index
          %parallel_loop3A_133 = tpu.vector_load %arg19[%parallel_loop3A_131, %parallel_loop3A_132] {strides = array<i32>} : memref<80x128xf32, #tpu.memory_space<vmem>>, vector<1x16xf32>,
          %parallel_loop3A_134 = vector.shape_cast %parallel_loop3A_133 : vector<1x16xf32> to vector<16xf32>
          %parallel_loop3A_135 = arith.mulf %parallel_loop3A_130, %parallel_loop3A_134 : vector<16xf32>
          %parallel_loop3A_136 = arith.index_cast %parallel_loop3A_98 : i32 to index
          %parallel_loop3A_137 = arith.constant 32 : index
          %parallel_loop3A_138 = tpu.vector_load %arg18[%parallel_loop3A_136, %parallel_loop3A_137] {strides = array<i32>} : memref<80x128xf32, #tpu.memory_space<vmem>>, vector<1x16xf32>,
          %parallel_loop3A_139 = vector.shape_cast %parallel_loop3A_138 : vector<1x16xf32> to vector<16xf32>
          %parallel_loop3A_140 = vector.shape_cast %parallel_loop3A_135 : vector<16xf32> to vector<1x16xf32>
          tpu.vector_store %arg18[%parallel_loop3A_136, %parallel_loop3A_137], %parallel_loop3A_140 {strides = array<i32>} : memref<80x128xf32, #tpu.memory_space<vmem>>, vector<1x16xf32>,
          %parallel_loop3A_141 = arith.index_cast %parallel_loop3A_98 : i32 to index
          %parallel_loop3A_142 = arith.constant 48 : index
          %parallel_loop3A_143 = tpu.vector_load %arg18[%parallel_loop3A_141, %parallel_loop3A_142] {strides = array<i32>} : memref<80x128xf32, #tpu.memory_space<vmem>>, vector<1x16xf32>,
          %parallel_loop3A_144 = vector.shape_cast %parallel_loop3A_143 : vector<1x16xf32> to vector<16xf32>
          %parallel_loop3A_145 = arith.index_cast %parallel_loop3A_98 : i32 to index
          %parallel_loop3A_146 = arith.constant 48 : index
          %parallel_loop3A_147 = tpu.vector_load %arg19[%parallel_loop3A_145, %parallel_loop3A_146] {strides = array<i32>} : memref<80x128xf32, #tpu.memory_space<vmem>>, vector<1x16xf32>,
          %parallel_loop3A_148 = vector.shape_cast %parallel_loop3A_147 : vector<1x16xf32> to vector<16xf32>
          %parallel_loop3A_149 = arith.mulf %parallel_loop3A_144, %parallel_loop3A_148 : vector<16xf32>
          %parallel_loop3A_150 = arith.index_cast %parallel_loop3A_98 : i32 to index
          %parallel_loop3A_151 = arith.constant 48 : index
          %parallel_loop3A_152 = tpu.vector_load %arg18[%parallel_loop3A_150, %parallel_loop3A_151] {strides = array<i32>} : memref<80x128xf32, #tpu.memory_space<vmem>>, vector<1x16xf32>,
          %parallel_loop3A_153 = vector.shape_cast %parallel_loop3A_152 : vector<1x16xf32> to vector<16xf32>
          %parallel_loop3A_154 = vector.shape_cast %parallel_loop3A_149 : vector<16xf32> to vector<1x16xf32>
          tpu.vector_store %arg18[%parallel_loop3A_150, %parallel_loop3A_151], %parallel_loop3A_154 {strides = array<i32>} : memref<80x128xf32, #tpu.memory_space<vmem>>, vector<1x16xf32>,
          %parallel_loop3A_155 = arith.index_cast %parallel_loop3A_98 : i32 to index
          %parallel_loop3A_156 = arith.constant 64 : index
          %parallel_loop3A_157 = tpu.vector_load %arg18[%parallel_loop3A_155, %parallel_loop3A_156] {strides = array<i32>} : memref<80x128xf32, #tpu.memory_space<vmem>>, vector<1x16xf32>,
          %parallel_loop3A_158 = vector.shape_cast %parallel_loop3A_157 : vector<1x16xf32> to vector<16xf32>
          %parallel_loop3A_159 = arith.index_cast %parallel_loop3A_98 : i32 to index
          %parallel_loop3A_160 = arith.constant 64 : index
          %parallel_loop3A_161 = tpu.vector_load %arg19[%parallel_loop3A_159, %parallel_loop3A_160] {strides = array<i32>} : memref<80x128xf32, #tpu.memory_space<vmem>>, vector<1x16xf32>,
          %parallel_loop3A_162 = vector.shape_cast %parallel_loop3A_161 : vector<1x16xf32> to vector<16xf32>
          %parallel_loop3A_163 = arith.mulf %parallel_loop3A_158, %parallel_loop3A_162 : vector<16xf32>
          %parallel_loop3A_164 = arith.index_cast %parallel_loop3A_98 : i32 to index
          %parallel_loop3A_165 = arith.constant 64 : index
          %parallel_loop3A_166 = tpu.vector_load %arg18[%parallel_loop3A_164, %parallel_loop3A_165] {strides = array<i32>} : memref<80x128xf32, #tpu.memory_space<vmem>>, vector<1x16xf32>,
          %parallel_loop3A_167 = vector.shape_cast %parallel_loop3A_166 : vector<1x16xf32> to vector<16xf32>
          %parallel_loop3A_168 = vector.shape_cast %parallel_loop3A_163 : vector<16xf32> to vector<1x16xf32>
          tpu.vector_store %arg18[%parallel_loop3A_164, %parallel_loop3A_165], %parallel_loop3A_168 {strides = array<i32>} : memref<80x128xf32, #tpu.memory_space<vmem>>, vector<1x16xf32>,
          %parallel_loop3A_169 = arith.index_cast %parallel_loop3A_98 : i32 to index
          %parallel_loop3A_170 = arith.constant 80 : index
          %parallel_loop3A_171 = tpu.vector_load %arg18[%parallel_loop3A_169, %parallel_loop3A_170] {strides = array<i32>} : memref<80x128xf32, #tpu.memory_space<vmem>>, vector<1x16xf32>,
          %parallel_loop3A_172 = vector.shape_cast %parallel_loop3A_171 : vector<1x16xf32> to vector<16xf32>
          %parallel_loop3A_173 = arith.index_cast %parallel_loop3A_98 : i32 to index
          %parallel_loop3A_174 = arith.constant 80 : index
          %parallel_loop3A_175 = tpu.vector_load %arg19[%parallel_loop3A_173, %parallel_loop3A_174] {strides = array<i32>} : memref<80x128xf32, #tpu.memory_space<vmem>>, vector<1x16xf32>,
          %parallel_loop3A_176 = vector.shape_cast %parallel_loop3A_175 : vector<1x16xf32> to vector<16xf32>
          %parallel_loop3A_177 = arith.mulf %parallel_loop3A_172, %parallel_loop3A_176 : vector<16xf32>
          %parallel_loop3A_178 = arith.index_cast %parallel_loop3A_98 : i32 to index
          %parallel_loop3A_179 = arith.constant 80 : index
          %parallel_loop3A_180 = tpu.vector_load %arg18[%parallel_loop3A_178, %parallel_loop3A_179] {strides = array<i32>} : memref<80x128xf32, #tpu.memory_space<vmem>>, vector<1x16xf32>,
          %parallel_loop3A_181 = vector.shape_cast %parallel_loop3A_180 : vector<1x16xf32> to vector<16xf32>
          %parallel_loop3A_182 = vector.shape_cast %parallel_loop3A_177 : vector<16xf32> to vector<1x16xf32>
          tpu.vector_store %arg18[%parallel_loop3A_178, %parallel_loop3A_179], %parallel_loop3A_182 {strides = array<i32>} : memref<80x128xf32, #tpu.memory_space<vmem>>, vector<1x16xf32>,
          %parallel_loop3A_183 = arith.index_cast %parallel_loop3A_98 : i32 to index
          %parallel_loop3A_184 = arith.constant 96 : index
          %parallel_loop3A_185 = tpu.vector_load %arg18[%parallel_loop3A_183, %parallel_loop3A_184] {strides = array<i32>} : memref<80x128xf32, #tpu.memory_space<vmem>>, vector<1x16xf32>,
          %parallel_loop3A_186 = vector.shape_cast %parallel_loop3A_185 : vector<1x16xf32> to vector<16xf32>
          %parallel_loop3A_187 = arith.index_cast %parallel_loop3A_98 : i32 to index
          %parallel_loop3A_188 = arith.constant 96 : index
          %parallel_loop3A_189 = tpu.vector_load %arg19[%parallel_loop3A_187, %parallel_loop3A_188] {strides = array<i32>} : memref<80x128xf32, #tpu.memory_space<vmem>>, vector<1x16xf32>,
          %parallel_loop3A_190 = vector.shape_cast %parallel_loop3A_189 : vector<1x16xf32> to vector<16xf32>
          %parallel_loop3A_191 = arith.mulf %parallel_loop3A_186, %parallel_loop3A_190 : vector<16xf32>
          %parallel_loop3A_192 = arith.index_cast %parallel_loop3A_98 : i32 to index
          %parallel_loop3A_193 = arith.constant 96 : index
          %parallel_loop3A_194 = tpu.vector_load %arg18[%parallel_loop3A_192, %parallel_loop3A_193] {strides = array<i32>} : memref<80x128xf32, #tpu.memory_space<vmem>>, vector<1x16xf32>,
          %parallel_loop3A_195 = vector.shape_cast %parallel_loop3A_194 : vector<1x16xf32> to vector<16xf32>
          %parallel_loop3A_196 = vector.shape_cast %parallel_loop3A_191 : vector<16xf32> to vector<1x16xf32>
          tpu.vector_store %arg18[%parallel_loop3A_192, %parallel_loop3A_193], %parallel_loop3A_196 {strides = array<i32>} : memref<80x128xf32, #tpu.memory_space<vmem>>, vector<1x16xf32>,
          %parallel_loop3A_197 = arith.index_cast %parallel_loop3A_98 : i32 to index
          %parallel_loop3A_198 = arith.constant 112 : index
          %parallel_loop3A_199 = tpu.vector_load %arg18[%parallel_loop3A_197, %parallel_loop3A_198] {strides = array<i32>} : memref<80x128xf32, #tpu.memory_space<vmem>>, vector<1x16xf32>,
          %parallel_loop3A_200 = vector.shape_cast %parallel_loop3A_199 : vector<1x16xf32> to vector<16xf32>
          %parallel_loop3A_201 = arith.index_cast %parallel_loop3A_98 : i32 to index
          %parallel_loop3A_202 = arith.constant 112 : index
          %parallel_loop3A_203 = tpu.vector_load %arg19[%parallel_loop3A_201, %parallel_loop3A_202] {strides = array<i32>} : memref<80x128xf32, #tpu.memory_space<vmem>>, vector<1x16xf32>,
          %parallel_loop3A_204 = vector.shape_cast %parallel_loop3A_203 : vector<1x16xf32> to vector<16xf32>
          %parallel_loop3A_205 = arith.mulf %parallel_loop3A_200, %parallel_loop3A_204 : vector<16xf32>
          %parallel_loop3A_206 = arith.index_cast %parallel_loop3A_98 : i32 to index
          %parallel_loop3A_207 = arith.constant 112 : index
          %parallel_loop3A_208 = tpu.vector_load %arg18[%parallel_loop3A_206, %parallel_loop3A_207] {strides = array<i32>} : memref<80x128xf32, #tpu.memory_space<vmem>>, vector<1x16xf32>,
          %parallel_loop3A_209 = vector.shape_cast %parallel_loop3A_208 : vector<1x16xf32> to vector<16xf32>
          %parallel_loop3A_210 = vector.shape_cast %parallel_loop3A_205 : vector<16xf32> to vector<1x16xf32>
          tpu.vector_store %arg18[%parallel_loop3A_206, %parallel_loop3A_207], %parallel_loop3A_210 {strides = array<i32>} : memref<80x128xf32, #tpu.memory_space<vmem>>, vector<1x16xf32>,
        } {sc.loop_unroll_factor = 4 : i64, sc.parallel_access}
      } else {
      }
      %dma_start3A_90 = arith.constant 0 : i32
      %dma_start3A_91 = arith.constant 0 : i32
      %dma_start3A_92 = tpu.memref_slice %arg9[%dma_start3A_90, %dma_start3A_91] : memref<10112x128xf32, #tpu.memory_space<vmem_shared>> -> memref<10112x128xf32, #tpu.memory_space<vmem_shared>>
      tpu.enqueue_indirect_dma source(%arg18 : memref<80x128xf32, #tpu.memory_space<vmem>>) target(%dma_start3A_92 : memref<10112x128xf32, #tpu.memory_space<vmem_shared>>) offsets(%arg16 : memref<80xi32, #tpu.memory_space<vmem>>) semaphore(%arg21 : memref<!tpu.dma_semaphore, #tpu.memory_space<semaphore_mem>>) {add = true}
    }
    %scan3A_13 = arith.constant 125 : i32
    %dma_wait3A = arith.constant 0 : i32
    %dma_wait3A_14 = arith.constant 0 : i32
    %dma_wait3A_15 = tpu.memref_slice %arg9[%dma_wait3A, %dma_wait3A_14] : memref<10112x128xf32, #tpu.memory_space<vmem_shared>> -> memref<10112x128xf32, #tpu.memory_space<vmem_shared>>
    tpu.wait_indirect_dma semaphore(%arg15 : memref<!tpu.dma_semaphore, #tpu.memory_space<semaphore_mem>>) src(%arg12 : memref<80x128xf32, #tpu.memory_space<vmem>>) dst(%dma_wait3A_15 : memref<10112x128xf32, #tpu.memory_space<vmem_shared>>)
    %dma_wait3A_16 = arith.constant 0 : i32
    %dma_wait3A_17 = arith.constant 0 : i32
    %dma_wait3A_18 = tpu.memref_slice %arg9[%dma_wait3A_16, %dma_wait3A_17] : memref<10112x128xf32, #tpu.memory_space<vmem_shared>> -> memref<10112x128xf32, #tpu.memory_space<vmem_shared>>
    tpu.wait_indirect_dma semaphore(%arg21 : memref<!tpu.dma_semaphore, #tpu.memory_space<semaphore_mem>>) src(%arg18 : memref<80x128xf32, #tpu.memory_space<vmem>>) dst(%dma_wait3A_18 : memref<10112x128xf32, #tpu.memory_space<vmem_shared>>)
    %barrier3A_19 = arith.constant 0 : index
    tpu.barrier barrier_id(%barrier3A_19)
    %eq3A_20 = arith.constant 0 : i32
    %eq3A_21 = arith.cmpi eq, %arg0, %eq3A_20 : i32
    %convert_element_type3A_22 = arith.extui %eq3A_21 : i1 to i32
    %cond3A_23 = arith.constant 0 : i32
    %cond3A_24 = arith.cmpi ne, %convert_element_type3A_22, %cond3A_23 : i32
    scf.if %cond3A_24 {
      "tpu.region"() ({
        %run_scoped3A = tpu.sem_alloc : memref<!tpu.dma_semaphore, #tpu.memory_space<semaphore_mem>>
        %dma_start3A_30 = arith.constant 0 : i32
        %dma_start3A_31 = tpu.memref_slice %arg7[%mul3A_0, %dma_start3A_30] : memref<10112x128xf32, #tpu.memory_space<hbm>> -> memref<632x128xf32, #tpu.memory_space<hbm>>
        %dma_start3A_32 = arith.constant 0 : i32
        %dma_start3A_33 = tpu.memref_slice %arg9[%mul3A_0, %dma_start3A_32] : memref<10112x128xf32, #tpu.memory_space<vmem_shared>> -> memref<632x128xf32, #tpu.memory_space<vmem_shared>>
        tpu.enqueue_dma source(%dma_start3A_33 : memref<632x128xf32, #tpu.memory_space<vmem_shared>>) target(%dma_start3A_31 : memref<632x128xf32, #tpu.memory_space<hbm>>) target_semaphore(%run_scoped3A : memref<!tpu.dma_semaphore, #tpu.memory_space<semaphore_mem>>)
        %dma_wait3A_34 = arith.constant 0 : i32
        %dma_wait3A_35 = tpu.memref_slice %arg7[%mul3A_0, %dma_wait3A_34] : memref<10112x128xf32, #tpu.memory_space<hbm>> -> memref<632x128xf32, #tpu.memory_space<hbm>>
        %dma_wait3A_36 = arith.constant 0 : i32
        %dma_wait3A_37 = tpu.memref_slice %arg9[%mul3A_0, %dma_wait3A_36] : memref<10112x128xf32, #tpu.memory_space<vmem_shared>> -> memref<632x128xf32, #tpu.memory_space<vmem_shared>>
        tpu.wait_dma2 semaphore(%run_scoped3A : memref<!tpu.dma_semaphore, #tpu.memory_space<semaphore_mem>>) src(%dma_wait3A_37 : memref<632x128xf32, #tpu.memory_space<vmem_shared>>) dst(%dma_wait3A_35 : memref<632x128xf32, #tpu.memory_space<hbm>>)
        tpu.yield
      }) : () -> ()
    } else {
    }
    %eq3A_25 = arith.constant 1 : i32
    %eq3A_26 = arith.cmpi eq, %arg0, %eq3A_25 : i32
    %convert_element_type3A_27 = arith.extui %eq3A_26 : i1 to i32
    %cond3A_28 = arith.constant 0 : i32
    %cond3A_29 = arith.cmpi ne, %convert_element_type3A_27, %cond3A_28 : i32
    scf.if %cond3A_29 {
      "tpu.region"() ({
        %run_scoped3A = tpu.sem_alloc : memref<!tpu.dma_semaphore, #tpu.memory_space<semaphore_mem>>
        %dma_start3A_30 = arith.constant 0 : i32
        %dma_start3A_31 = tpu.memref_slice %arg8[%mul3A_0, %dma_start3A_30] : memref<10112x128xf32, #tpu.memory_space<hbm>> -> memref<632x128xf32, #tpu.memory_space<hbm>>
        %dma_start3A_32 = arith.constant 0 : i32
        %dma_start3A_33 = tpu.memref_slice %arg9[%mul3A_0, %dma_start3A_32] : memref<10112x128xf32, #tpu.memory_space<vmem_shared>> -> memref<632x128xf32, #tpu.memory_space<vmem_shared>>
        tpu.enqueue_dma source(%dma_start3A_33 : memref<632x128xf32, #tpu.memory_space<vmem_shared>>) target(%dma_start3A_31 : memref<632x128xf32, #tpu.memory_space<hbm>>) target_semaphore(%run_scoped3A : memref<!tpu.dma_semaphore, #tpu.memory_space<semaphore_mem>>)
        %dma_wait3A_34 = arith.constant 0 : i32
        %dma_wait3A_35 = tpu.memref_slice %arg8[%mul3A_0, %dma_wait3A_34] : memref<10112x128xf32, #tpu.memory_space<hbm>> -> memref<632x128xf32, #tpu.memory_space<hbm>>
        %dma_wait3A_36 = arith.constant 0 : i32
        %dma_wait3A_37 = tpu.memref_slice %arg9[%mul3A_0, %dma_wait3A_36] : memref<10112x128xf32, #tpu.memory_space<vmem_shared>> -> memref<632x128xf32, #tpu.memory_space<vmem_shared>>
        tpu.wait_dma2 semaphore(%run_scoped3A : memref<!tpu.dma_semaphore, #tpu.memory_space<semaphore_mem>>) src(%dma_wait3A_37 : memref<632x128xf32, #tpu.memory_space<vmem_shared>>) dst(%dma_wait3A_35 : memref<632x128xf32, #tpu.memory_space<hbm>>)
        tpu.yield
      }) : () -> ()
    } else {
    }
    return
  }
}

#map = affine_map<(d0, d1) -> (0)>
#map1 = affine_map<(d0, d1) -> (0, 0)>
module attributes {stable_mosaic.version = 14 : i64} {
  func.func @k(%arg0: i32, %arg1: i32, %arg2: memref<320000xi32, #tpu.memory_space<hbm>>, %arg3: memref<320000xi32, #tpu.memory_space<hbm>>, %arg4: memref<10000x128xf32, #tpu.memory_space<hbm>>, %arg5: memref<10000x128xf32, #tpu.memory_space<hbm>>, %arg6: memref<320000x128xf32, #tpu.memory_space<hbm>>, %arg7: memref<80xi32, #tpu.memory_space<vmem>>, %arg8: memref<80xi32, #tpu.memory_space<vmem>>, %arg9: memref<80x128xf32, #tpu.memory_space<vmem>>, %arg10: memref<80x128xf32, #tpu.memory_space<vmem>>, %arg11: memref<!tpu.dma_semaphore, #tpu.memory_space<semaphore_mem>>, %arg12: memref<!tpu.dma_semaphore, #tpu.memory_space<semaphore_mem>>, %arg13: memref<80xi32, #tpu.memory_space<vmem>>, %arg14: memref<80xi32, #tpu.memory_space<vmem>>, %arg15: memref<80x128xf32, #tpu.memory_space<vmem>>, %arg16: memref<80x128xf32, #tpu.memory_space<vmem>>, %arg17: memref<!tpu.dma_semaphore, #tpu.memory_space<semaphore_mem>>, %arg18: memref<!tpu.dma_semaphore, #tpu.memory_space<semaphore_mem>>) attributes {dimension_semantics = [#tpu.dimension_semantics<core_parallel>, #tpu.dimension_semantics<subcore_parallel>], iteration_bounds = array<i64: 2, 16>, scalar_prefetch = 0 : i64, scratch_operands = 12 : i64, tpu.core_type = #tpu.core_type<sc_vector_subcore>, window_params = [{transform_indices = #map}, {transform_indices = #map}, {transform_indices = #map1}, {transform_indices = #map1}, {transform_indices = #map1}]} {
    %mul3A = arith.constant 16 : i32
    %mul3A_0 = arith.muli %arg0, %mul3A : i32
    %add3A = arith.addi %mul3A_0, %arg1 : i32
    %mul3A_1 = arith.constant 10000 : i32
    %mul3A_2 = arith.muli %add3A, %mul3A_1 : i32
    %add3A_3 = arith.constant 0 : i32
    %add3A_4 = arith.addi %mul3A_2, %add3A_3 : i32
    "tpu.region"() ({
      %run_scoped3A = tpu.sem_alloc : memref<!tpu.dma_semaphore, #tpu.memory_space<semaphore_mem>>
      %dma_start3A_42 = tpu.memref_slice %arg2[%add3A_4] : memref<320000xi32, #tpu.memory_space<hbm>> -> memref<80xi32, #tpu.memory_space<hbm>>
      %dma_start3A_43 = tpu.memref_slice %arg2[%add3A_4] : memref<320000xi32, #tpu.memory_space<hbm>> -> memref<80xi32, #tpu.memory_space<hbm>>
      tpu.enqueue_dma source(%dma_start3A_43 : memref<80xi32, #tpu.memory_space<hbm>>) target(%arg7 : memref<80xi32, #tpu.memory_space<vmem>>) target_semaphore(%run_scoped3A : memref<!tpu.dma_semaphore, #tpu.memory_space<semaphore_mem>>)
      %dma_wait3A_44 = tpu.memref_slice %arg2[%add3A_4] : memref<320000xi32, #tpu.memory_space<hbm>> -> memref<80xi32, #tpu.memory_space<hbm>>
      %dma_wait3A_45 = tpu.memref_slice %arg2[%add3A_4] : memref<320000xi32, #tpu.memory_space<hbm>> -> memref<80xi32, #tpu.memory_space<hbm>>
      tpu.wait_dma2 semaphore(%run_scoped3A : memref<!tpu.dma_semaphore, #tpu.memory_space<semaphore_mem>>) src(%dma_wait3A_45 : memref<80xi32, #tpu.memory_space<hbm>>) dst(%arg7 : memref<80xi32, #tpu.memory_space<vmem>>)
      tpu.yield
    }) : () -> ()
    "tpu.region"() ({
      %run_scoped3A = tpu.sem_alloc : memref<!tpu.dma_semaphore, #tpu.memory_space<semaphore_mem>>
      %dma_start3A_42 = tpu.memref_slice %arg3[%add3A_4] : memref<320000xi32, #tpu.memory_space<hbm>> -> memref<80xi32, #tpu.memory_space<hbm>>
      %dma_start3A_43 = tpu.memref_slice %arg3[%add3A_4] : memref<320000xi32, #tpu.memory_space<hbm>> -> memref<80xi32, #tpu.memory_space<hbm>>
      tpu.enqueue_dma source(%dma_start3A_43 : memref<80xi32, #tpu.memory_space<hbm>>) target(%arg8 : memref<80xi32, #tpu.memory_space<vmem>>) target_semaphore(%run_scoped3A : memref<!tpu.dma_semaphore, #tpu.memory_space<semaphore_mem>>)
      %dma_wait3A_44 = tpu.memref_slice %arg3[%add3A_4] : memref<320000xi32, #tpu.memory_space<hbm>> -> memref<80xi32, #tpu.memory_space<hbm>>
      %dma_wait3A_45 = tpu.memref_slice %arg3[%add3A_4] : memref<320000xi32, #tpu.memory_space<hbm>> -> memref<80xi32, #tpu.memory_space<hbm>>
      tpu.wait_dma2 semaphore(%run_scoped3A : memref<!tpu.dma_semaphore, #tpu.memory_space<semaphore_mem>>) src(%dma_wait3A_45 : memref<80xi32, #tpu.memory_space<hbm>>) dst(%arg8 : memref<80xi32, #tpu.memory_space<vmem>>)
      tpu.yield
    }) : () -> ()
    %dma_start3A = arith.constant 0 : i32
    %dma_start3A_5 = arith.constant 0 : i32
    %dma_start3A_6 = tpu.memref_slice %arg4[%dma_start3A, %dma_start3A_5] : memref<10000x128xf32, #tpu.memory_space<hbm>> -> memref<10000x128xf32, #tpu.memory_space<hbm>>
    tpu.enqueue_indirect_dma source(%dma_start3A_6 : memref<10000x128xf32, #tpu.memory_space<hbm>>) target(%arg9 : memref<80x128xf32, #tpu.memory_space<vmem>>) offsets(%arg7 : memref<80xi32, #tpu.memory_space<vmem>>) semaphore(%arg11 : memref<!tpu.dma_semaphore, #tpu.memory_space<semaphore_mem>>)
    %dma_start3A_7 = arith.constant 0 : i32
    %dma_start3A_8 = arith.constant 0 : i32
    %dma_start3A_9 = tpu.memref_slice %arg5[%dma_start3A_7, %dma_start3A_8] : memref<10000x128xf32, #tpu.memory_space<hbm>> -> memref<10000x128xf32, #tpu.memory_space<hbm>>
    tpu.enqueue_indirect_dma source(%dma_start3A_9 : memref<10000x128xf32, #tpu.memory_space<hbm>>) target(%arg10 : memref<80x128xf32, #tpu.memory_space<vmem>>) offsets(%arg8 : memref<80xi32, #tpu.memory_space<vmem>>) semaphore(%arg11 : memref<!tpu.dma_semaphore, #tpu.memory_space<semaphore_mem>>)
    %scan3A = arith.constant 0 : i32
    %scan3A_10 = arith.constant 0 : i32
    %scan3A_11 = arith.constant 62 : i32
    %scan3A_12 = arith.addi %scan3A_10, %scan3A_11 : i32
    %scan3A_13 = arith.constant 1 : i32
    scf.for %scan3A_42 = %scan3A_10 to %scan3A_12 step %scan3A_13  : i32 {
      %mul3A_43 = arith.constant 2 : i32
      %mul3A_44 = arith.muli %mul3A_43, %scan3A_42 : i32
      %gt3A = arith.constant 0 : i32
      %gt3A_45 = arith.cmpi sgt, %scan3A_42, %gt3A : i32
      %convert_element_type3A = arith.extui %gt3A_45 : i1 to i32
      %cond3A = arith.constant 0 : i32
      %cond3A_46 = arith.cmpi ne, %convert_element_type3A, %cond3A : i32
      scf.if %cond3A_46 {
        %dma_wait3A_117 = arith.constant 0 : i32
        %dma_wait3A_118 = arith.constant 0 : i32
        %dma_wait3A_119 = tpu.memref_slice %arg6[%dma_wait3A_117, %dma_wait3A_118] : memref<320000x128xf32, #tpu.memory_space<hbm>> -> memref<80x128xf32, #tpu.memory_space<hbm>>
        %dma_wait3A_120 = arith.constant 0 : i32
        %dma_wait3A_121 = arith.constant 0 : i32
        %dma_wait3A_122 = tpu.memref_slice %arg6[%dma_wait3A_120, %dma_wait3A_121] : memref<320000x128xf32, #tpu.memory_space<hbm>> -> memref<80x128xf32, #tpu.memory_space<hbm>>
        tpu.wait_dma2 semaphore(%arg18 : memref<!tpu.dma_semaphore, #tpu.memory_space<semaphore_mem>>) src(%arg15 : memref<80x128xf32, #tpu.memory_space<vmem>>) dst(%dma_wait3A_122 : memref<80x128xf32, #tpu.memory_space<hbm>>)
      } else {
      }
      %add3A_47 = arith.constant 1 : i32
      %add3A_48 = arith.addi %mul3A_44, %add3A_47 : i32
      %mul3A_49 = arith.constant 10000 : i32
      %mul3A_50 = arith.muli %add3A, %mul3A_49 : i32
      %mul3A_51 = arith.constant 80 : i32
      %mul3A_52 = arith.muli %add3A_48, %mul3A_51 : i32
      %add3A_53 = arith.addi %mul3A_50, %mul3A_52 : i32
      "tpu.region"() ({
        %run_scoped3A = tpu.sem_alloc : memref<!tpu.dma_semaphore, #tpu.memory_space<semaphore_mem>>
        %dma_start3A_117 = tpu.memref_slice %arg2[%add3A_53] : memref<320000xi32, #tpu.memory_space<hbm>> -> memref<80xi32, #tpu.memory_space<hbm>>
        %dma_start3A_118 = tpu.memref_slice %arg2[%add3A_53] : memref<320000xi32, #tpu.memory_space<hbm>> -> memref<80xi32, #tpu.memory_space<hbm>>
        tpu.enqueue_dma source(%dma_start3A_118 : memref<80xi32, #tpu.memory_space<hbm>>) target(%arg13 : memref<80xi32, #tpu.memory_space<vmem>>) target_semaphore(%run_scoped3A : memref<!tpu.dma_semaphore, #tpu.memory_space<semaphore_mem>>)
        %dma_wait3A_119 = tpu.memref_slice %arg2[%add3A_53] : memref<320000xi32, #tpu.memory_space<hbm>> -> memref<80xi32, #tpu.memory_space<hbm>>
        %dma_wait3A_120 = tpu.memref_slice %arg2[%add3A_53] : memref<320000xi32, #tpu.memory_space<hbm>> -> memref<80xi32, #tpu.memory_space<hbm>>
        tpu.wait_dma2 semaphore(%run_scoped3A : memref<!tpu.dma_semaphore, #tpu.memory_space<semaphore_mem>>) src(%dma_wait3A_120 : memref<80xi32, #tpu.memory_space<hbm>>) dst(%arg13 : memref<80xi32, #tpu.memory_space<vmem>>)
        tpu.yield
      }) : () -> ()
      "tpu.region"() ({
        %run_scoped3A = tpu.sem_alloc : memref<!tpu.dma_semaphore, #tpu.memory_space<semaphore_mem>>
        %dma_start3A_117 = tpu.memref_slice %arg3[%add3A_53] : memref<320000xi32, #tpu.memory_space<hbm>> -> memref<80xi32, #tpu.memory_space<hbm>>
        %dma_start3A_118 = tpu.memref_slice %arg3[%add3A_53] : memref<320000xi32, #tpu.memory_space<hbm>> -> memref<80xi32, #tpu.memory_space<hbm>>
        tpu.enqueue_dma source(%dma_start3A_118 : memref<80xi32, #tpu.memory_space<hbm>>) target(%arg14 : memref<80xi32, #tpu.memory_space<vmem>>) target_semaphore(%run_scoped3A : memref<!tpu.dma_semaphore, #tpu.memory_space<semaphore_mem>>)
        %dma_wait3A_119 = tpu.memref_slice %arg3[%add3A_53] : memref<320000xi32, #tpu.memory_space<hbm>> -> memref<80xi32, #tpu.memory_space<hbm>>
        %dma_wait3A_120 = tpu.memref_slice %arg3[%add3A_53] : memref<320000xi32, #tpu.memory_space<hbm>> -> memref<80xi32, #tpu.memory_space<hbm>>
        tpu.wait_dma2 semaphore(%run_scoped3A : memref<!tpu.dma_semaphore, #tpu.memory_space<semaphore_mem>>) src(%dma_wait3A_120 : memref<80xi32, #tpu.memory_space<hbm>>) dst(%arg14 : memref<80xi32, #tpu.memory_space<vmem>>)
        tpu.yield
      }) : () -> ()
      %dma_start3A_54 = arith.constant 0 : i32
      %dma_start3A_55 = arith.constant 0 : i32
      %dma_start3A_56 = tpu.memref_slice %arg4[%dma_start3A_54, %dma_start3A_55] : memref<10000x128xf32, #tpu.memory_space<hbm>> -> memref<10000x128xf32, #tpu.memory_space<hbm>>
      tpu.enqueue_indirect_dma source(%dma_start3A_56 : memref<10000x128xf32, #tpu.memory_space<hbm>>) target(%arg15 : memref<80x128xf32, #tpu.memory_space<vmem>>) offsets(%arg13 : memref<80xi32, #tpu.memory_space<vmem>>) semaphore(%arg17 : memref<!tpu.dma_semaphore, #tpu.memory_space<semaphore_mem>>)
      %dma_start3A_57 = arith.constant 0 : i32
      %dma_start3A_58 = arith.constant 0 : i32
      %dma_start3A_59 = tpu.memref_slice %arg5[%dma_start3A_57, %dma_start3A_58] : memref<10000x128xf32, #tpu.memory_space<hbm>> -> memref<10000x128xf32, #tpu.memory_space<hbm>>
      tpu.enqueue_indirect_dma source(%dma_start3A_59 : memref<10000x128xf32, #tpu.memory_space<hbm>>) target(%arg16 : memref<80x128xf32, #tpu.memory_space<vmem>>) offsets(%arg14 : memref<80xi32, #tpu.memory_space<vmem>>) semaphore(%arg17 : memref<!tpu.dma_semaphore, #tpu.memory_space<semaphore_mem>>)
      %mul3A_60 = arith.constant 10000 : i32
      %mul3A_61 = arith.muli %add3A, %mul3A_60 : i32
      %mul3A_62 = arith.constant 80 : i32
      %mul3A_63 = arith.muli %mul3A_44, %mul3A_62 : i32
      %add3A_64 = arith.addi %mul3A_61, %mul3A_63 : i32
      %dma_wait3A_65 = arith.constant 0 : i32
      %dma_wait3A_66 = arith.constant 0 : i32
      %dma_wait3A_67 = tpu.memref_slice %arg4[%dma_wait3A_65, %dma_wait3A_66] : memref<10000x128xf32, #tpu.memory_space<hbm>> -> memref<10000x128xf32, #tpu.memory_space<hbm>>
      tpu.wait_indirect_dma semaphore(%arg11 : memref<!tpu.dma_semaphore, #tpu.memory_space<semaphore_mem>>) src(%dma_wait3A_67 : memref<10000x128xf32, #tpu.memory_space<hbm>>) dst(%arg9 : memref<80x128xf32, #tpu.memory_space<vmem>>)
      %dma_wait3A_68 = arith.constant 0 : i32
      %dma_wait3A_69 = arith.constant 0 : i32
      %dma_wait3A_70 = tpu.memref_slice %arg5[%dma_wait3A_68, %dma_wait3A_69] : memref<10000x128xf32, #tpu.memory_space<hbm>> -> memref<10000x128xf32, #tpu.memory_space<hbm>>
      tpu.wait_indirect_dma semaphore(%arg11 : memref<!tpu.dma_semaphore, #tpu.memory_space<semaphore_mem>>) src(%dma_wait3A_70 : memref<10000x128xf32, #tpu.memory_space<hbm>>) dst(%arg10 : memref<80x128xf32, #tpu.memory_space<vmem>>)
      %parallel_loop3A_71 = arith.constant 0 : i32
      %parallel_loop3A_72 = arith.constant 80 : i32
      %parallel_loop3A_73 = arith.constant 1 : i32
      scf.for %parallel_loop3A_117 = %parallel_loop3A_71 to %parallel_loop3A_72 step %parallel_loop3A_73  : i32 {
        %parallel_loop3A_118 = arith.index_cast %parallel_loop3A_117 : i32 to index
        %parallel_loop3A_119 = arith.constant 0 : index
        %parallel_loop3A_120 = tpu.vector_load %arg9[%parallel_loop3A_118, %parallel_loop3A_119] {strides = array<i32>} : memref<80x128xf32, #tpu.memory_space<vmem>>, vector<1x16xf32>,
        %parallel_loop3A_121 = vector.shape_cast %parallel_loop3A_120 : vector<1x16xf32> to vector<16xf32>
        %parallel_loop3A_122 = arith.index_cast %parallel_loop3A_117 : i32 to index
        %parallel_loop3A_123 = arith.constant 0 : index
        %parallel_loop3A_124 = tpu.vector_load %arg10[%parallel_loop3A_122, %parallel_loop3A_123] {strides = array<i32>} : memref<80x128xf32, #tpu.memory_space<vmem>>, vector<1x16xf32>,
        %parallel_loop3A_125 = vector.shape_cast %parallel_loop3A_124 : vector<1x16xf32> to vector<16xf32>
        %parallel_loop3A_126 = arith.addf %parallel_loop3A_121, %parallel_loop3A_125 : vector<16xf32>
        %parallel_loop3A_127 = arith.index_cast %parallel_loop3A_117 : i32 to index
        %parallel_loop3A_128 = arith.constant 0 : index
        %parallel_loop3A_129 = tpu.vector_load %arg9[%parallel_loop3A_127, %parallel_loop3A_128] {strides = array<i32>} : memref<80x128xf32, #tpu.memory_space<vmem>>, vector<1x16xf32>,
        %parallel_loop3A_130 = vector.shape_cast %parallel_loop3A_129 : vector<1x16xf32> to vector<16xf32>
        %parallel_loop3A_131 = vector.shape_cast %parallel_loop3A_126 : vector<16xf32> to vector<1x16xf32>
        tpu.vector_store %arg9[%parallel_loop3A_127, %parallel_loop3A_128], %parallel_loop3A_131 {strides = array<i32>} : memref<80x128xf32, #tpu.memory_space<vmem>>, vector<1x16xf32>,
        %parallel_loop3A_132 = arith.index_cast %parallel_loop3A_117 : i32 to index
        %parallel_loop3A_133 = arith.constant 16 : index
        %parallel_loop3A_134 = tpu.vector_load %arg9[%parallel_loop3A_132, %parallel_loop3A_133] {strides = array<i32>} : memref<80x128xf32, #tpu.memory_space<vmem>>, vector<1x16xf32>,
        %parallel_loop3A_135 = vector.shape_cast %parallel_loop3A_134 : vector<1x16xf32> to vector<16xf32>
        %parallel_loop3A_136 = arith.index_cast %parallel_loop3A_117 : i32 to index
        %parallel_loop3A_137 = arith.constant 16 : index
        %parallel_loop3A_138 = tpu.vector_load %arg10[%parallel_loop3A_136, %parallel_loop3A_137] {strides = array<i32>} : memref<80x128xf32, #tpu.memory_space<vmem>>, vector<1x16xf32>,
        %parallel_loop3A_139 = vector.shape_cast %parallel_loop3A_138 : vector<1x16xf32> to vector<16xf32>
        %parallel_loop3A_140 = arith.addf %parallel_loop3A_135, %parallel_loop3A_139 : vector<16xf32>
        %parallel_loop3A_141 = arith.index_cast %parallel_loop3A_117 : i32 to index
        %parallel_loop3A_142 = arith.constant 16 : index
        %parallel_loop3A_143 = tpu.vector_load %arg9[%parallel_loop3A_141, %parallel_loop3A_142] {strides = array<i32>} : memref<80x128xf32, #tpu.memory_space<vmem>>, vector<1x16xf32>,
        %parallel_loop3A_144 = vector.shape_cast %parallel_loop3A_143 : vector<1x16xf32> to vector<16xf32>
        %parallel_loop3A_145 = vector.shape_cast %parallel_loop3A_140 : vector<16xf32> to vector<1x16xf32>
        tpu.vector_store %arg9[%parallel_loop3A_141, %parallel_loop3A_142], %parallel_loop3A_145 {strides = array<i32>} : memref<80x128xf32, #tpu.memory_space<vmem>>, vector<1x16xf32>,
        %parallel_loop3A_146 = arith.index_cast %parallel_loop3A_117 : i32 to index
        %parallel_loop3A_147 = arith.constant 32 : index
        %parallel_loop3A_148 = tpu.vector_load %arg9[%parallel_loop3A_146, %parallel_loop3A_147] {strides = array<i32>} : memref<80x128xf32, #tpu.memory_space<vmem>>, vector<1x16xf32>,
        %parallel_loop3A_149 = vector.shape_cast %parallel_loop3A_148 : vector<1x16xf32> to vector<16xf32>
        %parallel_loop3A_150 = arith.index_cast %parallel_loop3A_117 : i32 to index
        %parallel_loop3A_151 = arith.constant 32 : index
        %parallel_loop3A_152 = tpu.vector_load %arg10[%parallel_loop3A_150, %parallel_loop3A_151] {strides = array<i32>} : memref<80x128xf32, #tpu.memory_space<vmem>>, vector<1x16xf32>,
        %parallel_loop3A_153 = vector.shape_cast %parallel_loop3A_152 : vector<1x16xf32> to vector<16xf32>
        %parallel_loop3A_154 = arith.addf %parallel_loop3A_149, %parallel_loop3A_153 : vector<16xf32>
        %parallel_loop3A_155 = arith.index_cast %parallel_loop3A_117 : i32 to index
        %parallel_loop3A_156 = arith.constant 32 : index
        %parallel_loop3A_157 = tpu.vector_load %arg9[%parallel_loop3A_155, %parallel_loop3A_156] {strides = array<i32>} : memref<80x128xf32, #tpu.memory_space<vmem>>, vector<1x16xf32>,
        %parallel_loop3A_158 = vector.shape_cast %parallel_loop3A_157 : vector<1x16xf32> to vector<16xf32>
        %parallel_loop3A_159 = vector.shape_cast %parallel_loop3A_154 : vector<16xf32> to vector<1x16xf32>
        tpu.vector_store %arg9[%parallel_loop3A_155, %parallel_loop3A_156], %parallel_loop3A_159 {strides = array<i32>} : memref<80x128xf32, #tpu.memory_space<vmem>>, vector<1x16xf32>,
        %parallel_loop3A_160 = arith.index_cast %parallel_loop3A_117 : i32 to index
        %parallel_loop3A_161 = arith.constant 48 : index
        %parallel_loop3A_162 = tpu.vector_load %arg9[%parallel_loop3A_160, %parallel_loop3A_161] {strides = array<i32>} : memref<80x128xf32, #tpu.memory_space<vmem>>, vector<1x16xf32>,
        %parallel_loop3A_163 = vector.shape_cast %parallel_loop3A_162 : vector<1x16xf32> to vector<16xf32>
        %parallel_loop3A_164 = arith.index_cast %parallel_loop3A_117 : i32 to index
        %parallel_loop3A_165 = arith.constant 48 : index
        %parallel_loop3A_166 = tpu.vector_load %arg10[%parallel_loop3A_164, %parallel_loop3A_165] {strides = array<i32>} : memref<80x128xf32, #tpu.memory_space<vmem>>, vector<1x16xf32>,
        %parallel_loop3A_167 = vector.shape_cast %parallel_loop3A_166 : vector<1x16xf32> to vector<16xf32>
        %parallel_loop3A_168 = arith.addf %parallel_loop3A_163, %parallel_loop3A_167 : vector<16xf32>
        %parallel_loop3A_169 = arith.index_cast %parallel_loop3A_117 : i32 to index
        %parallel_loop3A_170 = arith.constant 48 : index
        %parallel_loop3A_171 = tpu.vector_load %arg9[%parallel_loop3A_169, %parallel_loop3A_170] {strides = array<i32>} : memref<80x128xf32, #tpu.memory_space<vmem>>, vector<1x16xf32>,
        %parallel_loop3A_172 = vector.shape_cast %parallel_loop3A_171 : vector<1x16xf32> to vector<16xf32>
        %parallel_loop3A_173 = vector.shape_cast %parallel_loop3A_168 : vector<16xf32> to vector<1x16xf32>
        tpu.vector_store %arg9[%parallel_loop3A_169, %parallel_loop3A_170], %parallel_loop3A_173 {strides = array<i32>} : memref<80x128xf32, #tpu.memory_space<vmem>>, vector<1x16xf32>,
        %parallel_loop3A_174 = arith.index_cast %parallel_loop3A_117 : i32 to index
        %parallel_loop3A_175 = arith.constant 64 : index
        %parallel_loop3A_176 = tpu.vector_load %arg9[%parallel_loop3A_174, %parallel_loop3A_175] {strides = array<i32>} : memref<80x128xf32, #tpu.memory_space<vmem>>, vector<1x16xf32>,
        %parallel_loop3A_177 = vector.shape_cast %parallel_loop3A_176 : vector<1x16xf32> to vector<16xf32>
        %parallel_loop3A_178 = arith.index_cast %parallel_loop3A_117 : i32 to index
        %parallel_loop3A_179 = arith.constant 64 : index
        %parallel_loop3A_180 = tpu.vector_load %arg10[%parallel_loop3A_178, %parallel_loop3A_179] {strides = array<i32>} : memref<80x128xf32, #tpu.memory_space<vmem>>, vector<1x16xf32>,
        %parallel_loop3A_181 = vector.shape_cast %parallel_loop3A_180 : vector<1x16xf32> to vector<16xf32>
        %parallel_loop3A_182 = arith.addf %parallel_loop3A_177, %parallel_loop3A_181 : vector<16xf32>
        %parallel_loop3A_183 = arith.index_cast %parallel_loop3A_117 : i32 to index
        %parallel_loop3A_184 = arith.constant 64 : index
        %parallel_loop3A_185 = tpu.vector_load %arg9[%parallel_loop3A_183, %parallel_loop3A_184] {strides = array<i32>} : memref<80x128xf32, #tpu.memory_space<vmem>>, vector<1x16xf32>,
        %parallel_loop3A_186 = vector.shape_cast %parallel_loop3A_185 : vector<1x16xf32> to vector<16xf32>
        %parallel_loop3A_187 = vector.shape_cast %parallel_loop3A_182 : vector<16xf32> to vector<1x16xf32>
        tpu.vector_store %arg9[%parallel_loop3A_183, %parallel_loop3A_184], %parallel_loop3A_187 {strides = array<i32>} : memref<80x128xf32, #tpu.memory_space<vmem>>, vector<1x16xf32>,
        %parallel_loop3A_188 = arith.index_cast %parallel_loop3A_117 : i32 to index
        %parallel_loop3A_189 = arith.constant 80 : index
        %parallel_loop3A_190 = tpu.vector_load %arg9[%parallel_loop3A_188, %parallel_loop3A_189] {strides = array<i32>} : memref<80x128xf32, #tpu.memory_space<vmem>>, vector<1x16xf32>,
        %parallel_loop3A_191 = vector.shape_cast %parallel_loop3A_190 : vector<1x16xf32> to vector<16xf32>
        %parallel_loop3A_192 = arith.index_cast %parallel_loop3A_117 : i32 to index
        %parallel_loop3A_193 = arith.constant 80 : index
        %parallel_loop3A_194 = tpu.vector_load %arg10[%parallel_loop3A_192, %parallel_loop3A_193] {strides = array<i32>} : memref<80x128xf32, #tpu.memory_space<vmem>>, vector<1x16xf32>,
        %parallel_loop3A_195 = vector.shape_cast %parallel_loop3A_194 : vector<1x16xf32> to vector<16xf32>
        %parallel_loop3A_196 = arith.addf %parallel_loop3A_191, %parallel_loop3A_195 : vector<16xf32>
        %parallel_loop3A_197 = arith.index_cast %parallel_loop3A_117 : i32 to index
        %parallel_loop3A_198 = arith.constant 80 : index
        %parallel_loop3A_199 = tpu.vector_load %arg9[%parallel_loop3A_197, %parallel_loop3A_198] {strides = array<i32>} : memref<80x128xf32, #tpu.memory_space<vmem>>, vector<1x16xf32>,
        %parallel_loop3A_200 = vector.shape_cast %parallel_loop3A_199 : vector<1x16xf32> to vector<16xf32>
        %parallel_loop3A_201 = vector.shape_cast %parallel_loop3A_196 : vector<16xf32> to vector<1x16xf32>
        tpu.vector_store %arg9[%parallel_loop3A_197, %parallel_loop3A_198], %parallel_loop3A_201 {strides = array<i32>} : memref<80x128xf32, #tpu.memory_space<vmem>>, vector<1x16xf32>,
        %parallel_loop3A_202 = arith.index_cast %parallel_loop3A_117 : i32 to index
        %parallel_loop3A_203 = arith.constant 96 : index
        %parallel_loop3A_204 = tpu.vector_load %arg9[%parallel_loop3A_202, %parallel_loop3A_203] {strides = array<i32>} : memref<80x128xf32, #tpu.memory_space<vmem>>, vector<1x16xf32>,
        %parallel_loop3A_205 = vector.shape_cast %parallel_loop3A_204 : vector<1x16xf32> to vector<16xf32>
        %parallel_loop3A_206 = arith.index_cast %parallel_loop3A_117 : i32 to index
        %parallel_loop3A_207 = arith.constant 96 : index
        %parallel_loop3A_208 = tpu.vector_load %arg10[%parallel_loop3A_206, %parallel_loop3A_207] {strides = array<i32>} : memref<80x128xf32, #tpu.memory_space<vmem>>, vector<1x16xf32>,
        %parallel_loop3A_209 = vector.shape_cast %parallel_loop3A_208 : vector<1x16xf32> to vector<16xf32>
        %parallel_loop3A_210 = arith.addf %parallel_loop3A_205, %parallel_loop3A_209 : vector<16xf32>
        %parallel_loop3A_211 = arith.index_cast %parallel_loop3A_117 : i32 to index
        %parallel_loop3A_212 = arith.constant 96 : index
        %parallel_loop3A_213 = tpu.vector_load %arg9[%parallel_loop3A_211, %parallel_loop3A_212] {strides = array<i32>} : memref<80x128xf32, #tpu.memory_space<vmem>>, vector<1x16xf32>,
        %parallel_loop3A_214 = vector.shape_cast %parallel_loop3A_213 : vector<1x16xf32> to vector<16xf32>
        %parallel_loop3A_215 = vector.shape_cast %parallel_loop3A_210 : vector<16xf32> to vector<1x16xf32>
        tpu.vector_store %arg9[%parallel_loop3A_211, %parallel_loop3A_212], %parallel_loop3A_215 {strides = array<i32>} : memref<80x128xf32, #tpu.memory_space<vmem>>, vector<1x16xf32>,
        %parallel_loop3A_216 = arith.index_cast %parallel_loop3A_117 : i32 to index
        %parallel_loop3A_217 = arith.constant 112 : index
        %parallel_loop3A_218 = tpu.vector_load %arg9[%parallel_loop3A_216, %parallel_loop3A_217] {strides = array<i32>} : memref<80x128xf32, #tpu.memory_space<vmem>>, vector<1x16xf32>,
        %parallel_loop3A_219 = vector.shape_cast %parallel_loop3A_218 : vector<1x16xf32> to vector<16xf32>
        %parallel_loop3A_220 = arith.index_cast %parallel_loop3A_117 : i32 to index
        %parallel_loop3A_221 = arith.constant 112 : index
        %parallel_loop3A_222 = tpu.vector_load %arg10[%parallel_loop3A_220, %parallel_loop3A_221] {strides = array<i32>} : memref<80x128xf32, #tpu.memory_space<vmem>>, vector<1x16xf32>,
        %parallel_loop3A_223 = vector.shape_cast %parallel_loop3A_222 : vector<1x16xf32> to vector<16xf32>
        %parallel_loop3A_224 = arith.addf %parallel_loop3A_219, %parallel_loop3A_223 : vector<16xf32>
        %parallel_loop3A_225 = arith.index_cast %parallel_loop3A_117 : i32 to index
        %parallel_loop3A_226 = arith.constant 112 : index
        %parallel_loop3A_227 = tpu.vector_load %arg9[%parallel_loop3A_225, %parallel_loop3A_226] {strides = array<i32>} : memref<80x128xf32, #tpu.memory_space<vmem>>, vector<1x16xf32>,
        %parallel_loop3A_228 = vector.shape_cast %parallel_loop3A_227 : vector<1x16xf32> to vector<16xf32>
        %parallel_loop3A_229 = vector.shape_cast %parallel_loop3A_224 : vector<16xf32> to vector<1x16xf32>
        tpu.vector_store %arg9[%parallel_loop3A_225, %parallel_loop3A_226], %parallel_loop3A_229 {strides = array<i32>} : memref<80x128xf32, #tpu.memory_space<vmem>>, vector<1x16xf32>,
      } {sc.loop_unroll_factor = 4 : i64, sc.parallel_access}
      %dma_start3A_74 = arith.constant 0 : i32
      %dma_start3A_75 = tpu.memref_slice %arg6[%add3A_64, %dma_start3A_74] : memref<320000x128xf32, #tpu.memory_space<hbm>> -> memref<80x128xf32, #tpu.memory_space<hbm>>
      %dma_start3A_76 = arith.constant 0 : i32
      %dma_start3A_77 = tpu.memref_slice %arg6[%add3A_64, %dma_start3A_76] : memref<320000x128xf32, #tpu.memory_space<hbm>> -> memref<80x128xf32, #tpu.memory_space<hbm>>
      tpu.enqueue_dma source(%arg9 : memref<80x128xf32, #tpu.memory_space<vmem>>) target(%dma_start3A_77 : memref<80x128xf32, #tpu.memory_space<hbm>>) target_semaphore(%arg12 : memref<!tpu.dma_semaphore, #tpu.memory_space<semaphore_mem>>)
      %dma_wait3A_78 = arith.constant 0 : i32
      %dma_wait3A_79 = arith.constant 0 : i32
      %dma_wait3A_80 = tpu.memref_slice %arg6[%dma_wait3A_78, %dma_wait3A_79] : memref<320000x128xf32, #tpu.memory_space<hbm>> -> memref<80x128xf32, #tpu.memory_space<hbm>>
      %dma_wait3A_81 = arith.constant 0 : i32
      %dma_wait3A_82 = arith.constant 0 : i32
      %dma_wait3A_83 = tpu.memref_slice %arg6[%dma_wait3A_81, %dma_wait3A_82] : memref<320000x128xf32, #tpu.memory_space<hbm>> -> memref<80x128xf32, #tpu.memory_space<hbm>>
      tpu.wait_dma2 semaphore(%arg12 : memref<!tpu.dma_semaphore, #tpu.memory_space<semaphore_mem>>) src(%arg9 : memref<80x128xf32, #tpu.memory_space<vmem>>) dst(%dma_wait3A_83 : memref<80x128xf32, #tpu.memory_space<hbm>>)
      %add3A_84 = arith.constant 2 : i32
      %add3A_85 = arith.addi %mul3A_44, %add3A_84 : i32
      %mul3A_86 = arith.constant 10000 : i32
      %mul3A_87 = arith.muli %add3A, %mul3A_86 : i32
      %mul3A_88 = arith.constant 80 : i32
      %mul3A_89 = arith.muli %add3A_85, %mul3A_88 : i32
      %add3A_90 = arith.addi %mul3A_87, %mul3A_89 : i32
      "tpu.region"() ({
        %run_scoped3A = tpu.sem_alloc : memref<!tpu.dma_semaphore, #tpu.memory_space<semaphore_mem>>
        %dma_start3A_117 = tpu.memref_slice %arg2[%add3A_90] : memref<320000xi32, #tpu.memory_space<hbm>> -> memref<80xi32, #tpu.memory_space<hbm>>
        %dma_start3A_118 = tpu.memref_slice %arg2[%add3A_90] : memref<320000xi32, #tpu.memory_space<hbm>> -> memref<80xi32, #tpu.memory_space<hbm>>
        tpu.enqueue_dma source(%dma_start3A_118 : memref<80xi32, #tpu.memory_space<hbm>>) target(%arg7 : memref<80xi32, #tpu.memory_space<vmem>>) target_semaphore(%run_scoped3A : memref<!tpu.dma_semaphore, #tpu.memory_space<semaphore_mem>>)
        %dma_wait3A_119 = tpu.memref_slice %arg2[%add3A_90] : memref<320000xi32, #tpu.memory_space<hbm>> -> memref<80xi32, #tpu.memory_space<hbm>>
        %dma_wait3A_120 = tpu.memref_slice %arg2[%add3A_90] : memref<320000xi32, #tpu.memory_space<hbm>> -> memref<80xi32, #tpu.memory_space<hbm>>
        tpu.wait_dma2 semaphore(%run_scoped3A : memref<!tpu.dma_semaphore, #tpu.memory_space<semaphore_mem>>) src(%dma_wait3A_120 : memref<80xi32, #tpu.memory_space<hbm>>) dst(%arg7 : memref<80xi32, #tpu.memory_space<vmem>>)
        tpu.yield
      }) : () -> ()
      "tpu.region"() ({
        %run_scoped3A = tpu.sem_alloc : memref<!tpu.dma_semaphore, #tpu.memory_space<semaphore_mem>>
        %dma_start3A_117 = tpu.memref_slice %arg3[%add3A_90] : memref<320000xi32, #tpu.memory_space<hbm>> -> memref<80xi32, #tpu.memory_space<hbm>>
        %dma_start3A_118 = tpu.memref_slice %arg3[%add3A_90] : memref<320000xi32, #tpu.memory_space<hbm>> -> memref<80xi32, #tpu.memory_space<hbm>>
        tpu.enqueue_dma source(%dma_start3A_118 : memref<80xi32, #tpu.memory_space<hbm>>) target(%arg8 : memref<80xi32, #tpu.memory_space<vmem>>) target_semaphore(%run_scoped3A : memref<!tpu.dma_semaphore, #tpu.memory_space<semaphore_mem>>)
        %dma_wait3A_119 = tpu.memref_slice %arg3[%add3A_90] : memref<320000xi32, #tpu.memory_space<hbm>> -> memref<80xi32, #tpu.memory_space<hbm>>
        %dma_wait3A_120 = tpu.memref_slice %arg3[%add3A_90] : memref<320000xi32, #tpu.memory_space<hbm>> -> memref<80xi32, #tpu.memory_space<hbm>>
        tpu.wait_dma2 semaphore(%run_scoped3A : memref<!tpu.dma_semaphore, #tpu.memory_space<semaphore_mem>>) src(%dma_wait3A_120 : memref<80xi32, #tpu.memory_space<hbm>>) dst(%arg8 : memref<80xi32, #tpu.memory_space<vmem>>)
        tpu.yield
      }) : () -> ()
      %dma_start3A_91 = arith.constant 0 : i32
      %dma_start3A_92 = arith.constant 0 : i32
      %dma_start3A_93 = tpu.memref_slice %arg4[%dma_start3A_91, %dma_start3A_92] : memref<10000x128xf32, #tpu.memory_space<hbm>> -> memref<10000x128xf32, #tpu.memory_space<hbm>>
      tpu.enqueue_indirect_dma source(%dma_start3A_93 : memref<10000x128xf32, #tpu.memory_space<hbm>>) target(%arg9 : memref<80x128xf32, #tpu.memory_space<vmem>>) offsets(%arg7 : memref<80xi32, #tpu.memory_space<vmem>>) semaphore(%arg11 : memref<!tpu.dma_semaphore, #tpu.memory_space<semaphore_mem>>)
      %dma_start3A_94 = arith.constant 0 : i32
      %dma_start3A_95 = arith.constant 0 : i32
      %dma_start3A_96 = tpu.memref_slice %arg5[%dma_start3A_94, %dma_start3A_95] : memref<10000x128xf32, #tpu.memory_space<hbm>> -> memref<10000x128xf32, #tpu.memory_space<hbm>>
      tpu.enqueue_indirect_dma source(%dma_start3A_96 : memref<10000x128xf32, #tpu.memory_space<hbm>>) target(%arg10 : memref<80x128xf32, #tpu.memory_space<vmem>>) offsets(%arg8 : memref<80xi32, #tpu.memory_space<vmem>>) semaphore(%arg11 : memref<!tpu.dma_semaphore, #tpu.memory_space<semaphore_mem>>)
      %add3A_97 = arith.constant 1 : i32
      %add3A_98 = arith.addi %mul3A_44, %add3A_97 : i32
      %mul3A_99 = arith.constant 10000 : i32
      %mul3A_100 = arith.muli %add3A, %mul3A_99 : i32
      %mul3A_101 = arith.constant 80 : i32
      %mul3A_102 = arith.muli %add3A_98, %mul3A_101 : i32
      %add3A_103 = arith.addi %mul3A_100, %mul3A_102 : i32
      %dma_wait3A_104 = arith.constant 0 : i32
      %dma_wait3A_105 = arith.constant 0 : i32
      %dma_wait3A_106 = tpu.memref_slice %arg4[%dma_wait3A_104, %dma_wait3A_105] : memref<10000x128xf32, #tpu.memory_space<hbm>> -> memref<10000x128xf32, #tpu.memory_space<hbm>>
      tpu.wait_indirect_dma semaphore(%arg17 : memref<!tpu.dma_semaphore, #tpu.memory_space<semaphore_mem>>) src(%dma_wait3A_106 : memref<10000x128xf32, #tpu.memory_space<hbm>>) dst(%arg15 : memref<80x128xf32, #tpu.memory_space<vmem>>)
      %dma_wait3A_107 = arith.constant 0 : i32
      %dma_wait3A_108 = arith.constant 0 : i32
      %dma_wait3A_109 = tpu.memref_slice %arg5[%dma_wait3A_107, %dma_wait3A_108] : memref<10000x128xf32, #tpu.memory_space<hbm>> -> memref<10000x128xf32, #tpu.memory_space<hbm>>
      tpu.wait_indirect_dma semaphore(%arg17 : memref<!tpu.dma_semaphore, #tpu.memory_space<semaphore_mem>>) src(%dma_wait3A_109 : memref<10000x128xf32, #tpu.memory_space<hbm>>) dst(%arg16 : memref<80x128xf32, #tpu.memory_space<vmem>>)
      %parallel_loop3A_110 = arith.constant 0 : i32
      %parallel_loop3A_111 = arith.constant 80 : i32
      %parallel_loop3A_112 = arith.constant 1 : i32
      scf.for %parallel_loop3A_117 = %parallel_loop3A_110 to %parallel_loop3A_111 step %parallel_loop3A_112  : i32 {
        %parallel_loop3A_118 = arith.index_cast %parallel_loop3A_117 : i32 to index
        %parallel_loop3A_119 = arith.constant 0 : index
        %parallel_loop3A_120 = tpu.vector_load %arg15[%parallel_loop3A_118, %parallel_loop3A_119] {strides = array<i32>} : memref<80x128xf32, #tpu.memory_space<vmem>>, vector<1x16xf32>,
        %parallel_loop3A_121 = vector.shape_cast %parallel_loop3A_120 : vector<1x16xf32> to vector<16xf32>
        %parallel_loop3A_122 = arith.index_cast %parallel_loop3A_117 : i32 to index
        %parallel_loop3A_123 = arith.constant 0 : index
        %parallel_loop3A_124 = tpu.vector_load %arg16[%parallel_loop3A_122, %parallel_loop3A_123] {strides = array<i32>} : memref<80x128xf32, #tpu.memory_space<vmem>>, vector<1x16xf32>,
        %parallel_loop3A_125 = vector.shape_cast %parallel_loop3A_124 : vector<1x16xf32> to vector<16xf32>
        %parallel_loop3A_126 = arith.addf %parallel_loop3A_121, %parallel_loop3A_125 : vector<16xf32>
        %parallel_loop3A_127 = arith.index_cast %parallel_loop3A_117 : i32 to index
        %parallel_loop3A_128 = arith.constant 0 : index
        %parallel_loop3A_129 = tpu.vector_load %arg15[%parallel_loop3A_127, %parallel_loop3A_128] {strides = array<i32>} : memref<80x128xf32, #tpu.memory_space<vmem>>, vector<1x16xf32>,
        %parallel_loop3A_130 = vector.shape_cast %parallel_loop3A_129 : vector<1x16xf32> to vector<16xf32>
        %parallel_loop3A_131 = vector.shape_cast %parallel_loop3A_126 : vector<16xf32> to vector<1x16xf32>
        tpu.vector_store %arg15[%parallel_loop3A_127, %parallel_loop3A_128], %parallel_loop3A_131 {strides = array<i32>} : memref<80x128xf32, #tpu.memory_space<vmem>>, vector<1x16xf32>,
        %parallel_loop3A_132 = arith.index_cast %parallel_loop3A_117 : i32 to index
        %parallel_loop3A_133 = arith.constant 16 : index
        %parallel_loop3A_134 = tpu.vector_load %arg15[%parallel_loop3A_132, %parallel_loop3A_133] {strides = array<i32>} : memref<80x128xf32, #tpu.memory_space<vmem>>, vector<1x16xf32>,
        %parallel_loop3A_135 = vector.shape_cast %parallel_loop3A_134 : vector<1x16xf32> to vector<16xf32>
        %parallel_loop3A_136 = arith.index_cast %parallel_loop3A_117 : i32 to index
        %parallel_loop3A_137 = arith.constant 16 : index
        %parallel_loop3A_138 = tpu.vector_load %arg16[%parallel_loop3A_136, %parallel_loop3A_137] {strides = array<i32>} : memref<80x128xf32, #tpu.memory_space<vmem>>, vector<1x16xf32>,
        %parallel_loop3A_139 = vector.shape_cast %parallel_loop3A_138 : vector<1x16xf32> to vector<16xf32>
        %parallel_loop3A_140 = arith.addf %parallel_loop3A_135, %parallel_loop3A_139 : vector<16xf32>
        %parallel_loop3A_141 = arith.index_cast %parallel_loop3A_117 : i32 to index
        %parallel_loop3A_142 = arith.constant 16 : index
        %parallel_loop3A_143 = tpu.vector_load %arg15[%parallel_loop3A_141, %parallel_loop3A_142] {strides = array<i32>} : memref<80x128xf32, #tpu.memory_space<vmem>>, vector<1x16xf32>,
        %parallel_loop3A_144 = vector.shape_cast %parallel_loop3A_143 : vector<1x16xf32> to vector<16xf32>
        %parallel_loop3A_145 = vector.shape_cast %parallel_loop3A_140 : vector<16xf32> to vector<1x16xf32>
        tpu.vector_store %arg15[%parallel_loop3A_141, %parallel_loop3A_142], %parallel_loop3A_145 {strides = array<i32>} : memref<80x128xf32, #tpu.memory_space<vmem>>, vector<1x16xf32>,
        %parallel_loop3A_146 = arith.index_cast %parallel_loop3A_117 : i32 to index
        %parallel_loop3A_147 = arith.constant 32 : index
        %parallel_loop3A_148 = tpu.vector_load %arg15[%parallel_loop3A_146, %parallel_loop3A_147] {strides = array<i32>} : memref<80x128xf32, #tpu.memory_space<vmem>>, vector<1x16xf32>,
        %parallel_loop3A_149 = vector.shape_cast %parallel_loop3A_148 : vector<1x16xf32> to vector<16xf32>
        %parallel_loop3A_150 = arith.index_cast %parallel_loop3A_117 : i32 to index
        %parallel_loop3A_151 = arith.constant 32 : index
        %parallel_loop3A_152 = tpu.vector_load %arg16[%parallel_loop3A_150, %parallel_loop3A_151] {strides = array<i32>} : memref<80x128xf32, #tpu.memory_space<vmem>>, vector<1x16xf32>,
        %parallel_loop3A_153 = vector.shape_cast %parallel_loop3A_152 : vector<1x16xf32> to vector<16xf32>
        %parallel_loop3A_154 = arith.addf %parallel_loop3A_149, %parallel_loop3A_153 : vector<16xf32>
        %parallel_loop3A_155 = arith.index_cast %parallel_loop3A_117 : i32 to index
        %parallel_loop3A_156 = arith.constant 32 : index
        %parallel_loop3A_157 = tpu.vector_load %arg15[%parallel_loop3A_155, %parallel_loop3A_156] {strides = array<i32>} : memref<80x128xf32, #tpu.memory_space<vmem>>, vector<1x16xf32>,
        %parallel_loop3A_158 = vector.shape_cast %parallel_loop3A_157 : vector<1x16xf32> to vector<16xf32>
        %parallel_loop3A_159 = vector.shape_cast %parallel_loop3A_154 : vector<16xf32> to vector<1x16xf32>
        tpu.vector_store %arg15[%parallel_loop3A_155, %parallel_loop3A_156], %parallel_loop3A_159 {strides = array<i32>} : memref<80x128xf32, #tpu.memory_space<vmem>>, vector<1x16xf32>,
        %parallel_loop3A_160 = arith.index_cast %parallel_loop3A_117 : i32 to index
        %parallel_loop3A_161 = arith.constant 48 : index
        %parallel_loop3A_162 = tpu.vector_load %arg15[%parallel_loop3A_160, %parallel_loop3A_161] {strides = array<i32>} : memref<80x128xf32, #tpu.memory_space<vmem>>, vector<1x16xf32>,
        %parallel_loop3A_163 = vector.shape_cast %parallel_loop3A_162 : vector<1x16xf32> to vector<16xf32>
        %parallel_loop3A_164 = arith.index_cast %parallel_loop3A_117 : i32 to index
        %parallel_loop3A_165 = arith.constant 48 : index
        %parallel_loop3A_166 = tpu.vector_load %arg16[%parallel_loop3A_164, %parallel_loop3A_165] {strides = array<i32>} : memref<80x128xf32, #tpu.memory_space<vmem>>, vector<1x16xf32>,
        %parallel_loop3A_167 = vector.shape_cast %parallel_loop3A_166 : vector<1x16xf32> to vector<16xf32>
        %parallel_loop3A_168 = arith.addf %parallel_loop3A_163, %parallel_loop3A_167 : vector<16xf32>
        %parallel_loop3A_169 = arith.index_cast %parallel_loop3A_117 : i32 to index
        %parallel_loop3A_170 = arith.constant 48 : index
        %parallel_loop3A_171 = tpu.vector_load %arg15[%parallel_loop3A_169, %parallel_loop3A_170] {strides = array<i32>} : memref<80x128xf32, #tpu.memory_space<vmem>>, vector<1x16xf32>,
        %parallel_loop3A_172 = vector.shape_cast %parallel_loop3A_171 : vector<1x16xf32> to vector<16xf32>
        %parallel_loop3A_173 = vector.shape_cast %parallel_loop3A_168 : vector<16xf32> to vector<1x16xf32>
        tpu.vector_store %arg15[%parallel_loop3A_169, %parallel_loop3A_170], %parallel_loop3A_173 {strides = array<i32>} : memref<80x128xf32, #tpu.memory_space<vmem>>, vector<1x16xf32>,
        %parallel_loop3A_174 = arith.index_cast %parallel_loop3A_117 : i32 to index
        %parallel_loop3A_175 = arith.constant 64 : index
        %parallel_loop3A_176 = tpu.vector_load %arg15[%parallel_loop3A_174, %parallel_loop3A_175] {strides = array<i32>} : memref<80x128xf32, #tpu.memory_space<vmem>>, vector<1x16xf32>,
        %parallel_loop3A_177 = vector.shape_cast %parallel_loop3A_176 : vector<1x16xf32> to vector<16xf32>
        %parallel_loop3A_178 = arith.index_cast %parallel_loop3A_117 : i32 to index
        %parallel_loop3A_179 = arith.constant 64 : index
        %parallel_loop3A_180 = tpu.vector_load %arg16[%parallel_loop3A_178, %parallel_loop3A_179] {strides = array<i32>} : memref<80x128xf32, #tpu.memory_space<vmem>>, vector<1x16xf32>,
        %parallel_loop3A_181 = vector.shape_cast %parallel_loop3A_180 : vector<1x16xf32> to vector<16xf32>
        %parallel_loop3A_182 = arith.addf %parallel_loop3A_177, %parallel_loop3A_181 : vector<16xf32>
        %parallel_loop3A_183 = arith.index_cast %parallel_loop3A_117 : i32 to index
        %parallel_loop3A_184 = arith.constant 64 : index
        %parallel_loop3A_185 = tpu.vector_load %arg15[%parallel_loop3A_183, %parallel_loop3A_184] {strides = array<i32>} : memref<80x128xf32, #tpu.memory_space<vmem>>, vector<1x16xf32>,
        %parallel_loop3A_186 = vector.shape_cast %parallel_loop3A_185 : vector<1x16xf32> to vector<16xf32>
        %parallel_loop3A_187 = vector.shape_cast %parallel_loop3A_182 : vector<16xf32> to vector<1x16xf32>
        tpu.vector_store %arg15[%parallel_loop3A_183, %parallel_loop3A_184], %parallel_loop3A_187 {strides = array<i32>} : memref<80x128xf32, #tpu.memory_space<vmem>>, vector<1x16xf32>,
        %parallel_loop3A_188 = arith.index_cast %parallel_loop3A_117 : i32 to index
        %parallel_loop3A_189 = arith.constant 80 : index
        %parallel_loop3A_190 = tpu.vector_load %arg15[%parallel_loop3A_188, %parallel_loop3A_189] {strides = array<i32>} : memref<80x128xf32, #tpu.memory_space<vmem>>, vector<1x16xf32>,
        %parallel_loop3A_191 = vector.shape_cast %parallel_loop3A_190 : vector<1x16xf32> to vector<16xf32>
        %parallel_loop3A_192 = arith.index_cast %parallel_loop3A_117 : i32 to index
        %parallel_loop3A_193 = arith.constant 80 : index
        %parallel_loop3A_194 = tpu.vector_load %arg16[%parallel_loop3A_192, %parallel_loop3A_193] {strides = array<i32>} : memref<80x128xf32, #tpu.memory_space<vmem>>, vector<1x16xf32>,
        %parallel_loop3A_195 = vector.shape_cast %parallel_loop3A_194 : vector<1x16xf32> to vector<16xf32>
        %parallel_loop3A_196 = arith.addf %parallel_loop3A_191, %parallel_loop3A_195 : vector<16xf32>
        %parallel_loop3A_197 = arith.index_cast %parallel_loop3A_117 : i32 to index
        %parallel_loop3A_198 = arith.constant 80 : index
        %parallel_loop3A_199 = tpu.vector_load %arg15[%parallel_loop3A_197, %parallel_loop3A_198] {strides = array<i32>} : memref<80x128xf32, #tpu.memory_space<vmem>>, vector<1x16xf32>,
        %parallel_loop3A_200 = vector.shape_cast %parallel_loop3A_199 : vector<1x16xf32> to vector<16xf32>
        %parallel_loop3A_201 = vector.shape_cast %parallel_loop3A_196 : vector<16xf32> to vector<1x16xf32>
        tpu.vector_store %arg15[%parallel_loop3A_197, %parallel_loop3A_198], %parallel_loop3A_201 {strides = array<i32>} : memref<80x128xf32, #tpu.memory_space<vmem>>, vector<1x16xf32>,
        %parallel_loop3A_202 = arith.index_cast %parallel_loop3A_117 : i32 to index
        %parallel_loop3A_203 = arith.constant 96 : index
        %parallel_loop3A_204 = tpu.vector_load %arg15[%parallel_loop3A_202, %parallel_loop3A_203] {strides = array<i32>} : memref<80x128xf32, #tpu.memory_space<vmem>>, vector<1x16xf32>,
        %parallel_loop3A_205 = vector.shape_cast %parallel_loop3A_204 : vector<1x16xf32> to vector<16xf32>
        %parallel_loop3A_206 = arith.index_cast %parallel_loop3A_117 : i32 to index
        %parallel_loop3A_207 = arith.constant 96 : index
        %parallel_loop3A_208 = tpu.vector_load %arg16[%parallel_loop3A_206, %parallel_loop3A_207] {strides = array<i32>} : memref<80x128xf32, #tpu.memory_space<vmem>>, vector<1x16xf32>,
        %parallel_loop3A_209 = vector.shape_cast %parallel_loop3A_208 : vector<1x16xf32> to vector<16xf32>
        %parallel_loop3A_210 = arith.addf %parallel_loop3A_205, %parallel_loop3A_209 : vector<16xf32>
        %parallel_loop3A_211 = arith.index_cast %parallel_loop3A_117 : i32 to index
        %parallel_loop3A_212 = arith.constant 96 : index
        %parallel_loop3A_213 = tpu.vector_load %arg15[%parallel_loop3A_211, %parallel_loop3A_212] {strides = array<i32>} : memref<80x128xf32, #tpu.memory_space<vmem>>, vector<1x16xf32>,
        %parallel_loop3A_214 = vector.shape_cast %parallel_loop3A_213 : vector<1x16xf32> to vector<16xf32>
        %parallel_loop3A_215 = vector.shape_cast %parallel_loop3A_210 : vector<16xf32> to vector<1x16xf32>
        tpu.vector_store %arg15[%parallel_loop3A_211, %parallel_loop3A_212], %parallel_loop3A_215 {strides = array<i32>} : memref<80x128xf32, #tpu.memory_space<vmem>>, vector<1x16xf32>,
        %parallel_loop3A_216 = arith.index_cast %parallel_loop3A_117 : i32 to index
        %parallel_loop3A_217 = arith.constant 112 : index
        %parallel_loop3A_218 = tpu.vector_load %arg15[%parallel_loop3A_216, %parallel_loop3A_217] {strides = array<i32>} : memref<80x128xf32, #tpu.memory_space<vmem>>, vector<1x16xf32>,
        %parallel_loop3A_219 = vector.shape_cast %parallel_loop3A_218 : vector<1x16xf32> to vector<16xf32>
        %parallel_loop3A_220 = arith.index_cast %parallel_loop3A_117 : i32 to index
        %parallel_loop3A_221 = arith.constant 112 : index
        %parallel_loop3A_222 = tpu.vector_load %arg16[%parallel_loop3A_220, %parallel_loop3A_221] {strides = array<i32>} : memref<80x128xf32, #tpu.memory_space<vmem>>, vector<1x16xf32>,
        %parallel_loop3A_223 = vector.shape_cast %parallel_loop3A_222 : vector<1x16xf32> to vector<16xf32>
        %parallel_loop3A_224 = arith.addf %parallel_loop3A_219, %parallel_loop3A_223 : vector<16xf32>
        %parallel_loop3A_225 = arith.index_cast %parallel_loop3A_117 : i32 to index
        %parallel_loop3A_226 = arith.constant 112 : index
        %parallel_loop3A_227 = tpu.vector_load %arg15[%parallel_loop3A_225, %parallel_loop3A_226] {strides = array<i32>} : memref<80x128xf32, #tpu.memory_space<vmem>>, vector<1x16xf32>,
        %parallel_loop3A_228 = vector.shape_cast %parallel_loop3A_227 : vector<1x16xf32> to vector<16xf32>
        %parallel_loop3A_229 = vector.shape_cast %parallel_loop3A_224 : vector<16xf32> to vector<1x16xf32>
        tpu.vector_store %arg15[%parallel_loop3A_225, %parallel_loop3A_226], %parallel_loop3A_229 {strides = array<i32>} : memref<80x128xf32, #tpu.memory_space<vmem>>, vector<1x16xf32>,
      } {sc.loop_unroll_factor = 4 : i64, sc.parallel_access}
      %dma_start3A_113 = arith.constant 0 : i32
      %dma_start3A_114 = tpu.memref_slice %arg6[%add3A_103, %dma_start3A_113] : memref<320000x128xf32, #tpu.memory_space<hbm>> -> memref<80x128xf32, #tpu.memory_space<hbm>>
      %dma_start3A_115 = arith.constant 0 : i32
      %dma_start3A_116 = tpu.memref_slice %arg6[%add3A_103, %dma_start3A_115] : memref<320000x128xf32, #tpu.memory_space<hbm>> -> memref<80x128xf32, #tpu.memory_space<hbm>>
      tpu.enqueue_dma source(%arg15 : memref<80x128xf32, #tpu.memory_space<vmem>>) target(%dma_start3A_116 : memref<80x128xf32, #tpu.memory_space<hbm>>) target_semaphore(%arg18 : memref<!tpu.dma_semaphore, #tpu.memory_space<semaphore_mem>>)
    }
    %scan3A_14 = arith.constant 62 : i32
    %mul3A_15 = arith.constant 10000 : i32
    %mul3A_16 = arith.muli %add3A, %mul3A_15 : i32
    %add3A_17 = arith.constant 9920 : i32
    %add3A_18 = arith.addi %mul3A_16, %add3A_17 : i32
    %dma_wait3A = arith.constant 0 : i32
    %dma_wait3A_19 = arith.constant 0 : i32
    %dma_wait3A_20 = tpu.memref_slice %arg4[%dma_wait3A, %dma_wait3A_19] : memref<10000x128xf32, #tpu.memory_space<hbm>> -> memref<10000x128xf32, #tpu.memory_space<hbm>>
    tpu.wait_indirect_dma semaphore(%arg11 : memref<!tpu.dma_semaphore, #tpu.memory_space<semaphore_mem>>) src(%dma_wait3A_20 : memref<10000x128xf32, #tpu.memory_space<hbm>>) dst(%arg9 : memref<80x128xf32, #tpu.memory_space<vmem>>)
    %dma_wait3A_21 = arith.constant 0 : i32
    %dma_wait3A_22 = arith.constant 0 : i32
    %dma_wait3A_23 = tpu.memref_slice %arg5[%dma_wait3A_21, %dma_wait3A_22] : memref<10000x128xf32, #tpu.memory_space<hbm>> -> memref<10000x128xf32, #tpu.memory_space<hbm>>
    tpu.wait_indirect_dma semaphore(%arg11 : memref<!tpu.dma_semaphore, #tpu.memory_space<semaphore_mem>>) src(%dma_wait3A_23 : memref<10000x128xf32, #tpu.memory_space<hbm>>) dst(%arg10 : memref<80x128xf32, #tpu.memory_space<vmem>>)
    %parallel_loop3A = arith.constant 0 : i32
    %parallel_loop3A_24 = arith.constant 80 : i32
    %parallel_loop3A_25 = arith.constant 1 : i32
    scf.for %parallel_loop3A_42 = %parallel_loop3A to %parallel_loop3A_24 step %parallel_loop3A_25  : i32 {
      %parallel_loop3A_43 = arith.index_cast %parallel_loop3A_42 : i32 to index
      %parallel_loop3A_44 = arith.constant 0 : index
      %parallel_loop3A_45 = tpu.vector_load %arg9[%parallel_loop3A_43, %parallel_loop3A_44] {strides = array<i32>} : memref<80x128xf32, #tpu.memory_space<vmem>>, vector<1x16xf32>,
      %parallel_loop3A_46 = vector.shape_cast %parallel_loop3A_45 : vector<1x16xf32> to vector<16xf32>
      %parallel_loop3A_47 = arith.index_cast %parallel_loop3A_42 : i32 to index
      %parallel_loop3A_48 = arith.constant 0 : index
      %parallel_loop3A_49 = tpu.vector_load %arg10[%parallel_loop3A_47, %parallel_loop3A_48] {strides = array<i32>} : memref<80x128xf32, #tpu.memory_space<vmem>>, vector<1x16xf32>,
      %parallel_loop3A_50 = vector.shape_cast %parallel_loop3A_49 : vector<1x16xf32> to vector<16xf32>
      %parallel_loop3A_51 = arith.addf %parallel_loop3A_46, %parallel_loop3A_50 : vector<16xf32>
      %parallel_loop3A_52 = arith.index_cast %parallel_loop3A_42 : i32 to index
      %parallel_loop3A_53 = arith.constant 0 : index
      %parallel_loop3A_54 = tpu.vector_load %arg9[%parallel_loop3A_52, %parallel_loop3A_53] {strides = array<i32>} : memref<80x128xf32, #tpu.memory_space<vmem>>, vector<1x16xf32>,
      %parallel_loop3A_55 = vector.shape_cast %parallel_loop3A_54 : vector<1x16xf32> to vector<16xf32>
      %parallel_loop3A_56 = vector.shape_cast %parallel_loop3A_51 : vector<16xf32> to vector<1x16xf32>
      tpu.vector_store %arg9[%parallel_loop3A_52, %parallel_loop3A_53], %parallel_loop3A_56 {strides = array<i32>} : memref<80x128xf32, #tpu.memory_space<vmem>>, vector<1x16xf32>,
      %parallel_loop3A_57 = arith.index_cast %parallel_loop3A_42 : i32 to index
      %parallel_loop3A_58 = arith.constant 16 : index
      %parallel_loop3A_59 = tpu.vector_load %arg9[%parallel_loop3A_57, %parallel_loop3A_58] {strides = array<i32>} : memref<80x128xf32, #tpu.memory_space<vmem>>, vector<1x16xf32>,
      %parallel_loop3A_60 = vector.shape_cast %parallel_loop3A_59 : vector<1x16xf32> to vector<16xf32>
      %parallel_loop3A_61 = arith.index_cast %parallel_loop3A_42 : i32 to index
      %parallel_loop3A_62 = arith.constant 16 : index
      %parallel_loop3A_63 = tpu.vector_load %arg10[%parallel_loop3A_61, %parallel_loop3A_62] {strides = array<i32>} : memref<80x128xf32, #tpu.memory_space<vmem>>, vector<1x16xf32>,
      %parallel_loop3A_64 = vector.shape_cast %parallel_loop3A_63 : vector<1x16xf32> to vector<16xf32>
      %parallel_loop3A_65 = arith.addf %parallel_loop3A_60, %parallel_loop3A_64 : vector<16xf32>
      %parallel_loop3A_66 = arith.index_cast %parallel_loop3A_42 : i32 to index
      %parallel_loop3A_67 = arith.constant 16 : index
      %parallel_loop3A_68 = tpu.vector_load %arg9[%parallel_loop3A_66, %parallel_loop3A_67] {strides = array<i32>} : memref<80x128xf32, #tpu.memory_space<vmem>>, vector<1x16xf32>,
      %parallel_loop3A_69 = vector.shape_cast %parallel_loop3A_68 : vector<1x16xf32> to vector<16xf32>
      %parallel_loop3A_70 = vector.shape_cast %parallel_loop3A_65 : vector<16xf32> to vector<1x16xf32>
      tpu.vector_store %arg9[%parallel_loop3A_66, %parallel_loop3A_67], %parallel_loop3A_70 {strides = array<i32>} : memref<80x128xf32, #tpu.memory_space<vmem>>, vector<1x16xf32>,
      %parallel_loop3A_71 = arith.index_cast %parallel_loop3A_42 : i32 to index
      %parallel_loop3A_72 = arith.constant 32 : index
      %parallel_loop3A_73 = tpu.vector_load %arg9[%parallel_loop3A_71, %parallel_loop3A_72] {strides = array<i32>} : memref<80x128xf32, #tpu.memory_space<vmem>>, vector<1x16xf32>,
      %parallel_loop3A_74 = vector.shape_cast %parallel_loop3A_73 : vector<1x16xf32> to vector<16xf32>
      %parallel_loop3A_75 = arith.index_cast %parallel_loop3A_42 : i32 to index
      %parallel_loop3A_76 = arith.constant 32 : index
      %parallel_loop3A_77 = tpu.vector_load %arg10[%parallel_loop3A_75, %parallel_loop3A_76] {strides = array<i32>} : memref<80x128xf32, #tpu.memory_space<vmem>>, vector<1x16xf32>,
      %parallel_loop3A_78 = vector.shape_cast %parallel_loop3A_77 : vector<1x16xf32> to vector<16xf32>
      %parallel_loop3A_79 = arith.addf %parallel_loop3A_74, %parallel_loop3A_78 : vector<16xf32>
      %parallel_loop3A_80 = arith.index_cast %parallel_loop3A_42 : i32 to index
      %parallel_loop3A_81 = arith.constant 32 : index
      %parallel_loop3A_82 = tpu.vector_load %arg9[%parallel_loop3A_80, %parallel_loop3A_81] {strides = array<i32>} : memref<80x128xf32, #tpu.memory_space<vmem>>, vector<1x16xf32>,
      %parallel_loop3A_83 = vector.shape_cast %parallel_loop3A_82 : vector<1x16xf32> to vector<16xf32>
      %parallel_loop3A_84 = vector.shape_cast %parallel_loop3A_79 : vector<16xf32> to vector<1x16xf32>
      tpu.vector_store %arg9[%parallel_loop3A_80, %parallel_loop3A_81], %parallel_loop3A_84 {strides = array<i32>} : memref<80x128xf32, #tpu.memory_space<vmem>>, vector<1x16xf32>,
      %parallel_loop3A_85 = arith.index_cast %parallel_loop3A_42 : i32 to index
      %parallel_loop3A_86 = arith.constant 48 : index
      %parallel_loop3A_87 = tpu.vector_load %arg9[%parallel_loop3A_85, %parallel_loop3A_86] {strides = array<i32>} : memref<80x128xf32, #tpu.memory_space<vmem>>, vector<1x16xf32>,
      %parallel_loop3A_88 = vector.shape_cast %parallel_loop3A_87 : vector<1x16xf32> to vector<16xf32>
      %parallel_loop3A_89 = arith.index_cast %parallel_loop3A_42 : i32 to index
      %parallel_loop3A_90 = arith.constant 48 : index
      %parallel_loop3A_91 = tpu.vector_load %arg10[%parallel_loop3A_89, %parallel_loop3A_90] {strides = array<i32>} : memref<80x128xf32, #tpu.memory_space<vmem>>, vector<1x16xf32>,
      %parallel_loop3A_92 = vector.shape_cast %parallel_loop3A_91 : vector<1x16xf32> to vector<16xf32>
      %parallel_loop3A_93 = arith.addf %parallel_loop3A_88, %parallel_loop3A_92 : vector<16xf32>
      %parallel_loop3A_94 = arith.index_cast %parallel_loop3A_42 : i32 to index
      %parallel_loop3A_95 = arith.constant 48 : index
      %parallel_loop3A_96 = tpu.vector_load %arg9[%parallel_loop3A_94, %parallel_loop3A_95] {strides = array<i32>} : memref<80x128xf32, #tpu.memory_space<vmem>>, vector<1x16xf32>,
      %parallel_loop3A_97 = vector.shape_cast %parallel_loop3A_96 : vector<1x16xf32> to vector<16xf32>
      %parallel_loop3A_98 = vector.shape_cast %parallel_loop3A_93 : vector<16xf32> to vector<1x16xf32>
      tpu.vector_store %arg9[%parallel_loop3A_94, %parallel_loop3A_95], %parallel_loop3A_98 {strides = array<i32>} : memref<80x128xf32, #tpu.memory_space<vmem>>, vector<1x16xf32>,
      %parallel_loop3A_99 = arith.index_cast %parallel_loop3A_42 : i32 to index
      %parallel_loop3A_100 = arith.constant 64 : index
      %parallel_loop3A_101 = tpu.vector_load %arg9[%parallel_loop3A_99, %parallel_loop3A_100] {strides = array<i32>} : memref<80x128xf32, #tpu.memory_space<vmem>>, vector<1x16xf32>,
      %parallel_loop3A_102 = vector.shape_cast %parallel_loop3A_101 : vector<1x16xf32> to vector<16xf32>
      %parallel_loop3A_103 = arith.index_cast %parallel_loop3A_42 : i32 to index
      %parallel_loop3A_104 = arith.constant 64 : index
      %parallel_loop3A_105 = tpu.vector_load %arg10[%parallel_loop3A_103, %parallel_loop3A_104] {strides = array<i32>} : memref<80x128xf32, #tpu.memory_space<vmem>>, vector<1x16xf32>,
      %parallel_loop3A_106 = vector.shape_cast %parallel_loop3A_105 : vector<1x16xf32> to vector<16xf32>
      %parallel_loop3A_107 = arith.addf %parallel_loop3A_102, %parallel_loop3A_106 : vector<16xf32>
      %parallel_loop3A_108 = arith.index_cast %parallel_loop3A_42 : i32 to index
      %parallel_loop3A_109 = arith.constant 64 : index
      %parallel_loop3A_110 = tpu.vector_load %arg9[%parallel_loop3A_108, %parallel_loop3A_109] {strides = array<i32>} : memref<80x128xf32, #tpu.memory_space<vmem>>, vector<1x16xf32>,
      %parallel_loop3A_111 = vector.shape_cast %parallel_loop3A_110 : vector<1x16xf32> to vector<16xf32>
      %parallel_loop3A_112 = vector.shape_cast %parallel_loop3A_107 : vector<16xf32> to vector<1x16xf32>
      tpu.vector_store %arg9[%parallel_loop3A_108, %parallel_loop3A_109], %parallel_loop3A_112 {strides = array<i32>} : memref<80x128xf32, #tpu.memory_space<vmem>>, vector<1x16xf32>,
      %parallel_loop3A_113 = arith.index_cast %parallel_loop3A_42 : i32 to index
      %parallel_loop3A_114 = arith.constant 80 : index
      %parallel_loop3A_115 = tpu.vector_load %arg9[%parallel_loop3A_113, %parallel_loop3A_114] {strides = array<i32>} : memref<80x128xf32, #tpu.memory_space<vmem>>, vector<1x16xf32>,
      %parallel_loop3A_116 = vector.shape_cast %parallel_loop3A_115 : vector<1x16xf32> to vector<16xf32>
      %parallel_loop3A_117 = arith.index_cast %parallel_loop3A_42 : i32 to index
      %parallel_loop3A_118 = arith.constant 80 : index
      %parallel_loop3A_119 = tpu.vector_load %arg10[%parallel_loop3A_117, %parallel_loop3A_118] {strides = array<i32>} : memref<80x128xf32, #tpu.memory_space<vmem>>, vector<1x16xf32>,
      %parallel_loop3A_120 = vector.shape_cast %parallel_loop3A_119 : vector<1x16xf32> to vector<16xf32>
      %parallel_loop3A_121 = arith.addf %parallel_loop3A_116, %parallel_loop3A_120 : vector<16xf32>
      %parallel_loop3A_122 = arith.index_cast %parallel_loop3A_42 : i32 to index
      %parallel_loop3A_123 = arith.constant 80 : index
      %parallel_loop3A_124 = tpu.vector_load %arg9[%parallel_loop3A_122, %parallel_loop3A_123] {strides = array<i32>} : memref<80x128xf32, #tpu.memory_space<vmem>>, vector<1x16xf32>,
      %parallel_loop3A_125 = vector.shape_cast %parallel_loop3A_124 : vector<1x16xf32> to vector<16xf32>
      %parallel_loop3A_126 = vector.shape_cast %parallel_loop3A_121 : vector<16xf32> to vector<1x16xf32>
      tpu.vector_store %arg9[%parallel_loop3A_122, %parallel_loop3A_123], %parallel_loop3A_126 {strides = array<i32>} : memref<80x128xf32, #tpu.memory_space<vmem>>, vector<1x16xf32>,
      %parallel_loop3A_127 = arith.index_cast %parallel_loop3A_42 : i32 to index
      %parallel_loop3A_128 = arith.constant 96 : index
      %parallel_loop3A_129 = tpu.vector_load %arg9[%parallel_loop3A_127, %parallel_loop3A_128] {strides = array<i32>} : memref<80x128xf32, #tpu.memory_space<vmem>>, vector<1x16xf32>,
      %parallel_loop3A_130 = vector.shape_cast %parallel_loop3A_129 : vector<1x16xf32> to vector<16xf32>
      %parallel_loop3A_131 = arith.index_cast %parallel_loop3A_42 : i32 to index
      %parallel_loop3A_132 = arith.constant 96 : index
      %parallel_loop3A_133 = tpu.vector_load %arg10[%parallel_loop3A_131, %parallel_loop3A_132] {strides = array<i32>} : memref<80x128xf32, #tpu.memory_space<vmem>>, vector<1x16xf32>,
      %parallel_loop3A_134 = vector.shape_cast %parallel_loop3A_133 : vector<1x16xf32> to vector<16xf32>
      %parallel_loop3A_135 = arith.addf %parallel_loop3A_130, %parallel_loop3A_134 : vector<16xf32>
      %parallel_loop3A_136 = arith.index_cast %parallel_loop3A_42 : i32 to index
      %parallel_loop3A_137 = arith.constant 96 : index
      %parallel_loop3A_138 = tpu.vector_load %arg9[%parallel_loop3A_136, %parallel_loop3A_137] {strides = array<i32>} : memref<80x128xf32, #tpu.memory_space<vmem>>, vector<1x16xf32>,
      %parallel_loop3A_139 = vector.shape_cast %parallel_loop3A_138 : vector<1x16xf32> to vector<16xf32>
      %parallel_loop3A_140 = vector.shape_cast %parallel_loop3A_135 : vector<16xf32> to vector<1x16xf32>
      tpu.vector_store %arg9[%parallel_loop3A_136, %parallel_loop3A_137], %parallel_loop3A_140 {strides = array<i32>} : memref<80x128xf32, #tpu.memory_space<vmem>>, vector<1x16xf32>,
      %parallel_loop3A_141 = arith.index_cast %parallel_loop3A_42 : i32 to index
      %parallel_loop3A_142 = arith.constant 112 : index
      %parallel_loop3A_143 = tpu.vector_load %arg9[%parallel_loop3A_141, %parallel_loop3A_142] {strides = array<i32>} : memref<80x128xf32, #tpu.memory_space<vmem>>, vector<1x16xf32>,
      %parallel_loop3A_144 = vector.shape_cast %parallel_loop3A_143 : vector<1x16xf32> to vector<16xf32>
      %parallel_loop3A_145 = arith.index_cast %parallel_loop3A_42 : i32 to index
      %parallel_loop3A_146 = arith.constant 112 : index
      %parallel_loop3A_147 = tpu.vector_load %arg10[%parallel_loop3A_145, %parallel_loop3A_146] {strides = array<i32>} : memref<80x128xf32, #tpu.memory_space<vmem>>, vector<1x16xf32>,
      %parallel_loop3A_148 = vector.shape_cast %parallel_loop3A_147 : vector<1x16xf32> to vector<16xf32>
      %parallel_loop3A_149 = arith.addf %parallel_loop3A_144, %parallel_loop3A_148 : vector<16xf32>
      %parallel_loop3A_150 = arith.index_cast %parallel_loop3A_42 : i32 to index
      %parallel_loop3A_151 = arith.constant 112 : index
      %parallel_loop3A_152 = tpu.vector_load %arg9[%parallel_loop3A_150, %parallel_loop3A_151] {strides = array<i32>} : memref<80x128xf32, #tpu.memory_space<vmem>>, vector<1x16xf32>,
      %parallel_loop3A_153 = vector.shape_cast %parallel_loop3A_152 : vector<1x16xf32> to vector<16xf32>
      %parallel_loop3A_154 = vector.shape_cast %parallel_loop3A_149 : vector<16xf32> to vector<1x16xf32>
      tpu.vector_store %arg9[%parallel_loop3A_150, %parallel_loop3A_151], %parallel_loop3A_154 {strides = array<i32>} : memref<80x128xf32, #tpu.memory_space<vmem>>, vector<1x16xf32>,
    } {sc.loop_unroll_factor = 4 : i64, sc.parallel_access}
    %dma_start3A_26 = arith.constant 0 : i32
    %dma_start3A_27 = tpu.memref_slice %arg6[%add3A_18, %dma_start3A_26] : memref<320000x128xf32, #tpu.memory_space<hbm>> -> memref<80x128xf32, #tpu.memory_space<hbm>>
    %dma_start3A_28 = arith.constant 0 : i32
    %dma_start3A_29 = tpu.memref_slice %arg6[%add3A_18, %dma_start3A_28] : memref<320000x128xf32, #tpu.memory_space<hbm>> -> memref<80x128xf32, #tpu.memory_space<hbm>>
    tpu.enqueue_dma source(%arg9 : memref<80x128xf32, #tpu.memory_space<vmem>>) target(%dma_start3A_29 : memref<80x128xf32, #tpu.memory_space<hbm>>) target_semaphore(%arg12 : memref<!tpu.dma_semaphore, #tpu.memory_space<semaphore_mem>>)
    %dma_wait3A_30 = arith.constant 0 : i32
    %dma_wait3A_31 = arith.constant 0 : i32
    %dma_wait3A_32 = tpu.memref_slice %arg6[%dma_wait3A_30, %dma_wait3A_31] : memref<320000x128xf32, #tpu.memory_space<hbm>> -> memref<80x128xf32, #tpu.memory_space<hbm>>
    %dma_wait3A_33 = arith.constant 0 : i32
    %dma_wait3A_34 = arith.constant 0 : i32
    %dma_wait3A_35 = tpu.memref_slice %arg6[%dma_wait3A_33, %dma_wait3A_34] : memref<320000x128xf32, #tpu.memory_space<hbm>> -> memref<80x128xf32, #tpu.memory_space<hbm>>
    tpu.wait_dma2 semaphore(%arg18 : memref<!tpu.dma_semaphore, #tpu.memory_space<semaphore_mem>>) src(%arg15 : memref<80x128xf32, #tpu.memory_space<vmem>>) dst(%dma_wait3A_35 : memref<80x128xf32, #tpu.memory_space<hbm>>)
    %dma_wait3A_36 = arith.constant 0 : i32
    %dma_wait3A_37 = arith.constant 0 : i32
    %dma_wait3A_38 = tpu.memref_slice %arg6[%dma_wait3A_36, %dma_wait3A_37] : memref<320000x128xf32, #tpu.memory_space<hbm>> -> memref<80x128xf32, #tpu.memory_space<hbm>>
    %dma_wait3A_39 = arith.constant 0 : i32
    %dma_wait3A_40 = arith.constant 0 : i32
    %dma_wait3A_41 = tpu.memref_slice %arg6[%dma_wait3A_39, %dma_wait3A_40] : memref<320000x128xf32, #tpu.memory_space<hbm>> -> memref<80x128xf32, #tpu.memory_space<hbm>>
    tpu.wait_dma2 semaphore(%arg12 : memref<!tpu.dma_semaphore, #tpu.memory_space<semaphore_mem>>) src(%arg9 : memref<80x128xf32, #tpu.memory_space<vmem>>) dst(%dma_wait3A_41 : memref<80x128xf32, #tpu.memory_space<hbm>>)
    return
  }
}

module attributes {stable_mosaic.version = 14 : i64} {
  func.func @_node_dense_body(%arg0: i32, %arg1: memref<2000x128xf32, #tpu.memory_space<vmem>>, %arg2: memref<128x512xf32, #tpu.memory_space<vmem>>, %arg3: memref<1x512xf32, #tpu.memory_space<vmem>>, %arg4: memref<2000x128xf32, #tpu.memory_space<vmem>>, %arg5: memref<2000x128xf32, #tpu.memory_space<vmem>>, %arg6: memref<2000x128xf32, #tpu.memory_space<vmem>>, %arg7: memref<2000x128xf32, #tpu.memory_space<vmem>>) attributes {dimension_semantics = [#tpu.dimension_semantics<arbitrary>], iteration_bounds = array<i64: 5>, scalar_prefetch = 0 : i64, scratch_operands = 0 : i64, tpu.core_type = #tpu.core_type<tc>, window_params = [{transform_indices = @transform_0, window_bounds = array<i64: 2000, 128>}, {pipeline_mode = #tpu.pipeline_mode<synchronous>, transform_indices = @transform_1, window_bounds = array<i64: 128, 512>}, {pipeline_mode = #tpu.pipeline_mode<synchronous>, transform_indices = @transform_2, window_bounds = array<i64: 1, 512>}, {transform_indices = @transform_3, window_bounds = array<i64: 2000, 128>}, {transform_indices = @transform_4, window_bounds = array<i64: 2000, 128>}, {transform_indices = @transform_5, window_bounds = array<i64: 2000, 128>}, {transform_indices = @transform_6, window_bounds = array<i64: 2000, 128>}]} {
    %get3A = arith.constant 0 : index
    %get3A_0 = arith.constant 0 : index
    %get3A_1 = vector.load %arg1[%get3A, %get3A_0] : memref<2000x128xf32, #tpu.memory_space<vmem>>, vector<2000x128xf32>
    %get3A_2 = arith.constant 0 : index
    %get3A_3 = arith.constant 0 : index
    %get3A_4 = vector.load %arg2[%get3A_2, %get3A_3] : memref<128x512xf32, #tpu.memory_space<vmem>>, vector<128x512xf32>
    %dot_general3A = arith.constant dense<0.000000e+00> : vector<2000x512xf32>
    %dot_general3A_5 = tpu.matmul %get3A_1, %get3A_4, %dot_general3A {dimension_numbers = #tpu.dot_dimension_numbers<[1], [0], [0], [1], [0, 0, 1, 1], [], []>, transpose_lhs_hint = false} : vector<2000x128xf32>, vector<128x512xf32>, vector<2000x512xf32> -> vector<2000x512xf32>
    %get3A_6 = arith.constant 0 : index
    %get3A_7 = arith.constant 0 : index
    %get3A_8 = vector.load %arg3[%get3A_6, %get3A_7] : memref<1x512xf32, #tpu.memory_space<vmem>>, vector<1x512xf32>
    %add3A = vector.broadcast %get3A_8 : vector<1x512xf32> to vector<2000x512xf32>
    %add3A_9 = arith.addf %dot_general3A_5, %add3A : vector<2000x512xf32>
    %slice3A = vector.extract_strided_slice %add3A_9 {offsets = [0, 0], sizes = [2000, 128], strides = [1, 1]} : vector<2000x512xf32> to vector<2000x128xf32>
    %swap3A = arith.constant 0 : index
    %swap3A_10 = arith.constant 0 : index
    %swap3A_11 = vector.load %arg4[%swap3A, %swap3A_10] : memref<2000x128xf32, #tpu.memory_space<vmem>>, vector<2000x128xf32>
    tpu.vector_store %arg4[%swap3A, %swap3A_10], %slice3A {strides = array<i32>} : memref<2000x128xf32, #tpu.memory_space<vmem>>, vector<2000x128xf32>,
    %slice3A_12 = vector.extract_strided_slice %add3A_9 {offsets = [0, 128], sizes = [2000, 128], strides = [1, 1]} : vector<2000x512xf32> to vector<2000x128xf32>
    %swap3A_13 = arith.constant 0 : index
    %swap3A_14 = arith.constant 0 : index
    %swap3A_15 = vector.load %arg5[%swap3A_13, %swap3A_14] : memref<2000x128xf32, #tpu.memory_space<vmem>>, vector<2000x128xf32>
    tpu.vector_store %arg5[%swap3A_13, %swap3A_14], %slice3A_12 {strides = array<i32>} : memref<2000x128xf32, #tpu.memory_space<vmem>>, vector<2000x128xf32>,
    %slice3A_16 = vector.extract_strided_slice %add3A_9 {offsets = [0, 256], sizes = [2000, 128], strides = [1, 1]} : vector<2000x512xf32> to vector<2000x128xf32>
    %swap3A_17 = arith.constant 0 : index
    %swap3A_18 = arith.constant 0 : index
    %swap3A_19 = vector.load %arg6[%swap3A_17, %swap3A_18] : memref<2000x128xf32, #tpu.memory_space<vmem>>, vector<2000x128xf32>
    tpu.vector_store %arg6[%swap3A_17, %swap3A_18], %slice3A_16 {strides = array<i32>} : memref<2000x128xf32, #tpu.memory_space<vmem>>, vector<2000x128xf32>,
    %slice3A_20 = vector.extract_strided_slice %add3A_9 {offsets = [0, 384], sizes = [2000, 128], strides = [1, 1]} : vector<2000x512xf32> to vector<2000x128xf32>
    %swap3A_21 = arith.constant 0 : index
    %swap3A_22 = arith.constant 0 : index
    %swap3A_23 = vector.load %arg7[%swap3A_21, %swap3A_22] : memref<2000x128xf32, #tpu.memory_space<vmem>>, vector<2000x128xf32>
    tpu.vector_store %arg7[%swap3A_21, %swap3A_22], %slice3A_20 {strides = array<i32>} : memref<2000x128xf32, #tpu.memory_space<vmem>>, vector<2000x128xf32>,
    return
  }
  func.func @transform_0(%arg0: i32) -> (i32, i32) {
    %c0_i32 = arith.constant 0 : i32
    %c0_i32_0 = arith.constant 0 : i32
    return %arg0, %c0_i32 : i32, i32
  }
  func.func @transform_1(%arg0: i32) -> (i32, i32) {
    %c0_i32 = arith.constant 0 : i32
    %c0_i32_0 = arith.constant 0 : i32
    %c0_i32_1 = arith.constant 0 : i32
    return %c0_i32, %c0_i32_0 : i32, i32
  }
  func.func @transform_2(%arg0: i32) -> (i32, i32) {
    %c0_i32 = arith.constant 0 : i32
    %c0_i32_0 = arith.constant 0 : i32
    %c0_i32_1 = arith.constant 0 : i32
    return %c0_i32, %c0_i32_0 : i32, i32
  }
  func.func @transform_3(%arg0: i32) -> (i32, i32) {
    %c0_i32 = arith.constant 0 : i32
    %c0_i32_0 = arith.constant 0 : i32
    return %arg0, %c0_i32 : i32, i32
  }
  func.func @transform_4(%arg0: i32) -> (i32, i32) {
    %c0_i32 = arith.constant 0 : i32
    %c0_i32_0 = arith.constant 0 : i32
    return %arg0, %c0_i32 : i32, i32
  }
  func.func @transform_5(%arg0: i32) -> (i32, i32) {
    %c0_i32 = arith.constant 0 : i32
    %c0_i32_0 = arith.constant 0 : i32
    return %arg0, %c0_i32 : i32, i32
  }
  func.func @transform_6(%arg0: i32) -> (i32, i32) {
    %c0_i32 = arith.constant 0 : i32
    %c0_i32_0 = arith.constant 0 : i32
    return %arg0, %c0_i32 : i32, i32
  }
}

module attributes {stable_mosaic.version = 14 : i64} {
  func.func @_edgewise_body(%arg0: i32, %arg1: memref<4000x128xf32, #tpu.memory_space<vmem>>, %arg2: memref<4000x128xf32, #tpu.memory_space<vmem>>, %arg3: memref<128x128xf32, #tpu.memory_space<vmem>>, %arg4: memref<1x128xf32, #tpu.memory_space<vmem>>, %arg5: memref<1x128xf32, #tpu.memory_space<vmem>>, %arg6: memref<1x128xf32, #tpu.memory_space<vmem>>, %arg7: memref<4000x128xf32, #tpu.memory_space<vmem>>, %arg8: memref<4000x128xf32, #tpu.memory_space<vmem>>) attributes {dimension_semantics = [#tpu.dimension_semantics<arbitrary>], iteration_bounds = array<i64: 80>, scalar_prefetch = 0 : i64, scratch_operands = 0 : i64, tpu.core_type = #tpu.core_type<tc>, window_params = [{transform_indices = @transform_0, window_bounds = array<i64: 4000, 128>}, {transform_indices = @transform_1, window_bounds = array<i64: 4000, 128>}, {pipeline_mode = #tpu.pipeline_mode<synchronous>, transform_indices = @transform_2, window_bounds = array<i64: 128, 128>}, {pipeline_mode = #tpu.pipeline_mode<synchronous>, transform_indices = @transform_3, window_bounds = array<i64: 1, 128>}, {pipeline_mode = #tpu.pipeline_mode<synchronous>, transform_indices = @transform_4, window_bounds = array<i64: 1, 128>}, {pipeline_mode = #tpu.pipeline_mode<synchronous>, transform_indices = @transform_5, window_bounds = array<i64: 1, 128>}, {transform_indices = @transform_6, window_bounds = array<i64: 4000, 128>}, {transform_indices = @transform_7, window_bounds = array<i64: 4000, 128>}]} {
    %get3A = arith.constant 0 : index
    %get3A_0 = arith.constant 0 : index
    %get3A_1 = vector.load %arg2[%get3A, %get3A_0] : memref<4000x128xf32, #tpu.memory_space<vmem>>, vector<4000x128xf32>
    %get3A_2 = arith.constant 0 : index
    %get3A_3 = arith.constant 0 : index
    %get3A_4 = vector.load %arg3[%get3A_2, %get3A_3] : memref<128x128xf32, #tpu.memory_space<vmem>>, vector<128x128xf32>
    %dot_general3A = arith.constant dense<0.000000e+00> : vector<4000x128xf32>
    %dot_general3A_5 = tpu.matmul %get3A_1, %get3A_4, %dot_general3A {dimension_numbers = #tpu.dot_dimension_numbers<[1], [0], [0], [1], [0, 0, 1, 1], [], []>, transpose_lhs_hint = false} : vector<4000x128xf32>, vector<128x128xf32>, vector<4000x128xf32> -> vector<4000x128xf32>
    %get3A_6 = arith.constant 0 : index
    %get3A_7 = arith.constant 0 : index
    %get3A_8 = vector.load %arg1[%get3A_6, %get3A_7] : memref<4000x128xf32, #tpu.memory_space<vmem>>, vector<4000x128xf32>
    %add3A = arith.addf %get3A_8, %dot_general3A_5 : vector<4000x128xf32>
    %get3A_9 = arith.constant 0 : index
    %get3A_10 = arith.constant 0 : index
    %get3A_11 = vector.load %arg4[%get3A_9, %get3A_10] : memref<1x128xf32, #tpu.memory_space<vmem>>, vector<1x128xf32>
    %add3A_12 = vector.broadcast %get3A_11 : vector<1x128xf32> to vector<4000x128xf32>
    %add3A_13 = arith.addf %add3A, %add3A_12 : vector<4000x128xf32>
    %logistic3A = arith.negf %add3A_13 : vector<4000x128xf32>
    %logistic3A_14 = math.exp %logistic3A : vector<4000x128xf32>
    %logistic3A_15 = arith.constant 1.000000e+00 : f32
    %logistic3A_16 = vector.broadcast %logistic3A_15 : f32 to vector<4000x128xf32>
    %logistic3A_17 = arith.addf %logistic3A_16, %logistic3A_14 : vector<4000x128xf32>
    %logistic3A_18 = arith.divf %logistic3A_16, %logistic3A_17 : vector<4000x128xf32>
    %get3A_19 = arith.constant 0 : index
    %get3A_20 = arith.constant 0 : index
    %get3A_21 = vector.load %arg2[%get3A_19, %get3A_20] : memref<4000x128xf32, #tpu.memory_space<vmem>>, vector<4000x128xf32>
    %mul3A = arith.mulf %logistic3A_18, %get3A_21 : vector<4000x128xf32>
    %reduce_sum3A = arith.constant dense<0.000000e+00> : vector<4000xf32>
    %reduce_sum3A_22 = vector.multi_reduction <add>, %mul3A, %reduce_sum3A [1] : vector<4000x128xf32> to vector<4000xf32>
    %broadcast_in_dim3A = vector.shape_cast %reduce_sum3A_22 : vector<4000xf32> to vector<4000x1xf32>
    %div3A = arith.constant 1.280000e+02 : f32
    %div3A_23 = vector.broadcast %div3A : f32 to vector<4000x1xf32>
    %div3A_24 = arith.divf %broadcast_in_dim3A, %div3A_23 : vector<4000x1xf32>
    %sub3A = vector.broadcast %div3A_24 : vector<4000x1xf32> to vector<4000x128xf32>
    %sub3A_25 = arith.subf %mul3A, %sub3A : vector<4000x128xf32>
    %integer_pow3A = arith.mulf %sub3A_25, %sub3A_25 : vector<4000x128xf32>
    %reduce_sum3A_26 = arith.constant dense<0.000000e+00> : vector<4000xf32>
    %reduce_sum3A_27 = vector.multi_reduction <add>, %integer_pow3A, %reduce_sum3A_26 [1] : vector<4000x128xf32> to vector<4000xf32>
    %broadcast_in_dim3A_28 = vector.shape_cast %reduce_sum3A_27 : vector<4000xf32> to vector<4000x1xf32>
    %div3A_29 = arith.constant 1.280000e+02 : f32
    %div3A_30 = vector.broadcast %div3A_29 : f32 to vector<4000x1xf32>
    %div3A_31 = arith.divf %broadcast_in_dim3A_28, %div3A_30 : vector<4000x1xf32>
    %sub3A_32 = vector.broadcast %div3A_24 : vector<4000x1xf32> to vector<4000x128xf32>
    %sub3A_33 = arith.subf %mul3A, %sub3A_32 : vector<4000x128xf32>
    %add3A_34 = arith.constant 9.99999974E-6 : f32
    %add3A_35 = vector.broadcast %add3A_34 : f32 to vector<4000x1xf32>
    %add3A_36 = arith.addf %div3A_31, %add3A_35 : vector<4000x1xf32>
    %rsqrt3A = math.rsqrt %add3A_36 : vector<4000x1xf32>
    %mul3A_37 = vector.broadcast %rsqrt3A : vector<4000x1xf32> to vector<4000x128xf32>
    %mul3A_38 = arith.mulf %sub3A_33, %mul3A_37 : vector<4000x128xf32>
    %get3A_39 = arith.constant 0 : index
    %get3A_40 = arith.constant 0 : index
    %get3A_41 = vector.load %arg5[%get3A_39, %get3A_40] : memref<1x128xf32, #tpu.memory_space<vmem>>, vector<1x128xf32>
    %mul3A_42 = vector.broadcast %get3A_41 : vector<1x128xf32> to vector<4000x128xf32>
    %mul3A_43 = arith.mulf %mul3A_38, %mul3A_42 : vector<4000x128xf32>
    %get3A_44 = arith.constant 0 : index
    %get3A_45 = arith.constant 0 : index
    %get3A_46 = vector.load %arg6[%get3A_44, %get3A_45] : memref<1x128xf32, #tpu.memory_space<vmem>>, vector<1x128xf32>
    %add3A_47 = vector.broadcast %get3A_46 : vector<1x128xf32> to vector<4000x128xf32>
    %add3A_48 = arith.addf %mul3A_43, %add3A_47 : vector<4000x128xf32>
    %swap3A = arith.constant 0 : index
    %swap3A_49 = arith.constant 0 : index
    %swap3A_50 = vector.load %arg7[%swap3A, %swap3A_49] : memref<4000x128xf32, #tpu.memory_space<vmem>>, vector<4000x128xf32>
    tpu.vector_store %arg7[%swap3A, %swap3A_49], %add3A_48 {strides = array<i32>} : memref<4000x128xf32, #tpu.memory_space<vmem>>, vector<4000x128xf32>,
    %swap3A_51 = arith.constant 0 : index
    %swap3A_52 = arith.constant 0 : index
    %swap3A_53 = vector.load %arg8[%swap3A_51, %swap3A_52] : memref<4000x128xf32, #tpu.memory_space<vmem>>, vector<4000x128xf32>
    tpu.vector_store %arg8[%swap3A_51, %swap3A_52], %logistic3A_18 {strides = array<i32>} : memref<4000x128xf32, #tpu.memory_space<vmem>>, vector<4000x128xf32>,
    return
  }
  func.func @transform_0(%arg0: i32) -> (i32, i32) {
    %c0_i32 = arith.constant 0 : i32
    %c0_i32_0 = arith.constant 0 : i32
    return %arg0, %c0_i32 : i32, i32
  }
  func.func @transform_1(%arg0: i32) -> (i32, i32) {
    %c0_i32 = arith.constant 0 : i32
    %c0_i32_0 = arith.constant 0 : i32
    return %arg0, %c0_i32 : i32, i32
  }
  func.func @transform_2(%arg0: i32) -> (i32, i32) {
    %c0_i32 = arith.constant 0 : i32
    %c0_i32_0 = arith.constant 0 : i32
    %c0_i32_1 = arith.constant 0 : i32
    return %c0_i32, %c0_i32_0 : i32, i32
  }
  func.func @transform_3(%arg0: i32) -> (i32, i32) {
    %c0_i32 = arith.constant 0 : i32
    %c0_i32_0 = arith.constant 0 : i32
    %c0_i32_1 = arith.constant 0 : i32
    return %c0_i32, %c0_i32_0 : i32, i32
  }
  func.func @transform_4(%arg0: i32) -> (i32, i32) {
    %c0_i32 = arith.constant 0 : i32
    %c0_i32_0 = arith.constant 0 : i32
    %c0_i32_1 = arith.constant 0 : i32
    return %c0_i32, %c0_i32_0 : i32, i32
  }
  func.func @transform_5(%arg0: i32) -> (i32, i32) {
    %c0_i32 = arith.constant 0 : i32
    %c0_i32_0 = arith.constant 0 : i32
    %c0_i32_1 = arith.constant 0 : i32
    return %c0_i32, %c0_i32_0 : i32, i32
  }
  func.func @transform_6(%arg0: i32) -> (i32, i32) {
    %c0_i32 = arith.constant 0 : i32
    %c0_i32_0 = arith.constant 0 : i32
    return %arg0, %c0_i32 : i32, i32
  }
  func.func @transform_7(%arg0: i32) -> (i32, i32) {
    %c0_i32 = arith.constant 0 : i32
    %c0_i32_0 = arith.constant 0 : i32
    return %arg0, %c0_i32 : i32, i32
  }
}

module attributes {stable_mosaic.version = 14 : i64} {
  func.func @_node_out_body(%arg0: i32, %arg1: memref<2000x128xf32, #tpu.memory_space<vmem>>, %arg2: memref<2000x128xf32, #tpu.memory_space<vmem>>, %arg3: memref<2000x128xf32, #tpu.memory_space<vmem>>, %arg4: memref<1x128xf32, #tpu.memory_space<vmem>>, %arg5: memref<1x128xf32, #tpu.memory_space<vmem>>, %arg6: memref<2000x128xf32, #tpu.memory_space<vmem>>) attributes {dimension_semantics = [#tpu.dimension_semantics<arbitrary>], iteration_bounds = array<i64: 5>, scalar_prefetch = 0 : i64, scratch_operands = 0 : i64, tpu.core_type = #tpu.core_type<tc>, window_params = [{transform_indices = @transform_0, window_bounds = array<i64: 2000, 128>}, {transform_indices = @transform_1, window_bounds = array<i64: 2000, 128>}, {transform_indices = @transform_2, window_bounds = array<i64: 2000, 128>}, {pipeline_mode = #tpu.pipeline_mode<synchronous>, transform_indices = @transform_3, window_bounds = array<i64: 1, 128>}, {pipeline_mode = #tpu.pipeline_mode<synchronous>, transform_indices = @transform_4, window_bounds = array<i64: 1, 128>}, {transform_indices = @transform_5, window_bounds = array<i64: 2000, 128>}]} {
    %get3A = arith.constant 0 : index
    %get3A_0 = arith.constant 0 : index
    %get3A_1 = vector.load %arg1[%get3A, %get3A_0] : memref<2000x128xf32, #tpu.memory_space<vmem>>, vector<2000x128xf32>
    %get3A_2 = arith.constant 0 : index
    %get3A_3 = arith.constant 0 : index
    %get3A_4 = vector.load %arg2[%get3A_2, %get3A_3] : memref<2000x128xf32, #tpu.memory_space<vmem>>, vector<2000x128xf32>
    %get3A_5 = arith.constant 0 : index
    %get3A_6 = arith.constant 0 : index
    %get3A_7 = vector.load %arg3[%get3A_5, %get3A_6] : memref<2000x128xf32, #tpu.memory_space<vmem>>, vector<2000x128xf32>
    %add3A = arith.constant 9.99999993E-9 : f32
    %add3A_8 = vector.broadcast %add3A : f32 to vector<2000x128xf32>
    %add3A_9 = arith.addf %get3A_7, %add3A_8 : vector<2000x128xf32>
    %div3A = arith.divf %get3A_4, %add3A_9 : vector<2000x128xf32>
    %add3A_10 = arith.addf %get3A_1, %div3A : vector<2000x128xf32>
    %reduce_sum3A = arith.constant dense<0.000000e+00> : vector<2000xf32>
    %reduce_sum3A_11 = vector.multi_reduction <add>, %add3A_10, %reduce_sum3A [1] : vector<2000x128xf32> to vector<2000xf32>
    %broadcast_in_dim3A = vector.shape_cast %reduce_sum3A_11 : vector<2000xf32> to vector<2000x1xf32>
    %div3A_12 = arith.constant 1.280000e+02 : f32
    %div3A_13 = vector.broadcast %div3A_12 : f32 to vector<2000x1xf32>
    %div3A_14 = arith.divf %broadcast_in_dim3A, %div3A_13 : vector<2000x1xf32>
    %sub3A = vector.broadcast %div3A_14 : vector<2000x1xf32> to vector<2000x128xf32>
    %sub3A_15 = arith.subf %add3A_10, %sub3A : vector<2000x128xf32>
    %integer_pow3A = arith.mulf %sub3A_15, %sub3A_15 : vector<2000x128xf32>
    %reduce_sum3A_16 = arith.constant dense<0.000000e+00> : vector<2000xf32>
    %reduce_sum3A_17 = vector.multi_reduction <add>, %integer_pow3A, %reduce_sum3A_16 [1] : vector<2000x128xf32> to vector<2000xf32>
    %broadcast_in_dim3A_18 = vector.shape_cast %reduce_sum3A_17 : vector<2000xf32> to vector<2000x1xf32>
    %div3A_19 = arith.constant 1.280000e+02 : f32
    %div3A_20 = vector.broadcast %div3A_19 : f32 to vector<2000x1xf32>
    %div3A_21 = arith.divf %broadcast_in_dim3A_18, %div3A_20 : vector<2000x1xf32>
    %sub3A_22 = vector.broadcast %div3A_14 : vector<2000x1xf32> to vector<2000x128xf32>
    %sub3A_23 = arith.subf %add3A_10, %sub3A_22 : vector<2000x128xf32>
    %add3A_24 = arith.constant 9.99999974E-6 : f32
    %add3A_25 = vector.broadcast %add3A_24 : f32 to vector<2000x1xf32>
    %add3A_26 = arith.addf %div3A_21, %add3A_25 : vector<2000x1xf32>
    %rsqrt3A = math.rsqrt %add3A_26 : vector<2000x1xf32>
    %mul3A = vector.broadcast %rsqrt3A : vector<2000x1xf32> to vector<2000x128xf32>
    %mul3A_27 = arith.mulf %sub3A_23, %mul3A : vector<2000x128xf32>
    %get3A_28 = arith.constant 0 : index
    %get3A_29 = arith.constant 0 : index
    %get3A_30 = vector.load %arg4[%get3A_28, %get3A_29] : memref<1x128xf32, #tpu.memory_space<vmem>>, vector<1x128xf32>
    %mul3A_31 = vector.broadcast %get3A_30 : vector<1x128xf32> to vector<2000x128xf32>
    %mul3A_32 = arith.mulf %mul3A_27, %mul3A_31 : vector<2000x128xf32>
    %get3A_33 = arith.constant 0 : index
    %get3A_34 = arith.constant 0 : index
    %get3A_35 = vector.load %arg5[%get3A_33, %get3A_34] : memref<1x128xf32, #tpu.memory_space<vmem>>, vector<1x128xf32>
    %add3A_36 = vector.broadcast %get3A_35 : vector<1x128xf32> to vector<2000x128xf32>
    %add3A_37 = arith.addf %mul3A_32, %add3A_36 : vector<2000x128xf32>
    %swap3A = arith.constant 0 : index
    %swap3A_38 = arith.constant 0 : index
    %swap3A_39 = vector.load %arg6[%swap3A, %swap3A_38] : memref<2000x128xf32, #tpu.memory_space<vmem>>, vector<2000x128xf32>
    tpu.vector_store %arg6[%swap3A, %swap3A_38], %add3A_37 {strides = array<i32>} : memref<2000x128xf32, #tpu.memory_space<vmem>>, vector<2000x128xf32>,
    return
  }
  func.func @transform_0(%arg0: i32) -> (i32, i32) {
    %c0_i32 = arith.constant 0 : i32
    %c0_i32_0 = arith.constant 0 : i32
    return %arg0, %c0_i32 : i32, i32
  }
  func.func @transform_1(%arg0: i32) -> (i32, i32) {
    %c0_i32 = arith.constant 0 : i32
    %c0_i32_0 = arith.constant 0 : i32
    return %arg0, %c0_i32 : i32, i32
  }
  func.func @transform_2(%arg0: i32) -> (i32, i32) {
    %c0_i32 = arith.constant 0 : i32
    %c0_i32_0 = arith.constant 0 : i32
    return %arg0, %c0_i32 : i32, i32
  }
  func.func @transform_3(%arg0: i32) -> (i32, i32) {
    %c0_i32 = arith.constant 0 : i32
    %c0_i32_0 = arith.constant 0 : i32
    %c0_i32_1 = arith.constant 0 : i32
    return %c0_i32, %c0_i32_0 : i32, i32
  }
  func.func @transform_4(%arg0: i32) -> (i32, i32) {
    %c0_i32 = arith.constant 0 : i32
    %c0_i32_0 = arith.constant 0 : i32
    %c0_i32_1 = arith.constant 0 : i32
    return %c0_i32, %c0_i32_0 : i32, i32
  }
  func.func @transform_5(%arg0: i32) -> (i32, i32) {
    %c0_i32 = arith.constant 0 : i32
    %c0_i32_0 = arith.constant 0 : i32
    return %arg0, %c0_i32 : i32, i32
  }
}

</mosaic_0001>

<sc_bundles>
// kernel: kernel.10.cloned.1.call-start
scs
__scs_entry_jumppad:
0x0: {  	(pc) =	sbr.rel $0x88, $3  }
0x1: {  	(tag) =	ssettag $0x0;
	lr =	simm.s32 $0x1  }
0x2: {  	[smem:$0x3F90] =	sst lr;
	_ =	strace $0xD0000000  }
0x3: {  	_ = 	snop  }
0x4: {  	_ = 	snop  }
0x5: {  	_ = 	snop  }
0x6: {  	_ = 	snop  }
0x7: {  	_ = 	snop  }
__scs_overlays_trampoline_lowered:
0x8: {  	[smem:$0x3F9F] =	sst s0  }
0x9: {  	[smem:$0x3FA0] =	sst s1  }
0xa: {  	[smem:$0x3FA1] =	sst s2  }
0xb: {  	[smem:$0x3FA2] =	sst s3  }
0xc: {  	[smem:$0x3FA3] =	sst s4  }
0xd: {  	[smem:$0x3FA4] =	sst s5  }
0xe: {  	[smem:$0x3FA5] =	sst s6  }
0xf: {  	[smem:$0x3FA6] =	sst s7  }
0x10: {  	[smem:$0x3FA7] =	sst s8  }
0x11: {  	[smem:$0x3FA8] =	sst s9;
	s0 =	simm.s32 @!p0 $0x0  }
0x12: {  	s1 =	sld [smem:$0x3F8E];
	s0 =	simm.s32 @p0 $0x1  }
0x13: {  	[smem:$0x3FA9] =	sst s0;
	s0 =	simm.s32 @!p1 $0x0  }
0x14: {  	s2 =	sld [smem:$0x3F8D];
	s0 =	simm.s32 @p1 $0x1  }
0x15: {  	[smem:$0x3FAA] =	sst s0;
	s0 =	simm.s32 @!p2 $0x0  }
0x16: {  	s3 =	sld [smem:$0x3FDB];
	s0 =	simm.s32 @p2 $0x1  }
0x17: {  	s4 =	simm.s32 $0x1BF5;
	[smem:$0x3FAC] =	sst s0  }
0x18: {  	s0 =	sld [smem:$0x3F8F];
	_ =	swait.ge [sflag:s4], $0x0  }
0x19: {  	s7 =	sld [smem:$0x3F90]  }
0x1a: {  	s8 =	sadd.s32 $0xFFFFE003, lr  }
0x1b: {  	s9 =	sadd.s32 $0xFFFFFEF7, lr;
	s5 =	simm.s32 $0xFFFFFFFF;
	p2 =	slt.u32 s8, $0xFFFFF086  }
0x1c: {  	p1 =	slt.u32 s9, $0xF7A;
	s5 =	simm.s32 @!p2 $0x0  }
0x1d: {  	s5 =	simm.s32 @p1 $0x1;
	p0 =	seq.s32 s7, s2  }
0x1e: {  	s7 =	smul.u32 @!p0 $0xF7A, s2;
	p2 =	seq.s32 @!p0 s5, $0x0  }
0x1f: {  	s9 =	smul.u32 $0xF7A, s1;
	s8 =	simm.s32 @!p0 $0x1BF5;
	p2 =	por !p2, p0  }
0x20: {  	[sflag:s8] =	ssyncset.s32 @!p0 $0xFFFFF086;
	s6 =	sadd.s32 @!p0 s3, s7;
	s7 =	simm.s32 @!p0 $0x108  }
0x21: {  	s3 =	sadd.s32 s3, s9;
	s6 =	sadd.s32 @!p0 $0x88, s6;
	s7 =	simm.s32 @p2 $0x1082  }
0x22: {  	[simem:s7], [sflag:s8] =	dma.local @!p0 [hbm:s6], $0xF7A  }
0x23: {  	s9 =	sor.u32 $0xD0000000, s2;
	s6 =	simm.s32 $0x108;
	_ =	swait.ge @!p0 [sflag:s8], $0x0  }
0x24: {  	s3 =	sadd.s32 $0x88, s3;
	s6 =	simm.s32 @!p1 $0x1082;
	[sflag:s4] =	ssyncset.s32 $0xFFFFF086  }
0x25: {  	[simem:s6], [sflag:s4] =	dma.local [hbm:s3], $0xF7A  }
0x26: {  	[smem:$0x3F90] =	sst s1;
	(tag) =	ssettag s2;
	_ =	strace s9  }
0x27: {  	s1 =	sld [smem:$0x3FA0]  }
0x28: {  	s2 =	sld [smem:$0x3FA1]  }
0x29: {  	s4 =	sld [smem:$0x3FA3]  }
0x2a: {  	p0 =	seq.s32 s5, $0x0;
	s5 =	sld [smem:$0x3FA4]  }
0x2b: {  	s6 =	sld [smem:$0x3FA5]  }
0x2c: {  	s7 =	sld [smem:$0x3FA6]  }
0x2d: {  	s3 =	simm.s32 $0x108;
	s8 =	sld [smem:$0x3FA7]  }
0x2e: {  	s3 =	simm.s32 @!p0 $0x1082;
	s9 =	sld [smem:$0x3FA8]  }
0x2f: {  	lr =	sadd.s32 s0, s3;
	s0 =	sld [smem:$0x3F9F]  }
0x30: {  	s3 =	sld [smem:$0x3FA2]  }
0x31: {  	[smem:$0x3FAB] =	sst s10  }
0x32: {  	s10 =	sld [smem:$0x3FA9];
	_ =	sdelay $0x3  }
0x33: {  	p0 =	seq.s32 s10, $0x1;
	s10 =	sld [smem:$0x3FAB];
	_ =	sdelay $0x3  }
0x34: {  	[smem:$0x3FAB] =	sst s10  }
0x35: {  	s10 =	sld [smem:$0x3FAA];
	_ =	sdelay $0x3  }
0x36: {  	p1 =	seq.s32 s10, $0x1;
	s10 =	sld [smem:$0x3FAB];
	_ =	sdelay $0x3  }
0x37: {  	[smem:$0x3FAB] =	sst s10  }
0x38: {  	s10 =	sld [smem:$0x3FAC]  }
0x39: {  	_ = 	snop;
	(pc) =	sbr.ind lr, $3  }
0x3a: {  	_ = 	snop  }
0x3b: {  	_ = 	snop  }
0x3c: {  	p2 =	seq.s32 s10, $0x1;
	s10 =	sld [smem:$0x3FAB]  }
0x3d: {  	_ =	shalt  }
0x3e: {  	_ =	shalt  }
0x3f: {  	_ =	shalt  }
0x40: {  	_ =	shalt  }
0x41: {  	_ =	shalt  }
0x42: {  	_ =	shalt  }
0x43: {  	_ =	shalt  }
0x44: {  	_ =	shalt  }
0x45: {  	_ =	shalt  }
0x46: {  	_ =	shalt  }
0x47: {  	_ =	shalt  }
0x48: {  	_ =	shalt  }
0x49: {  	_ =	shalt  }
0x4a: {  	_ =	shalt  }
0x4b: {  	_ =	shalt  }
0x4c: {  	_ =	shalt  }
0x4d: {  	_ =	shalt  }
0x4e: {  	_ =	shalt  }
0x4f: {  	_ =	shalt  }
0x50: {  	_ =	shalt  }
0x51: {  	_ =	shalt  }
0x52: {  	_ =	shalt  }
0x53: {  	_ =	shalt  }
0x54: {  	_ =	shalt  }
0x55: {  	_ =	shalt  }
0x56: {  	_ =	shalt  }
0x57: {  	_ =	shalt  }
0x58: {  	_ =	shalt  }
0x59: {  	_ =	shalt  }
0x5a: {  	_ =	shalt  }
0x5b: {  	_ =	shalt  }
0x5c: {  	_ =	shalt  }
0x5d: {  	_ =	shalt  }
0x5e: {  	_ =	shalt  }
0x5f: {  	_ =	shalt  }
0x60: {  	_ =	shalt  }
0x61: {  	_ =	shalt  }
0x62: {  	_ =	shalt  }
0x63: {  	_ =	shalt  }
0x64: {  	_ =	shalt  }
0x65: {  	_ =	shalt  }
0x66: {  	_ =	shalt  }
0x67: {  	_ =	shalt  }
0x68: {  	_ =	shalt  }
0x69: {  	_ =	shalt  }
0x6a: {  	_ =	shalt  }
0x6b: {  	_ =	shalt  }
0x6c: {  	_ =	shalt  }
0x6d: {  	_ =	shalt  }
0x6e: {  	_ =	shalt  }
0x6f: {  	_ =	shalt  }
0x70: {  	_ =	shalt  }
0x71: {  	_ =	shalt  }
0x72: {  	_ =	shalt  }
0x73: {  	_ =	shalt  }
0x74: {  	_ =	shalt  }
0x75: {  	_ =	shalt  }
0x76: {  	_ =	shalt  }
0x77: {  	_ =	shalt  }
0x78: {  	_ =	shalt  }
0x79: {  	_ =	shalt  }
0x7a: {  	_ =	shalt  }
0x7b: {  	_ =	shalt  }
0x7c: {  	_ =	shalt  }
0x7d: {  	_ =	shalt  }
0x7e: {  	_ =	shalt  }
0x7f: {  	_ =	shalt  }
0x80: {  	_ =	shalt  }
0x81: {  	_ =	shalt  }
0x82: {  	_ =	shalt  }
0x83: {  	_ =	shalt  }
0x84: {  	_ =	shalt  }
0x85: {  	_ =	shalt  }
0x86: {  	_ =	shalt  }
0x87: {  	_ =	shalt  }
.Lfunc_end0:
.L_simem_size_0:
called_computation.1_lowered:
.L_overlay_start_0:
0x88: {  	s2 =	sld [smem:$0x3FD9]  }
0x89: {  	s3 =	sld [smem:$0x3FFE];
	_ =	sdelay $0x1  }
0x8a: {  	s1 =	srdreg.scid  }
0x8b: {  	s0 =	sand.u32 $0x1, s1  }
0x8c: {  	s16 =	sshll.u32 s0, $0xA;
	s2 =	sadd.s32 s3, s2  }
0x8d: {  	s2 =	sadd.s32 s2, s16  }
0x8e: {  	[smem:$0x3FB7] =	sst s2  }
0x8f: {  	_ = 	snop  }
0x90: {  	(tm) =	ssettm $0x1  }
0x91: {  	s17 =	sld [smem:$0x3FFB];
	_ =	sdelay $0x3  }
0x92: {  	_ =	strace s17  }
0x93: {  	s2 =	sld [smem:$0x3FFC];
	_ =	sdelay $0x3  }
0x94: {  	_ =	strace s2  }
0x95: {  	s2 =	sld [smem:$0x3FFD];
	_ =	sdelay $0x3  }
0x96: {  	_ =	strace s2  }
0x97: {  	_ =	strace $0x8FFFFFFF  }
0x98: {  	s18 =	sld [smem:$0x3FDB];
	_ =	sdelay $0x1  }
0x99: {  	s19 =	simm.s32 $_scs_section_size  }
0x9a: {  	s4 =	simm.s32 $_size__tile_overlayer_lowered;
	s5 =	simm.s32 $_tile_overlayer_lowered  }
0x9b: {  	s22 =	simm.s32 $0x1BFF;
	s21 =	sshll.u32 s5, $0x1;
	s2 =	sadd.s32 s19, s18  }
0x9c: {  	s6 =	simm.s32 $0x0;
	s20 =	sshll.u32 s4, $0x1;
	s4 =	sadd.s32 s21, s2  }
0x9d: {  	[timem:s6], [sflag:s22] =	dma.local [hbm:s4], s20  }
0x9e: {  	_ =	swait.ge [sflag:s22], s20  }
0x9f: {  	s3 =	ssub.s32 $0x0, s20;
	[sflag:s22] =	ssyncset.done $0x0  }
0xa0: {  	[sflag:s22] =	ssyncadd.s32 s3;
	_ =	sdelay $0x1  }
0xa1: {  	s23 =	simm.s32 $0x1B8B  }
0xa2: {  	_ =	swait.ge [sflag:s23], $0x1  }
0xa3: {  	[sflag:s23] =	ssyncset.done $0x0  }
0xa4: {  	s25 =	simm.s32 $0x1B8E;
	s24 =	sld [smem:$0x3FFE];
	[sflag:s23] =	ssyncadd.s32 $0xFFFFFFFF  }
0xa5: {  	s26 =	simm.s32 $execute0_lowered;
	[smem:$0x3FD2] =	sst s25  }
0xa6: {  	s4 =	sshll.u32 s26, $0x1;
	_ =	strace $0x80000049;
	[dreg:$0x1] =	wrdreg $0xFFFFFFFF  }
0xa7: {  	s28 =	simm.s32 $_size_execute0_lowered;
	s2 =	sadd.s32 s2, s4;
	[dreg:$0x0] =	wrdreg $0x0  }
0xa8: {  	s4 =	sshll.u32 s28, $0x1;
	[dreg:$0x2] =	wrdreg s2  }
0xa9: {  	[dreg:$0x3] =	wrdreg s4  }
0xaa: {  	[dreg:$0x4] =	wrdreg $0xC0  }
0xab: {  	_ =	task [dreg:s6], $0x5FFFF  }
0xac: {  	[dreg:$0x1] =	wrdreg $0xFFFFFFFF  }
0xad: {  	[dreg:$0x0] =	wrdreg $0x60  }
0xae: {  	[dreg:$0x2] =	wrdreg s24  }
0xaf: {  	[dreg:$0x3] =	wrdreg $0x0  }
0xb0: {  	[dreg:$0x4] =	wrdreg $0x9  }
0xb1: {  	_ =	task.clear_ibuf [dreg:s6], $0x5FFFF;
	_ =	strace $0x90000049  }
0xb2: {  	s29 =	simm.s32 $0x9;
	_ =	strace $0x8000004B  }
0xb3: {  	_ =	swait.ge [sflag:s29], $0x1  }
0xb4: {  	[sflag:s29] =	ssyncadd.s32 $0xFFFFFFFF  }
0xb5: {  	_ =	strace $0x9000004B  }
0xb6: {  	_ =	sfence  }
0xb7: {  	s30 =	sld [smem:$0x0];
	_ =	sdelay $0x2  }
0xb8: {  	s31 =	sshll.u32 s1, $0xD;
	s1 =	sshrl.u32 s1, $0x2  }
0xb9: {  	s3 =	sand.u32 $0x4000, s31;
	s1 =	sadd.s32 s1, s30  }
0xba: {  	s0 =	sor.u32 s3, s0;
	s1 =	sshll.u32 s1, $0x11  }
0xbb: {  	s0 =	sor.u32 s1, s0  }
0xbc: {  	s0 =	sadd.s32 $0x8F2B, s0  }
0xbd: {  	[sflag:s0] =	ssyncadd.remote.s32 $0x1  }
0xbe: {  	_ =	sfence.sel $0xFFFF  }
0xbf: {  	[dreg:$0x0] =	wrdreg $0xFFFFFFFF;
	(pc) =	sbr.abs _section_cstart, $3  }
0xc0: {  	[dreg:$0x1] =	wrdreg $0xFFFFFFFF  }
0xc1: {  	_ =	task.clear_ibuf [dreg:s6], $0x2FFFF;
	_ =	strace $0x9FFFFFFF  }
0xc2: {  	(tm) =	ssettm $0x7FFFFFFF  }
0xc3: {  	_ =	shalt  }
tec
execute0_lowered:
.L_overlay_start_1:
0x0: {  	(tag) =	ssettag $0x1  }
0x1: {  	s0 =	rddreg [dreg:$0x0]  }
0x2: {  	s1 =	rddreg [dreg:$0x1];
	s3 =	simm.s32 $0x0  }
0x3: {  	s12 =	stileid.u32;
	s2 =	srdreg.scid;
	s18 =	simm.s32 $0x5  }
0x4: {  	s19 =	simm.s32 $0x13C00;
	s20 =	simm.s32 $0x13D00;
	s28 =	simm.s32 $0x3  }
0x5: {  	s29 =	simm.s32 $0x2;
	s30 =	simm.s32 $0x4;
	s31 =	simm.s32 $0x13C80  }
0x6: {  	[smem:$0x7FF] =	sst s3;
	s4 =	sadd.s32 $0xD400, s0;
	s8 =	smul.u32 $0x2780, s12  }
0x7: {  	s5 =	sadd.s32 $0x3600, s0;
	s2 =	sand.u32 $0x1, s2;
	s10 =	smul.u32 $0x4F000, s12  }
0x8: {  	s6 =	sadd.s32 $0x547600, s0;
	s7 =	sadd.s32 $0x3E400, s0;
	s23 =	smul.u32 $0x4E20, s12  }
0x9: {  	s24 =	sshll.u32 s12, $0x6;
	s12 =	smul.u32 $0x4E200, s12;
	_ =	strace $0x8000004A  }
0xa: {  	s9 =	ssub.s32 $0x2, s2;
	p0 =	seq.s32 s2, $0x0;
	p1 =	sne.s32 s2, $0x0  }
0xb: {  	s2 =	simm.s32 $0x0;
	s0 =	sadd.s32 s8, s0;
	s21 =	sshrl.u32 s9, $0x1  }
0xc: {  	s22 =	sshrl.u32 s10, $0x2;
	s25 =	sshrl.u32 s23, $0x3;
	s12 =	sadd.s32 s6, s12  }
0xd: {  	s8 =	ssub.s32 s9, s21;
	s11 =	sadd.s32 s22, s1;
	s13 =	sadd.s32 $0x65600, s0  }
0xe: {  	s9 =	sor.u32 $0x1C05, s24;
	s14 =	sadd.s32 s5, s25;
	[dreg:$0x5] =	wrdreg s12  }
0xf: {  	s26 =	sadd.s32 s4, s25;
	s12 =	simm.s32 $0x8CE00;
	s21 =	simm.s32 $0x18D00  }
0x10: {  	s22 =	simm.s32 $0x18E00;
	s24 =	simm.s32 $0x50;
	[dreg:$0x3] =	wrdreg s13  }
.Ltmp0:
0x11: {  	s25 =	simm.s32 $0x1B600;
	[dreg:$0x4] =	wrdreg s14;
	(pc) =	sbr.rel .LBB2_1-.Ltmp0, $4  }
0x12: {  	[dreg:$0x6] =	wrdreg s26;
	s13 =	sadd.s32 $0x50, s23;
	s14 =	sadd.s32 $0xA0, s23  }
0x13: {  	s8 =	smax.u32 s8, $0x1;
	s12 =	simm.s32 @!p0 $0xB4600;
	s17 =	sshrl.u32 s11, $0x3  }
0x14: {  	s23 =	simm.s32 $0x18D80;
	[dreg:$0x7] =	wrdreg s8;
	s0 =	sadd.s32 s12, s0  }
0x15: {  	s26 =	simm.s32 $0x1;
	[dreg:$0x8] =	wrdreg s0;
	s0 =	simm.s32 $0x16500  }
.LBB2_14:
0x16: {  	[spmem:s1] =	stream.indirect.scatter.add.f32 [tilespmem:s22], [sflag:$0x4], $0x80, s21, s24, $0xb8;
	[tilespmem:$0x1DE00] =	vst v63  }
.LBB2_17:
0x17: {  	_ =	swait.ge [sflag:s29], $0x2800  }
0x18: {  	[sflag:s29] =	ssyncset.done $0x0  }
0x19: {  	[sflag:s29] =	ssyncadd.s32 $0xFFFFD800  }
0x1a: {  	_ =	swait.ge [sflag:s30], $0x2800  }
0x1b: {  	[sflag:s30] =	ssyncset.done $0x0  }
0x1c: {  	[sflag:s30] =	ssyncadd.s32 $0xFFFFD800  }
0x1d: {  	[bflag:$0x0] =	sbarrier.arrive $0xFFFF  }
0x1e: {  	s8 =	rddreg [dreg:$0x8]  }
0x1f: {  	[hbm:s8], [sflag:s9] =	dma.local [spmem:s17], $0x2780  }
0x20: {  	_ =	swait.ge [sflag:s18], $0x2780  }
0x21: {  	s2 =	sadd.s32 $0x1, s2;
	s16 =	rddreg [dreg:$0x7]  }
0x22: {  	p2 =	sne.s32 s2, s16  }
.Ltmp1:
0x23: {  	_ = 	snop;
	(pc) =	sbr.rel @!p2 .LBB2_18-.Ltmp1, $3  }
0x24: {  	_ =	sdelay $0x1  }
0x25: {  	[sflag:s18] =	ssyncset.done $0x0  }
0x26: {  	[sflag:s18] =	ssyncadd.s32 $0xFFFFD880  }
.LBB2_1:
0x27: {  	s8 =	rddreg [dreg:$0x3]  }
0x28: {  	[spmem:s17], [sflag:s9] =	dma.local [hbm:s8], $0x2780  }
0x29: {  	_ =	swait.ge [sflag:s18], $0x2780  }
0x2a: {  	[sflag:s18] =	ssyncset.done $0x0  }
0x2b: {  	[sflag:s18] =	ssyncadd.s32 $0xFFFFD880  }
0x2c: {  	[bflag:$0x0] =	sbarrier.arrive $0xFFFF  }
0x2d: {  	s15 =	rddreg [dreg:$0x4]  }
0x2e: {  	[tilespmem:s19], [sflag:$0x5] =	stream.linear.gather [hbm4b:s15+s3], $0x50, $0x38;
	[tilespmem:$0x1DE00] =	vst v63  }
0x2f: {  	_ =	swait.ge [sflag:s18], $0x50  }
0x30: {  	[sflag:s18] =	ssyncset.done $0x0  }
0x31: {  	s16 =	rddreg [dreg:$0x5];
	[sflag:s18] =	ssyncadd.s32 $0xFFFFFFB0  }
0x32: {  	[tilespmem:s20], [sflag:$0x1] =	stream.linear.gather [hbm4b:s16+s3], $0x2800, $0x38;
	[tilespmem:$0x1DE00] =	vst v63  }
0x33: {  	s10 =	simm.s32 @!p1 $0x13C80;
	s8 =	simm.s32 @!p1 $0x0;
	s11 =	rddreg [dreg:$0x6]  }
0x34: {  	[tilespmem:s10], [sflag:$0x5] =	stream.linear.gather @!p1 [hbm4b:s11+s8], $0x50, $0x38;
	[tilespmem:$0x1DE00] =	vst v63  }
0x35: {  	s8 =	simm.s32 @!p1 $0x5  }
.Ltmp2:
0x36: {  	_ =	swait.ge @!p1 [sflag:s8], $0x50;
	(pc) =	sbr.rel .LBB2_2-.Ltmp2, $4  }
0x37: {  	[sflag:s8] =	ssyncset.done @!p1 $0x0  }
0x38: {  	s11 =	simm.s32 @!p1 $0x16500;
	[sflag:s8] =	ssyncadd.s32 @!p1 $0xFFFFFFB0;
	s8 =	simm.s32 @!p1 $0x50  }
0x39: {  	[tilespmem:s11], [sflag:$0x1] =	stream.indirect.gather @!p1 [hbm4b:s7+s8], $0x80, s10, s8, $0xb8;
	[tilespmem:$0x1DE00] =	vst v63  }
0x3a: {  	s8 =	simm.s32 $0x0  }
.LBB2_15:
0x3b: {  	_ =	swait.ge [sflag:s28], $0x2800  }
0x3c: {  	[sflag:s28] =	ssyncset.done $0x0  }
0x3d: {  	[sflag:s28] =	ssyncadd.s32 $0xFFFFD800  }
.LBB2_16:
0x3e: {  	s8 =	sadd.s32 $0x1, s8  }
0x3f: {  	p2 =	sne.s32 s8, $0x7D  }
.Ltmp3:
0x40: {  	_ = 	snop;
	(pc) =	sbr.rel @!p2 .LBB2_17-.Ltmp3, $2  }
0x41: {  	_ =	sdelay $0x2  }
0x42: {  	[spmem:s1] =	stream.indirect.scatter.add.f32 [tilespmem:s22], [sflag:$0x4], $0x80, s21, s24, $0xb8;
	[tilespmem:$0x1DE00] =	vst v63  }
.LBB2_2:
0x43: {  	p2 =	seq.s32 s8, $0x0;
	s10 =	smul.u32 $0xA0, s8  }
0x44: {  	s12 =	simm.s32 @!p2 $0x4  }
0x45: {  	_ =	swait.ge @!p2 [sflag:s12], $0x2800;
	s15 =	sadd.s32 s10, s13  }
0x46: {  	[sflag:s12] =	ssyncset.done @!p2 $0x0;
	s11 =	sshrl.u32 s15, $0x3  }
0x47: {  	[sflag:s12] =	ssyncadd.s32 @!p2 $0xFFFFD800;
	s16 =	sadd.s32 s5, s11  }
0x48: {  	[tilespmem:s21], [sflag:$0x5] =	stream.linear.gather [hbm4b:s16+s3], $0x50, $0x38;
	[tilespmem:$0x1DE00] =	vst v63  }
.Ltmp4:
0x49: {  	_ = 	snop;
	(pc) =	sbr.rel @p1 .LBB2_6-.Ltmp4, $4  }
0x4a: {  	_ =	swait.ge [sflag:s18], $0x50  }
0x4b: {  	s16 =	sshll.u32 s15, $0x4;
	[sflag:s18] =	ssyncset.done $0x0  }
0x4c: {  	s12 =	sadd.s32 s6, s16;
	[sflag:s18] =	ssyncadd.s32 $0xFFFFFFB0  }
0x4d: {  	[tilespmem:s22], [sflag:$0x3] =	stream.linear.gather [hbm4b:s12+s3], $0x2800, $0x38;
	[tilespmem:$0x1DE00] =	vst v63  }
0x4e: {  	s11 =	sadd.s32 s4, s11  }
0x4f: {  	[tilespmem:s23], [sflag:$0x5] =	stream.linear.gather [hbm4b:s11+s3], $0x50, $0x38;
	[tilespmem:$0x1DE00] =	vst v63  }
0x50: {  	_ =	swait.ge [sflag:s18], $0x50  }
0x51: {  	[sflag:s18] =	ssyncset.done $0x0  }
0x52: {  	[sflag:s18] =	ssyncadd.s32 $0xFFFFFFB0  }
0x53: {  	[tilespmem:s25], [sflag:$0x3] =	stream.indirect.gather [hbm4b:s7+s24], $0x80, s23, s24, $0xb8;
	[tilespmem:$0x1DE00] =	vst v63  }
0x54: {  	_ =	swait.ge [sflag:s26], $0x2800  }
0x55: {  	[sflag:s26] =	ssyncset.done $0x0  }
0x56: {  	[sflag:s26] =	ssyncadd.s32 $0xFFFFD800  }
0x57: {  	_ =	swait.ge [sflag:s26], $0x2800  }
0x58: {  	[sflag:s26] =	ssyncset.done $0x0  }
0x59: {  	s11 =	simm.s32 $0x13E00;
	[sflag:s26] =	ssyncadd.s32 $0xFFFFD800  }
0x5a: {  	s12 =	simm.s32 $0x16600;
	v0 =	vld [tilespmem:s11+$0x80]  }
0x5b: {  	v1 =	vld [tilespmem:s12+$0x80]  }
0x5c: {  	v2 =	vld [tilespmem:s11+$0xFFFFFF80]  }
0x5d: {  	v3 =	vld [tilespmem:s12+$0xFFFFFF80]  }
0x5e: {  	v4 =	vld [tilespmem:s11+$0x0]  }
0x5f: {  	v5 =	vld [tilespmem:s12+$0x0]  }
0x60: {  	v6 =	vld [tilespmem:s11+$0xFFFFFF00];
	v0 =	vmul.f32 v1, v0  }
0x61: {  	v1 =	vld [tilespmem:s12+$0xFFFFFF00]  }
0x62: {  	[tilespmem:s11+$0x80] =	vst v0;
	v0 =	vld [tilespmem:s11+$0x90]  }
0x63: {  	v2 =	vmul.f32 v3, v2;
	v3 =	vld [tilespmem:s12+$0x90]  }
0x64: {  	v7 =	vld [tilespmem:s11+$0xFFFFFF10]  }
0x65: {  	[tilespmem:s11+$0xFFFFFF80] =	vst v2;
	v2 =	vmul.f32 v5, v4;
	v4 =	vld [tilespmem:s11+$0xFFFFFF90]  }
0x66: {  	v5 =	vld [tilespmem:s12+$0xFFFFFF90];
	v1 =	vmul.f32 v1, v6  }
0x67: {  	[tilespmem:s11+$0x0] =	vst v2;
	v2 =	vld [tilespmem:s11+$0x10]  }
0x68: {  	v6 =	vld [tilespmem:s12+$0x10];
	[tilespmem:s11+$0xFFFFFF00] =	vst v1;
	v0 =	vmul.f32 v3, v0  }
0x69: {  	v1 =	vld [tilespmem:s12+$0xFFFFFF10]  }
0x6a: {  	[tilespmem:s11+$0x90] =	vst v0;
	v0 =	vld [tilespmem:s11+$0xA0]  }
0x6b: {  	v3 =	vmul.f32 v5, v4;
	v4 =	vld [tilespmem:s12+$0xA0]  }
0x6c: {  	v5 =	vld [tilespmem:s11+$0xFFFFFF20]  }
0x6d: {  	[tilespmem:s11+$0xFFFFFF90] =	vst v3;
	v2 =	vmul.f32 v6, v2;
	v3 =	vld [tilespmem:s11+$0xFFFFFFA0]  }
0x6e: {  	v6 =	vld [tilespmem:s12+$0xFFFFFFA0];
	v1 =	vmul.f32 v1, v7  }
0x6f: {  	[tilespmem:s11+$0x10] =	vst v2;
	v2 =	vld [tilespmem:s11+$0x20]  }
0x70: {  	v7 =	vld [tilespmem:s12+$0x20];
	[tilespmem:s11+$0xFFFFFF10] =	vst v1;
	v0 =	vmul.f32 v4, v0  }
0x71: {  	v1 =	vld [tilespmem:s12+$0xFFFFFF20]  }
0x72: {  	[tilespmem:s11+$0xA0] =	vst v0;
	v0 =	vld [tilespmem:s11+$0xB0]  }
0x73: {  	v3 =	vmul.f32 v6, v3;
	v4 =	vld [tilespmem:s12+$0xB0]  }
0x74: {  	v6 =	vld [tilespmem:s11+$0xFFFFFF30]  }
0x75: {  	[tilespmem:s11+$0xFFFFFFA0] =	vst v3;
	v2 =	vmul.f32 v7, v2;
	v3 =	vld [tilespmem:s11+$0xFFFFFFB0]  }
0x76: {  	v7 =	vld [tilespmem:s12+$0xFFFFFFB0];
	v1 =	vmul.f32 v1, v5  }
0x77: {  	[tilespmem:s11+$0x20] =	vst v2;
	v2 =	vld [tilespmem:s11+$0x30]  }
0x78: {  	v5 =	vld [tilespmem:s12+$0x30];
	[tilespmem:s11+$0xFFFFFF20] =	vst v1;
	v0 =	vmul.f32 v4, v0  }
0x79: {  	v1 =	vld [tilespmem:s12+$0xFFFFFF30]  }
0x7a: {  	[tilespmem:s11+$0xB0] =	vst v0;
	v0 =	vld [tilespmem:s11+$0xC0]  }
0x7b: {  	v3 =	vmul.f32 v7, v3;
	v4 =	vld [tilespmem:s12+$0xC0]  }
0x7c: {  	v7 =	vld [tilespmem:s11+$0xFFFFFF40]  }
0x7d: {  	[tilespmem:s11+$0xFFFFFFB0] =	vst v3;
	v2 =	vmul.f32 v5, v2;
	v3 =	vld [tilespmem:s11+$0xFFFFFFC0]  }
0x7e: {  	v5 =	vld [tilespmem:s12+$0xFFFFFFC0];
	v1 =	vmul.f32 v1, v6  }
0x7f: {  	[tilespmem:s11+$0x30] =	vst v2;
	v2 =	vld [tilespmem:s11+$0x40]  }
0x80: {  	v6 =	vld [tilespmem:s12+$0x40];
	[tilespmem:s11+$0xFFFFFF30] =	vst v1;
	v0 =	vmul.f32 v4, v0  }
0x81: {  	v1 =	vld [tilespmem:s12+$0xFFFFFF40]  }
0x82: {  	[tilespmem:s11+$0xC0] =	vst v0;
	v0 =	vld [tilespmem:s11+$0xD0]  }
0x83: {  	v3 =	vmul.f32 v5, v3;
	v4 =	vld [tilespmem:s12+$0xD0]  }
0x84: {  	v5 =	vld [tilespmem:s11+$0xFFFFFF50]  }
0x85: {  	[tilespmem:s11+$0xFFFFFFC0] =	vst v3;
	v2 =	vmul.f32 v6, v2;
	v3 =	vld [tilespmem:s11+$0xFFFFFFD0]  }
0x86: {  	v6 =	vld [tilespmem:s12+$0xFFFFFFD0];
	v1 =	vmul.f32 v1, v7  }
0x87: {  	[tilespmem:s11+$0x40] =	vst v2;
	v2 =	vld [tilespmem:s11+$0x50]  }
0x88: {  	v7 =	vld [tilespmem:s12+$0x50];
	[tilespmem:s11+$0xFFFFFF40] =	vst v1;
	v0 =	vmul.f32 v4, v0  }
0x89: {  	v1 =	vld [tilespmem:s12+$0xFFFFFF50]  }
0x8a: {  	[tilespmem:s11+$0xD0] =	vst v0;
	v0 =	vld [tilespmem:s11+$0xE0]  }
0x8b: {  	v3 =	vmul.f32 v6, v3;
	v4 =	vld [tilespmem:s12+$0xE0]  }
0x8c: {  	v6 =	vld [tilespmem:s11+$0xFFFFFF60]  }
0x8d: {  	[tilespmem:s11+$0xFFFFFFD0] =	vst v3;
	v2 =	vmul.f32 v7, v2;
	v3 =	vld [tilespmem:s11+$0xFFFFFFE0]  }
0x8e: {  	v7 =	vld [tilespmem:s12+$0xFFFFFFE0];
	v1 =	vmul.f32 v1, v5  }
0x8f: {  	[tilespmem:s11+$0x50] =	vst v2;
	v2 =	vld [tilespmem:s11+$0x60]  }
0x90: {  	v5 =	vld [tilespmem:s12+$0x60];
	[tilespmem:s11+$0xFFFFFF50] =	vst v1;
	v0 =	vmul.f32 v4, v0  }
0x91: {  	v4 =	vld [tilespmem:s12+$0xFFFFFF60]  }
0x92: {  	v8 =	vld [tilespmem:s11+$0xF0];
	[tilespmem:s11+$0xE0] =	vst v0  }
0x93: {  	v1 =	vmul.f32 v7, v3;
	v7 =	vld [tilespmem:s12+$0xF0]  }
0x94: {  	v0 =	vld [tilespmem:s11+$0xFFFFFF70]  }
0x95: {  	[tilespmem:s11+$0xFFFFFFE0] =	vst v1;
	v2 =	vmul.f32 v5, v2;
	v1 =	vld [tilespmem:s11+$0xFFFFFFF0]  }
0x96: {  	v3 =	vld [tilespmem:s12+$0xFFFFFFF0];
	v4 =	vmul.f32 v4, v6  }
0x97: {  	[tilespmem:s11+$0x60] =	vst v2;
	v2 =	vld [tilespmem:s11+$0x70]  }
0x98: {  	[tilespmem:s11+$0xFFFFFF60] =	vst v4;
	v4 =	vld [tilespmem:s12+$0x70];
	v6 =	vmul.f32 v7, v8  }
0x99: {  	s15 =	simm.s32 $0x0;
	s16 =	simm.s32 $0x14000;
	v5 =	vld [tilespmem:s12+$0xFFFFFF70]  }
.LBB2_4:
0x9a: {  	v7 =	vld [tilespmem:s16+$0x80];
	[tilespmem:s11+$0xF0] =	vst v6;
	s12 =	sadd.s32 $0x200, s12  }
0x9b: {  	s15 =	sadd.s32 $0x4, s15;
	v6 =	vld [tilespmem:s12+$0x80];
	v1 =	vmul.f32 v3, v1  }
0x9c: {  	p2 =	slt.u32 s15, $0x4C;
	v3 =	vld [tilespmem:s12+$0xFFFFFF00]  }
0x9d: {  	v8 =	vld [tilespmem:s16+$0xFFFFFF80];
	[tilespmem:s11+$0xFFFFFFF0] =	vst v1;
	v1 =	vmul.f32 v4, v2  }
0x9e: {  	v2 =	vld [tilespmem:s12+$0xFFFFFF80];
	v0 =	vmul.f32 v5, v0  }
0x9f: {  	v4 =	vld [tilespmem:s16+$0x0];
	[tilespmem:s11+$0x70] =	vst v1  }
0xa0: {  	v1 =	vld [tilespmem:s12+$0x0];
	v5 =	vmul.f32 v6, v7;
	[tilespmem:s11+$0xFFFFFF70] =	vst v0;
	s11 =	smov.u32 s16  }
0xa1: {  	v0 =	vld [tilespmem:s16+$0xFFFFFF00]  }
0xa2: {  	[tilespmem:s16+$0x80] =	vst v5;
	v5 =	vld [tilespmem:s16+$0x90]  }
0xa3: {  	v2 =	vmul.f32 v2, v8;
	v6 =	vld [tilespmem:s12+$0x90]  }
0xa4: {  	v7 =	vld [tilespmem:s16+$0xFFFFFF10]  }
0xa5: {  	[tilespmem:s16+$0xFFFFFF80] =	vst v2;
	v2 =	vld [tilespmem:s16+$0xFFFFFF90];
	v1 =	vmul.f32 v1, v4  }
0xa6: {  	v0 =	vmul.f32 v3, v0;
	v3 =	vld [tilespmem:s12+$0xFFFFFF90]  }
0xa7: {  	[tilespmem:s16+$0x0] =	vst v1;
	v1 =	vld [tilespmem:s16+$0x10]  }
0xa8: {  	[tilespmem:s16+$0xFFFFFF00] =	vst v0;
	v0 =	vld [tilespmem:s12+$0x10];
	v4 =	vmul.f32 v6, v5  }
0xa9: {  	v5 =	vld [tilespmem:s12+$0xFFFFFF10]  }
0xaa: {  	[tilespmem:s16+$0x90] =	vst v4;
	v4 =	vld [tilespmem:s16+$0xA0]  }
0xab: {  	v2 =	vmul.f32 v3, v2;
	v3 =	vld [tilespmem:s12+$0xA0]  }
0xac: {  	v6 =	vld [tilespmem:s16+$0xFFFFFF20]  }
0xad: {  	[tilespmem:s16+$0xFFFFFF90] =	vst v2;
	v2 =	vld [tilespmem:s16+$0xFFFFFFA0];
	v0 =	vmul.f32 v0, v1  }
0xae: {  	v1 =	vmul.f32 v5, v7;
	v5 =	vld [tilespmem:s12+$0xFFFFFFA0]  }
0xaf: {  	[tilespmem:s16+$0x10] =	vst v0;
	v0 =	vld [tilespmem:s16+$0x20]  }
0xb0: {  	[tilespmem:s16+$0xFFFFFF10] =	vst v1;
	v1 =	vld [tilespmem:s12+$0x20];
	v3 =	vmul.f32 v3, v4  }
0xb1: {  	v4 =	vld [tilespmem:s12+$0xFFFFFF20]  }
0xb2: {  	[tilespmem:s16+$0xA0] =	vst v3;
	v3 =	vld [tilespmem:s16+$0xB0]  }
0xb3: {  	v2 =	vmul.f32 v5, v2;
	v5 =	vld [tilespmem:s12+$0xB0]  }
0xb4: {  	v7 =	vld [tilespmem:s16+$0xFFFFFF30]  }
0xb5: {  	[tilespmem:s16+$0xFFFFFFA0] =	vst v2;
	v2 =	vld [tilespmem:s16+$0xFFFFFFB0];
	v0 =	vmul.f32 v1, v0  }
0xb6: {  	v1 =	vmul.f32 v4, v6;
	v4 =	vld [tilespmem:s12+$0xFFFFFFB0]  }
0xb7: {  	[tilespmem:s16+$0x20] =	vst v0;
	v0 =	vld [tilespmem:s16+$0x30]  }
0xb8: {  	[tilespmem:s16+$0xFFFFFF20] =	vst v1;
	v1 =	vld [tilespmem:s12+$0x30];
	v3 =	vmul.f32 v5, v3  }
0xb9: {  	v5 =	vld [tilespmem:s12+$0xFFFFFF30]  }
0xba: {  	[tilespmem:s16+$0xB0] =	vst v3;
	v3 =	vld [tilespmem:s16+$0xC0]  }
0xbb: {  	v2 =	vmul.f32 v4, v2;
	v4 =	vld [tilespmem:s12+$0xC0]  }
0xbc: {  	v6 =	vld [tilespmem:s16+$0xFFFFFF40]  }
0xbd: {  	[tilespmem:s16+$0xFFFFFFB0] =	vst v2;
	v2 =	vld [tilespmem:s16+$0xFFFFFFC0];
	v0 =	vmul.f32 v1, v0  }
0xbe: {  	v1 =	vmul.f32 v5, v7;
	v5 =	vld [tilespmem:s12+$0xFFFFFFC0]  }
0xbf: {  	[tilespmem:s16+$0x30] =	vst v0;
	v0 =	vld [tilespmem:s16+$0x40]  }
0xc0: {  	[tilespmem:s16+$0xFFFFFF30] =	vst v1;
	v1 =	vld [tilespmem:s12+$0x40];
	v3 =	vmul.f32 v4, v3  }
0xc1: {  	v4 =	vld [tilespmem:s12+$0xFFFFFF40]  }
0xc2: {  	[tilespmem:s16+$0xC0] =	vst v3;
	v3 =	vld [tilespmem:s16+$0xD0]  }
0xc3: {  	v2 =	vmul.f32 v5, v2;
	v5 =	vld [tilespmem:s12+$0xD0]  }
0xc4: {  	v7 =	vld [tilespmem:s16+$0xFFFFFF50]  }
0xc5: {  	[tilespmem:s16+$0xFFFFFFC0] =	vst v2;
	v2 =	vld [tilespmem:s16+$0xFFFFFFD0];
	v0 =	vmul.f32 v1, v0  }
0xc6: {  	v1 =	vmul.f32 v4, v6;
	v4 =	vld [tilespmem:s12+$0xFFFFFFD0]  }
0xc7: {  	[tilespmem:s16+$0x40] =	vst v0;
	v0 =	vld [tilespmem:s16+$0x50]  }
0xc8: {  	[tilespmem:s16+$0xFFFFFF40] =	vst v1;
	v1 =	vld [tilespmem:s12+$0x50];
	v3 =	vmul.f32 v5, v3  }
0xc9: {  	v5 =	vld [tilespmem:s12+$0xFFFFFF50]  }
0xca: {  	[tilespmem:s16+$0xD0] =	vst v3;
	v3 =	vld [tilespmem:s16+$0xE0]  }
0xcb: {  	v2 =	vmul.f32 v4, v2;
	v4 =	vld [tilespmem:s12+$0xE0]  }
0xcc: {  	v6 =	vld [tilespmem:s16+$0xFFFFFF60]  }
0xcd: {  	[tilespmem:s16+$0xFFFFFFD0] =	vst v2;
	v2 =	vld [tilespmem:s16+$0xFFFFFFE0];
	v0 =	vmul.f32 v1, v0  }
0xce: {  	v1 =	vmul.f32 v5, v7;
	v5 =	vld [tilespmem:s12+$0xFFFFFFE0]  }
0xcf: {  	[tilespmem:s16+$0x50] =	vst v0;
	v7 =	vld [tilespmem:s16+$0x60]  }
0xd0: {  	[tilespmem:s16+$0xFFFFFF50] =	vst v1;
	v8 =	vld [tilespmem:s12+$0x60];
	v0 =	vmul.f32 v4, v3  }
0xd1: {  	v3 =	vld [tilespmem:s12+$0xFFFFFF60]  }
0xd2: {  	[tilespmem:s16+$0xE0] =	vst v0;
	v9 =	vld [tilespmem:s16+$0xF0]  }
0xd3: {  	v1 =	vmul.f32 v5, v2;
	v5 =	vld [tilespmem:s12+$0xF0]  }
0xd4: {  	v0 =	vld [tilespmem:s16+$0xFFFFFF70]  }
.Ltmp5:
0xd5: {  	[tilespmem:s16+$0xFFFFFFE0] =	vst v1;
	v1 =	vld [tilespmem:s16+$0xFFFFFFF0];
	v2 =	vmul.f32 v8, v7;
	(pc) =	sbr.rel @p2 .LBB2_4-.Ltmp5, $4  }
0xd6: {  	v4 =	vmul.f32 v3, v6;
	v3 =	vld [tilespmem:s12+$0xFFFFFFF0]  }
0xd7: {  	[tilespmem:s16+$0x60] =	vst v2;
	v2 =	vld [tilespmem:s16+$0x70]  }
0xd8: {  	[tilespmem:s16+$0xFFFFFF60] =	vst v4;
	v4 =	vld [tilespmem:s12+$0x70];
	v6 =	vmul.f32 v5, v9  }
0xd9: {  	s16 =	sadd.s32 $0x200, s16;
	v5 =	vld [tilespmem:s12+$0xFFFFFF70]  }
0xda: {  	_ =	sdelay $0x1  }
.Ltmp6:
0xdb: {  	v1 =	vmul.f32 v3, v1;
	(pc) =	sbr.rel .LBB2_7-.Ltmp6, $4  }
0xdc: {  	[tilespmem:s11+$0xF0] =	vst v6;
	v2 =	vmul.f32 v4, v2  }
0xdd: {  	[tilespmem:s11+$0xFFFFFFF0] =	vst v1;
	v0 =	vmul.f32 v5, v0  }
0xde: {  	[tilespmem:s11+$0x70] =	vst v2  }
0xdf: {  	[tilespmem:s11+$0xFFFFFF70] =	vst v0  }
.LBB2_6:
0xe0: {  	_ =	swait.ge [sflag:s26], $0x2800  }
0xe1: {  	[sflag:s26] =	ssyncset.done $0x0  }
0xe2: {  	[sflag:s26] =	ssyncadd.s32 $0xFFFFD800  }
.LBB2_7:
0xe3: {  	p2 =	seq.s32 s8, $0x7C  }
.Ltmp7:
0xe4: {  	_ = 	snop;
	(pc) =	sbr.rel @!p2 .LBB2_8-.Ltmp7, $2  }
0xe5: {  	_ =	sdelay $0x2  }
0xe6: {  	[spmem:s1] =	stream.indirect.scatter.add.f32 [tilespmem:s20], [sflag:$0x2], $0x80, s19, s24, $0xb8;
	[tilespmem:$0x1DE00] =	vst v63  }
.Ltmp8:
0xe7: {  	(pc) =	sbr.rel @p0 .LBB2_10-.Ltmp8, $4  }
.Ltmp9:
0xe8: {  	(pc) =	sbr.rel @!p0 .LBB2_14-.Ltmp9, $4  }
0xe9: {  	_ =	swait.ge [sflag:s28], $0x2800  }
0xea: {  	[sflag:s28] =	ssyncset.done $0x0  }
0xeb: {  	[sflag:s28] =	ssyncadd.s32 $0xFFFFD800  }
0xec: {  	_ = 	snop  }
.LBB2_8:
0xed: {  	_ =	swait.ge [sflag:s29], $0x2800;
	s11 =	sadd.s32 s10, s14  }
0xee: {  	[sflag:s29] =	ssyncset.done $0x0;
	s10 =	sshrl.u32 s11, $0x3  }
0xef: {  	[sflag:s29] =	ssyncadd.s32 $0xFFFFD800;
	s12 =	sadd.s32 s5, s10  }
0xf0: {  	[tilespmem:s19], [sflag:$0x5] =	stream.linear.gather [hbm4b:s12+s3], $0x50, $0x38;
	[tilespmem:$0x1DE00] =	vst v63  }
.Ltmp10:
0xf1: {  	_ = 	snop;
	(pc) =	sbr.rel @p1 .LBB2_15-.Ltmp10, $4  }
0xf2: {  	_ =	swait.ge [sflag:s18], $0x50  }
0xf3: {  	s11 =	sshll.u32 s11, $0x4;
	[sflag:s18] =	ssyncset.done $0x0  }
0xf4: {  	s11 =	sadd.s32 s6, s11;
	[sflag:s18] =	ssyncadd.s32 $0xFFFFFFB0  }
0xf5: {  	[tilespmem:s20], [sflag:$0x1] =	stream.linear.gather [hbm4b:s11+s3], $0x2800, $0x38;
	[tilespmem:$0x1DE00] =	vst v63  }
0xf6: {  	s10 =	sadd.s32 s4, s10  }
0xf7: {  	[tilespmem:s31], [sflag:$0x5] =	stream.linear.gather [hbm4b:s10+s3], $0x50, $0x38;
	[tilespmem:$0x1DE00] =	vst v63  }
0xf8: {  	_ =	swait.ge [sflag:s18], $0x50  }
0xf9: {  	[sflag:s18] =	ssyncset.done $0x0  }
0xfa: {  	[sflag:s18] =	ssyncadd.s32 $0xFFFFFFB0  }
0xfb: {  	[tilespmem:s0], [sflag:$0x1] =	stream.indirect.gather [hbm4b:s7+s24], $0x80, s31, s24, $0xb8;
	[tilespmem:$0x1DE00] =	vst v63  }
0xfc: {  	_ =	swait.ge [sflag:s28], $0x2800  }
0xfd: {  	[sflag:s28] =	ssyncset.done $0x0  }
0xfe: {  	[sflag:s28] =	ssyncadd.s32 $0xFFFFD800  }
.LBB2_10:
0xff: {  	_ =	swait.ge [sflag:s28], $0x2800  }
0x100: {  	[sflag:s28] =	ssyncset.done $0x0  }
0x101: {  	s10 =	simm.s32 $0x18F00;
	[sflag:s28] =	ssyncadd.s32 $0xFFFFD800  }
0x102: {  	s11 =	simm.s32 $0x1B700;
	v0 =	vld [tilespmem:s10+$0x80]  }
0x103: {  	v1 =	vld [tilespmem:s11+$0x80]  }
0x104: {  	v2 =	vld [tilespmem:s10+$0xFFFFFF80]  }
0x105: {  	v3 =	vld [tilespmem:s11+$0xFFFFFF80]  }
0x106: {  	v4 =	vld [tilespmem:s10+$0x0]  }
0x107: {  	v5 =	vld [tilespmem:s11+$0x0]  }
0x108: {  	v6 =	vld [tilespmem:s10+$0xFFFFFF00];
	v0 =	vmul.f32 v1, v0  }
0x109: {  	v1 =	vld [tilespmem:s11+$0xFFFFFF00]  }
0x10a: {  	[tilespmem:s10+$0x80] =	vst v0;
	v0 =	vld [tilespmem:s10+$0x90]  }
0x10b: {  	v2 =	vmul.f32 v3, v2;
	v3 =	vld [tilespmem:s11+$0x90]  }
0x10c: {  	v7 =	vld [tilespmem:s10+$0xFFFFFF10]  }
0x10d: {  	[tilespmem:s10+$0xFFFFFF80] =	vst v2;
	v2 =	vmul.f32 v5, v4;
	v4 =	vld [tilespmem:s10+$0xFFFFFF90]  }
0x10e: {  	v5 =	vld [tilespmem:s11+$0xFFFFFF90];
	v1 =	vmul.f32 v1, v6  }
0x10f: {  	[tilespmem:s10+$0x0] =	vst v2;
	v2 =	vld [tilespmem:s10+$0x10]  }
0x110: {  	v6 =	vld [tilespmem:s11+$0x10];
	[tilespmem:s10+$0xFFFFFF00] =	vst v1;
	v0 =	vmul.f32 v3, v0  }
0x111: {  	v1 =	vld [tilespmem:s11+$0xFFFFFF10]  }
0x112: {  	[tilespmem:s10+$0x90] =	vst v0;
	v0 =	vld [tilespmem:s10+$0xA0]  }
0x113: {  	v3 =	vmul.f32 v5, v4;
	v4 =	vld [tilespmem:s11+$0xA0]  }
0x114: {  	v5 =	vld [tilespmem:s10+$0xFFFFFF20]  }
0x115: {  	[tilespmem:s10+$0xFFFFFF90] =	vst v3;
	v2 =	vmul.f32 v6, v2;
	v3 =	vld [tilespmem:s10+$0xFFFFFFA0]  }
0x116: {  	v6 =	vld [tilespmem:s11+$0xFFFFFFA0];
	v1 =	vmul.f32 v1, v7  }
0x117: {  	[tilespmem:s10+$0x10] =	vst v2;
	v2 =	vld [tilespmem:s10+$0x20]  }
0x118: {  	v7 =	vld [tilespmem:s11+$0x20];
	[tilespmem:s10+$0xFFFFFF10] =	vst v1;
	v0 =	vmul.f32 v4, v0  }
0x119: {  	v1 =	vld [tilespmem:s11+$0xFFFFFF20]  }
0x11a: {  	[tilespmem:s10+$0xA0] =	vst v0;
	v0 =	vld [tilespmem:s10+$0xB0]  }
0x11b: {  	v3 =	vmul.f32 v6, v3;
	v4 =	vld [tilespmem:s11+$0xB0]  }
0x11c: {  	v6 =	vld [tilespmem:s10+$0xFFFFFF30]  }
0x11d: {  	[tilespmem:s10+$0xFFFFFFA0] =	vst v3;
	v2 =	vmul.f32 v7, v2;
	v3 =	vld [tilespmem:s10+$0xFFFFFFB0]  }
0x11e: {  	v7 =	vld [tilespmem:s11+$0xFFFFFFB0];
	v1 =	vmul.f32 v1, v5  }
0x11f: {  	[tilespmem:s10+$0x20] =	vst v2;
	v2 =	vld [tilespmem:s10+$0x30]  }
0x120: {  	v5 =	vld [tilespmem:s11+$0x30];
	[tilespmem:s10+$0xFFFFFF20] =	vst v1;
	v0 =	vmul.f32 v4, v0  }
0x121: {  	v1 =	vld [tilespmem:s11+$0xFFFFFF30]  }
0x122: {  	[tilespmem:s10+$0xB0] =	vst v0;
	v0 =	vld [tilespmem:s10+$0xC0]  }
0x123: {  	v3 =	vmul.f32 v7, v3;
	v4 =	vld [tilespmem:s11+$0xC0]  }
0x124: {  	v7 =	vld [tilespmem:s10+$0xFFFFFF40]  }
0x125: {  	[tilespmem:s10+$0xFFFFFFB0] =	vst v3;
	v2 =	vmul.f32 v5, v2;
	v3 =	vld [tilespmem:s10+$0xFFFFFFC0]  }
0x126: {  	v5 =	vld [tilespmem:s11+$0xFFFFFFC0];
	v1 =	vmul.f32 v1, v6  }
0x127: {  	[tilespmem:s10+$0x30] =	vst v2;
	v2 =	vld [tilespmem:s10+$0x40]  }
0x128: {  	v6 =	vld [tilespmem:s11+$0x40];
	[tilespmem:s10+$0xFFFFFF30] =	vst v1;
	v0 =	vmul.f32 v4, v0  }
0x129: {  	v1 =	vld [tilespmem:s11+$0xFFFFFF40]  }
0x12a: {  	[tilespmem:s10+$0xC0] =	vst v0;
	v0 =	vld [tilespmem:s10+$0xD0]  }
0x12b: {  	v3 =	vmul.f32 v5, v3;
	v4 =	vld [tilespmem:s11+$0xD0]  }
0x12c: {  	v5 =	vld [tilespmem:s10+$0xFFFFFF50]  }
0x12d: {  	[tilespmem:s10+$0xFFFFFFC0] =	vst v3;
	v2 =	vmul.f32 v6, v2;
	v3 =	vld [tilespmem:s10+$0xFFFFFFD0]  }
0x12e: {  	v6 =	vld [tilespmem:s11+$0xFFFFFFD0];
	v1 =	vmul.f32 v1, v7  }
0x12f: {  	[tilespmem:s10+$0x40] =	vst v2;
	v2 =	vld [tilespmem:s10+$0x50]  }
0x130: {  	v7 =	vld [tilespmem:s11+$0x50];
	[tilespmem:s10+$0xFFFFFF40] =	vst v1;
	v0 =	vmul.f32 v4, v0  }
0x131: {  	v1 =	vld [tilespmem:s11+$0xFFFFFF50]  }
0x132: {  	[tilespmem:s10+$0xD0] =	vst v0;
	v0 =	vld [tilespmem:s10+$0xE0]  }
0x133: {  	v3 =	vmul.f32 v6, v3;
	v4 =	vld [tilespmem:s11+$0xE0]  }
0x134: {  	v6 =	vld [tilespmem:s10+$0xFFFFFF60]  }
0x135: {  	[tilespmem:s10+$0xFFFFFFD0] =	vst v3;
	v2 =	vmul.f32 v7, v2;
	v3 =	vld [tilespmem:s10+$0xFFFFFFE0]  }
0x136: {  	v7 =	vld [tilespmem:s11+$0xFFFFFFE0];
	v1 =	vmul.f32 v1, v5  }
0x137: {  	[tilespmem:s10+$0x50] =	vst v2;
	v2 =	vld [tilespmem:s10+$0x60]  }
0x138: {  	v5 =	vld [tilespmem:s11+$0x60];
	[tilespmem:s10+$0xFFFFFF50] =	vst v1;
	v0 =	vmul.f32 v4, v0  }
0x139: {  	v4 =	vld [tilespmem:s11+$0xFFFFFF60]  }
0x13a: {  	v8 =	vld [tilespmem:s10+$0xF0];
	[tilespmem:s10+$0xE0] =	vst v0  }
0x13b: {  	v1 =	vmul.f32 v7, v3;
	v7 =	vld [tilespmem:s11+$0xF0]  }
0x13c: {  	v0 =	vld [tilespmem:s10+$0xFFFFFF70]  }
0x13d: {  	[tilespmem:s10+$0xFFFFFFE0] =	vst v1;
	v2 =	vmul.f32 v5, v2;
	v1 =	vld [tilespmem:s10+$0xFFFFFFF0]  }
0x13e: {  	v3 =	vld [tilespmem:s11+$0xFFFFFFF0];
	v4 =	vmul.f32 v4, v6  }
0x13f: {  	[tilespmem:s10+$0x60] =	vst v2;
	v2 =	vld [tilespmem:s10+$0x70]  }
0x140: {  	[tilespmem:s10+$0xFFFFFF60] =	vst v4;
	v4 =	vld [tilespmem:s11+$0x70];
	v6 =	vmul.f32 v7, v8  }
0x141: {  	s12 =	simm.s32 $0x0;
	s15 =	simm.s32 $0x19100;
	v5 =	vld [tilespmem:s11+$0xFFFFFF70]  }
.LBB2_11:
0x142: {  	v7 =	vld [tilespmem:s15+$0x80];
	[tilespmem:s10+$0xF0] =	vst v6;
	s11 =	sadd.s32 $0x200, s11  }
0x143: {  	s12 =	sadd.s32 $0x4, s12;
	v6 =	vld [tilespmem:s11+$0x80];
	v1 =	vmul.f32 v3, v1  }
0x144: {  	p2 =	slt.u32 s12, $0x4C;
	v3 =	vld [tilespmem:s11+$0xFFFFFF00]  }
0x145: {  	v8 =	vld [tilespmem:s15+$0xFFFFFF80];
	[tilespmem:s10+$0xFFFFFFF0] =	vst v1;
	v1 =	vmul.f32 v4, v2  }
0x146: {  	v2 =	vld [tilespmem:s11+$0xFFFFFF80];
	v0 =	vmul.f32 v5, v0  }
0x147: {  	v4 =	vld [tilespmem:s15+$0x0];
	[tilespmem:s10+$0x70] =	vst v1  }
0x148: {  	v1 =	vld [tilespmem:s11+$0x0];
	v5 =	vmul.f32 v6, v7;
	[tilespmem:s10+$0xFFFFFF70] =	vst v0;
	s10 =	smov.u32 s15  }
0x149: {  	v0 =	vld [tilespmem:s15+$0xFFFFFF00]  }
0x14a: {  	[tilespmem:s15+$0x80] =	vst v5;
	v5 =	vld [tilespmem:s15+$0x90]  }
0x14b: {  	v2 =	vmul.f32 v2, v8;
	v6 =	vld [tilespmem:s11+$0x90]  }
0x14c: {  	v7 =	vld [tilespmem:s15+$0xFFFFFF10]  }
0x14d: {  	[tilespmem:s15+$0xFFFFFF80] =	vst v2;
	v2 =	vld [tilespmem:s15+$0xFFFFFF90];
	v1 =	vmul.f32 v1, v4  }
0x14e: {  	v0 =	vmul.f32 v3, v0;
	v3 =	vld [tilespmem:s11+$0xFFFFFF90]  }
0x14f: {  	[tilespmem:s15+$0x0] =	vst v1;
	v1 =	vld [tilespmem:s15+$0x10]  }
0x150: {  	[tilespmem:s15+$0xFFFFFF00] =	vst v0;
	v0 =	vld [tilespmem:s11+$0x10];
	v4 =	vmul.f32 v6, v5  }
0x151: {  	v5 =	vld [tilespmem:s11+$0xFFFFFF10]  }
0x152: {  	[tilespmem:s15+$0x90] =	vst v4;
	v4 =	vld [tilespmem:s15+$0xA0]  }
0x153: {  	v2 =	vmul.f32 v3, v2;
	v3 =	vld [tilespmem:s11+$0xA0]  }
0x154: {  	v6 =	vld [tilespmem:s15+$0xFFFFFF20]  }
0x155: {  	[tilespmem:s15+$0xFFFFFF90] =	vst v2;
	v2 =	vld [tilespmem:s15+$0xFFFFFFA0];
	v0 =	vmul.f32 v0, v1  }
0x156: {  	v1 =	vmul.f32 v5, v7;
	v5 =	vld [tilespmem:s11+$0xFFFFFFA0]  }
0x157: {  	[tilespmem:s15+$0x10] =	vst v0;
	v0 =	vld [tilespmem:s15+$0x20]  }
0x158: {  	[tilespmem:s15+$0xFFFFFF10] =	vst v1;
	v1 =	vld [tilespmem:s11+$0x20];
	v3 =	vmul.f32 v3, v4  }
0x159: {  	v4 =	vld [tilespmem:s11+$0xFFFFFF20]  }
0x15a: {  	[tilespmem:s15+$0xA0] =	vst v3;
	v3 =	vld [tilespmem:s15+$0xB0]  }
0x15b: {  	v2 =	vmul.f32 v5, v2;
	v5 =	vld [tilespmem:s11+$0xB0]  }
0x15c: {  	v7 =	vld [tilespmem:s15+$0xFFFFFF30]  }
0x15d: {  	[tilespmem:s15+$0xFFFFFFA0] =	vst v2;
	v2 =	vld [tilespmem:s15+$0xFFFFFFB0];
	v0 =	vmul.f32 v1, v0  }
0x15e: {  	v1 =	vmul.f32 v4, v6;
	v4 =	vld [tilespmem:s11+$0xFFFFFFB0]  }
0x15f: {  	[tilespmem:s15+$0x20] =	vst v0;
	v0 =	vld [tilespmem:s15+$0x30]  }
0x160: {  	[tilespmem:s15+$0xFFFFFF20] =	vst v1;
	v1 =	vld [tilespmem:s11+$0x30];
	v3 =	vmul.f32 v5, v3  }
0x161: {  	v5 =	vld [tilespmem:s11+$0xFFFFFF30]  }
0x162: {  	[tilespmem:s15+$0xB0] =	vst v3;
	v3 =	vld [tilespmem:s15+$0xC0]  }
0x163: {  	v2 =	vmul.f32 v4, v2;
	v4 =	vld [tilespmem:s11+$0xC0]  }
0x164: {  	v6 =	vld [tilespmem:s15+$0xFFFFFF40]  }
0x165: {  	[tilespmem:s15+$0xFFFFFFB0] =	vst v2;
	v2 =	vld [tilespmem:s15+$0xFFFFFFC0];
	v0 =	vmul.f32 v1, v0  }
0x166: {  	v1 =	vmul.f32 v5, v7;
	v5 =	vld [tilespmem:s11+$0xFFFFFFC0]  }
0x167: {  	[tilespmem:s15+$0x30] =	vst v0;
	v0 =	vld [tilespmem:s15+$0x40]  }
0x168: {  	[tilespmem:s15+$0xFFFFFF30] =	vst v1;
	v1 =	vld [tilespmem:s11+$0x40];
	v3 =	vmul.f32 v4, v3  }
0x169: {  	v4 =	vld [tilespmem:s11+$0xFFFFFF40]  }
0x16a: {  	[tilespmem:s15+$0xC0] =	vst v3;
	v3 =	vld [tilespmem:s15+$0xD0]  }
0x16b: {  	v2 =	vmul.f32 v5, v2;
	v5 =	vld [tilespmem:s11+$0xD0]  }
0x16c: {  	v7 =	vld [tilespmem:s15+$0xFFFFFF50]  }
0x16d: {  	[tilespmem:s15+$0xFFFFFFC0] =	vst v2;
	v2 =	vld [tilespmem:s15+$0xFFFFFFD0];
	v0 =	vmul.f32 v1, v0  }
0x16e: {  	v1 =	vmul.f32 v4, v6;
	v4 =	vld [tilespmem:s11+$0xFFFFFFD0]  }
0x16f: {  	[tilespmem:s15+$0x40] =	vst v0;
	v0 =	vld [tilespmem:s15+$0x50]  }
0x170: {  	[tilespmem:s15+$0xFFFFFF40] =	vst v1;
	v1 =	vld [tilespmem:s11+$0x50];
	v3 =	vmul.f32 v5, v3  }
0x171: {  	v5 =	vld [tilespmem:s11+$0xFFFFFF50]  }
0x172: {  	[tilespmem:s15+$0xD0] =	vst v3;
	v3 =	vld [tilespmem:s15+$0xE0]  }
0x173: {  	v2 =	vmul.f32 v4, v2;
	v4 =	vld [tilespmem:s11+$0xE0]  }
0x174: {  	v6 =	vld [tilespmem:s15+$0xFFFFFF60]  }
0x175: {  	[tilespmem:s15+$0xFFFFFFD0] =	vst v2;
	v2 =	vld [tilespmem:s15+$0xFFFFFFE0];
	v0 =	vmul.f32 v1, v0  }
0x176: {  	v1 =	vmul.f32 v5, v7;
	v5 =	vld [tilespmem:s11+$0xFFFFFFE0]  }
0x177: {  	[tilespmem:s15+$0x50] =	vst v0;
	v7 =	vld [tilespmem:s15+$0x60]  }
0x178: {  	[tilespmem:s15+$0xFFFFFF50] =	vst v1;
	v8 =	vld [tilespmem:s11+$0x60];
	v0 =	vmul.f32 v4, v3  }
0x179: {  	v3 =	vld [tilespmem:s11+$0xFFFFFF60]  }
0x17a: {  	[tilespmem:s15+$0xE0] =	vst v0;
	v9 =	vld [tilespmem:s15+$0xF0]  }
0x17b: {  	v1 =	vmul.f32 v5, v2;
	v5 =	vld [tilespmem:s11+$0xF0]  }
0x17c: {  	v0 =	vld [tilespmem:s15+$0xFFFFFF70]  }
.Ltmp11:
0x17d: {  	[tilespmem:s15+$0xFFFFFFE0] =	vst v1;
	v1 =	vld [tilespmem:s15+$0xFFFFFFF0];
	v2 =	vmul.f32 v8, v7;
	(pc) =	sbr.rel @p2 .LBB2_11-.Ltmp11, $4  }
0x17e: {  	v4 =	vmul.f32 v3, v6;
	v3 =	vld [tilespmem:s11+$0xFFFFFFF0]  }
0x17f: {  	[tilespmem:s15+$0x60] =	vst v2;
	v2 =	vld [tilespmem:s15+$0x70]  }
0x180: {  	[tilespmem:s15+$0xFFFFFF60] =	vst v4;
	v4 =	vld [tilespmem:s11+$0x70];
	v6 =	vmul.f32 v5, v9  }
0x181: {  	s15 =	sadd.s32 $0x200, s15;
	v5 =	vld [tilespmem:s11+$0xFFFFFF70]  }
0x182: {  	_ =	sdelay $0x1  }
.Ltmp12:
0x183: {  	v1 =	vmul.f32 v3, v1;
	(pc) =	sbr.rel .LBB2_16-.Ltmp12, $4  }
0x184: {  	[tilespmem:s10+$0xF0] =	vst v6;
	v2 =	vmul.f32 v4, v2  }
0x185: {  	[tilespmem:s10+$0xFFFFFFF0] =	vst v1;
	v0 =	vmul.f32 v5, v0  }
0x186: {  	[tilespmem:s10+$0x70] =	vst v2  }
0x187: {  	[tilespmem:s10+$0xFFFFFF70] =	vst v0  }
.LBB2_18:
0x188: {  	_ =	sfence.sel $0x180000  }
0x189: {  	[bflag:$0x0] =	sbarrier.arrive $0xFFFF  }
0x18a: {  	_ =	strace $0x9000004A  }
0x18b: {  	s0 =	stileid.u32;
	[bflag:$0x2] =	sbarrier.arrive $0xFFFF  }
0x18c: {  	p0 =	sne.s32 s0, $0x0;
	s0 =	rddreg [dreg:$0x2]  }
0x18d: {  	s0 =	sadd.s32 @!p0 $0x100000, s0  }
0x18e: {  	[sflag:s0] =	ssyncadd.tile.s32 @!p0 $0x1;
	_ =	shalt  }
.Lfunc_end2:
_tile_overlayer_lowered:
.L_overlay_start_2:
0x18f: {  	(tag) =	ssettag $0x2  }
0x190: {  	s0 =	rddreg [dreg:$0x0];
	s2 =	stileid.u32  }
0x191: {  	s1 =	rddreg [dreg:$0x1];
	p0 =	sne.s32 s2, $0x0  }
0x192: {  	s3 =	rddreg [dreg:$0x2];
	[bflag:$0x3] =	sbarrier.arrive $0xFFFF;
	s2 =	simm.s32 @!p0 $0x1C05  }
0x193: {  	[timem:s3], [sflag:s2] =	dma.local @!p0 [hbm:s0], s1  }
0x194: {  	s0 =	simm.s32 @!p0 $0x5  }
0x195: {  	_ =	swait.ge @!p0 [sflag:s0], s1  }
0x196: {  	s1 =	ssub.s32 @!p0 $0x0, s1;
	[sflag:s0] =	ssyncset.done @!p0 $0x0  }
0x197: {  	[sflag:s0] =	ssyncadd.s32 @!p0 s1  }
0x198: {  	[bflag:$0x3] =	sbarrier.arrive $0xFFFF  }
0x199: {  	_ =	shalt  }

// kernel: kernel.7.cloned.1.call-start
scs
__scs_entry_jumppad:
0x0: {  	(pc) =	sbr.rel $0x88, $3  }
0x1: {  	(tag) =	ssettag $0x0;
	lr =	simm.s32 $0x1  }
0x2: {  	[smem:$0x3F90] =	sst lr;
	_ =	strace $0xD0000000  }
0x3: {  	_ = 	snop  }
0x4: {  	_ = 	snop  }
0x5: {  	_ = 	snop  }
0x6: {  	_ = 	snop  }
0x7: {  	_ = 	snop  }
__scs_overlays_trampoline_lowered:
0x8: {  	[smem:$0x3F9F] =	sst s0  }
0x9: {  	[smem:$0x3FA0] =	sst s1  }
0xa: {  	[smem:$0x3FA1] =	sst s2  }
0xb: {  	[smem:$0x3FA2] =	sst s3  }
0xc: {  	[smem:$0x3FA3] =	sst s4  }
0xd: {  	[smem:$0x3FA4] =	sst s5  }
0xe: {  	[smem:$0x3FA5] =	sst s6  }
0xf: {  	[smem:$0x3FA6] =	sst s7  }
0x10: {  	[smem:$0x3FA7] =	sst s8  }
0x11: {  	[smem:$0x3FA8] =	sst s9;
	s0 =	simm.s32 @!p0 $0x0  }
0x12: {  	s1 =	sld [smem:$0x3F8E];
	s0 =	simm.s32 @p0 $0x1  }
0x13: {  	[smem:$0x3FA9] =	sst s0;
	s0 =	simm.s32 @!p1 $0x0  }
0x14: {  	s2 =	sld [smem:$0x3F8D];
	s0 =	simm.s32 @p1 $0x1  }
0x15: {  	[smem:$0x3FAA] =	sst s0;
	s0 =	simm.s32 @!p2 $0x0  }
0x16: {  	s3 =	sld [smem:$0x3FDB];
	s0 =	simm.s32 @p2 $0x1  }
0x17: {  	s4 =	simm.s32 $0x1BF5;
	[smem:$0x3FAC] =	sst s0  }
0x18: {  	s0 =	sld [smem:$0x3F8F];
	_ =	swait.ge [sflag:s4], $0x0  }
0x19: {  	s7 =	sld [smem:$0x3F90]  }
0x1a: {  	s8 =	sadd.s32 $0xFFFFE003, lr  }
0x1b: {  	s9 =	sadd.s32 $0xFFFFFEF7, lr;
	s5 =	simm.s32 $0xFFFFFFFF;
	p2 =	slt.u32 s8, $0xFFFFF086  }
0x1c: {  	p1 =	slt.u32 s9, $0xF7A;
	s5 =	simm.s32 @!p2 $0x0  }
0x1d: {  	s5 =	simm.s32 @p1 $0x1;
	p0 =	seq.s32 s7, s2  }
0x1e: {  	s7 =	smul.u32 @!p0 $0xF7A, s2;
	p2 =	seq.s32 @!p0 s5, $0x0  }
0x1f: {  	s9 =	smul.u32 $0xF7A, s1;
	s8 =	simm.s32 @!p0 $0x1BF5;
	p2 =	por !p2, p0  }
0x20: {  	[sflag:s8] =	ssyncset.s32 @!p0 $0xFFFFF086;
	s6 =	sadd.s32 @!p0 s3, s7;
	s7 =	simm.s32 @!p0 $0x108  }
0x21: {  	s3 =	sadd.s32 s3, s9;
	s6 =	sadd.s32 @!p0 $0x88, s6;
	s7 =	simm.s32 @p2 $0x1082  }
0x22: {  	[simem:s7], [sflag:s8] =	dma.local @!p0 [hbm:s6], $0xF7A  }
0x23: {  	s9 =	sor.u32 $0xD0000000, s2;
	s6 =	simm.s32 $0x108;
	_ =	swait.ge @!p0 [sflag:s8], $0x0  }
0x24: {  	s3 =	sadd.s32 $0x88, s3;
	s6 =	simm.s32 @!p1 $0x1082;
	[sflag:s4] =	ssyncset.s32 $0xFFFFF086  }
0x25: {  	[simem:s6], [sflag:s4] =	dma.local [hbm:s3], $0xF7A  }
0x26: {  	[smem:$0x3F90] =	sst s1;
	(tag) =	ssettag s2;
	_ =	strace s9  }
0x27: {  	s1 =	sld [smem:$0x3FA0]  }
0x28: {  	s2 =	sld [smem:$0x3FA1]  }
0x29: {  	s4 =	sld [smem:$0x3FA3]  }
0x2a: {  	p0 =	seq.s32 s5, $0x0;
	s5 =	sld [smem:$0x3FA4]  }
0x2b: {  	s6 =	sld [smem:$0x3FA5]  }
0x2c: {  	s7 =	sld [smem:$0x3FA6]  }
0x2d: {  	s3 =	simm.s32 $0x108;
	s8 =	sld [smem:$0x3FA7]  }
0x2e: {  	s3 =	simm.s32 @!p0 $0x1082;
	s9 =	sld [smem:$0x3FA8]  }
0x2f: {  	lr =	sadd.s32 s0, s3;
	s0 =	sld [smem:$0x3F9F]  }
0x30: {  	s3 =	sld [smem:$0x3FA2]  }
0x31: {  	[smem:$0x3FAB] =	sst s10  }
0x32: {  	s10 =	sld [smem:$0x3FA9];
	_ =	sdelay $0x3  }
0x33: {  	p0 =	seq.s32 s10, $0x1;
	s10 =	sld [smem:$0x3FAB];
	_ =	sdelay $0x3  }
0x34: {  	[smem:$0x3FAB] =	sst s10  }
0x35: {  	s10 =	sld [smem:$0x3FAA];
	_ =	sdelay $0x3  }
0x36: {  	p1 =	seq.s32 s10, $0x1;
	s10 =	sld [smem:$0x3FAB];
	_ =	sdelay $0x3  }
0x37: {  	[smem:$0x3FAB] =	sst s10  }
0x38: {  	s10 =	sld [smem:$0x3FAC]  }
0x39: {  	_ = 	snop;
	(pc) =	sbr.ind lr, $3  }
0x3a: {  	_ = 	snop  }
0x3b: {  	_ = 	snop  }
0x3c: {  	p2 =	seq.s32 s10, $0x1;
	s10 =	sld [smem:$0x3FAB]  }
0x3d: {  	_ =	shalt  }
0x3e: {  	_ =	shalt  }
0x3f: {  	_ =	shalt  }
0x40: {  	_ =	shalt  }
0x41: {  	_ =	shalt  }
0x42: {  	_ =	shalt  }
0x43: {  	_ =	shalt  }
0x44: {  	_ =	shalt  }
0x45: {  	_ =	shalt  }
0x46: {  	_ =	shalt  }
0x47: {  	_ =	shalt  }
0x48: {  	_ =	shalt  }
0x49: {  	_ =	shalt  }
0x4a: {  	_ =	shalt  }
0x4b: {  	_ =	shalt  }
0x4c: {  	_ =	shalt  }
0x4d: {  	_ =	shalt  }
0x4e: {  	_ =	shalt  }
0x4f: {  	_ =	shalt  }
0x50: {  	_ =	shalt  }
0x51: {  	_ =	shalt  }
0x52: {  	_ =	shalt  }
0x53: {  	_ =	shalt  }
0x54: {  	_ =	shalt  }
0x55: {  	_ =	shalt  }
0x56: {  	_ =	shalt  }
0x57: {  	_ =	shalt  }
0x58: {  	_ =	shalt  }
0x59: {  	_ =	shalt  }
0x5a: {  	_ =	shalt  }
0x5b: {  	_ =	shalt  }
0x5c: {  	_ =	shalt  }
0x5d: {  	_ =	shalt  }
0x5e: {  	_ =	shalt  }
0x5f: {  	_ =	shalt  }
0x60: {  	_ =	shalt  }
0x61: {  	_ =	shalt  }
0x62: {  	_ =	shalt  }
0x63: {  	_ =	shalt  }
0x64: {  	_ =	shalt  }
0x65: {  	_ =	shalt  }
0x66: {  	_ =	shalt  }
0x67: {  	_ =	shalt  }
0x68: {  	_ =	shalt  }
0x69: {  	_ =	shalt  }
0x6a: {  	_ =	shalt  }
0x6b: {  	_ =	shalt  }
0x6c: {  	_ =	shalt  }
0x6d: {  	_ =	shalt  }
0x6e: {  	_ =	shalt  }
0x6f: {  	_ =	shalt  }
0x70: {  	_ =	shalt  }
0x71: {  	_ =	shalt  }
0x72: {  	_ =	shalt  }
0x73: {  	_ =	shalt  }
0x74: {  	_ =	shalt  }
0x75: {  	_ =	shalt  }
0x76: {  	_ =	shalt  }
0x77: {  	_ =	shalt  }
0x78: {  	_ =	shalt  }
0x79: {  	_ =	shalt  }
0x7a: {  	_ =	shalt  }
0x7b: {  	_ =	shalt  }
0x7c: {  	_ =	shalt  }
0x7d: {  	_ =	shalt  }
0x7e: {  	_ =	shalt  }
0x7f: {  	_ =	shalt  }
0x80: {  	_ =	shalt  }
0x81: {  	_ =	shalt  }
0x82: {  	_ =	shalt  }
0x83: {  	_ =	shalt  }
0x84: {  	_ =	shalt  }
0x85: {  	_ =	shalt  }
0x86: {  	_ =	shalt  }
0x87: {  	_ =	shalt  }
.Lfunc_end0:
.L_simem_size_0:
called_computation_lowered:
.L_overlay_start_0:
0x88: {  	s2 =	sld [smem:$0x3FD9]  }
0x89: {  	s3 =	sld [smem:$0x3FFE];
	_ =	sdelay $0x1  }
0x8a: {  	s1 =	srdreg.scid  }
0x8b: {  	s0 =	sand.u32 $0x1, s1  }
0x8c: {  	s14 =	sshll.u32 s0, $0xA;
	s2 =	sadd.s32 s3, s2  }
0x8d: {  	s2 =	sadd.s32 s2, s14  }
0x8e: {  	[smem:$0x3FB7] =	sst s2  }
0x8f: {  	_ = 	snop  }
0x90: {  	s2 =	sld [smem:$0x3FD0];
	_ =	sdelay $0x2  }
0x91: {  	s15 =	simm.s32 $0xA;
	s4 =	simm.s32 $0x10  }
0x92: {  	[smem:s4], [sflag:s15] =	dma.local [hbm:s2], $0x1  }
0x93: {  	_ =	swait.eq [sflag:s15], $0x1  }
0x94: {  	[sflag:s15] =	ssyncset.done $0x0  }
0x95: {  	[sflag:s15] =	ssyncadd.s32 $0xFFFFFFFF  }
0x96: {  	s16 =	sld [smem:$0x11];
	(tm) =	ssettm $0x1  }
0x97: {  	s17 =	sld [smem:$0x3FFB];
	_ =	sdelay $0x3  }
0x98: {  	_ =	strace s17  }
0x99: {  	s3 =	sld [smem:$0x3FFC];
	_ =	sdelay $0x3  }
0x9a: {  	_ =	strace s3  }
0x9b: {  	s3 =	sld [smem:$0x3FFD];
	_ =	sdelay $0x3  }
0x9c: {  	_ =	strace s3  }
0x9d: {  	_ =	strace $0x8FFFFFFF  }
0x9e: {  	s18 =	sld [smem:$0x3FDB];
	_ =	sdelay $0x1  }
0x9f: {  	s19 =	simm.s32 $_scs_section_size  }
0xa0: {  	s5 =	simm.s32 $_size__tile_overlayer_lowered;
	s6 =	simm.s32 $_tile_overlayer_lowered  }
0xa1: {  	s22 =	simm.s32 $0x1BFF;
	s21 =	sshll.u32 s6, $0x1;
	s3 =	sadd.s32 s19, s18  }
0xa2: {  	s7 =	simm.s32 $0x0;
	s20 =	sshll.u32 s5, $0x1;
	s5 =	sadd.s32 s21, s3  }
0xa3: {  	[timem:s7], [sflag:s22] =	dma.local [hbm:s5], s20  }
0xa4: {  	_ =	swait.ge [sflag:s22], s20  }
0xa5: {  	s4 =	ssub.s32 $0x0, s20;
	[sflag:s22] =	ssyncset.done $0x0  }
0xa6: {  	[sflag:s22] =	ssyncadd.s32 s4;
	_ =	sdelay $0x1  }
0xa7: {  	s23 =	simm.s32 $0x1B8B  }
0xa8: {  	_ =	swait.ge [sflag:s23], $0x1  }
0xa9: {  	[sflag:s23] =	ssyncset.done $0x0  }
0xaa: {  	s25 =	simm.s32 $0x1B8E;
	s24 =	sld [smem:$0x3FFE];
	[sflag:s23] =	ssyncadd.s32 $0xFFFFFFFF  }
0xab: {  	s26 =	simm.s32 $execute0_lowered;
	[smem:$0x3FD2] =	sst s25  }
0xac: {  	s5 =	sshll.u32 s26, $0x1;
	_ =	strace $0x80000046;
	[dreg:$0x1] =	wrdreg $0xFFFFFFFF  }
0xad: {  	s28 =	simm.s32 $_size_execute0_lowered;
	s3 =	sadd.s32 s3, s5;
	[dreg:$0x0] =	wrdreg $0x0  }
0xae: {  	s5 =	sshll.u32 s28, $0x1;
	[dreg:$0x2] =	wrdreg s3  }
0xaf: {  	[dreg:$0x3] =	wrdreg s5  }
0xb0: {  	[dreg:$0x4] =	wrdreg $0xC0  }
0xb1: {  	_ =	task [dreg:s7], $0x5FFFF  }
0xb2: {  	[dreg:$0x1] =	wrdreg $0xFFFFFFFF  }
0xb3: {  	[dreg:$0x0] =	wrdreg $0x60  }
0xb4: {  	[dreg:$0x2] =	wrdreg s24  }
0xb5: {  	[dreg:$0x3] =	wrdreg s16  }
0xb6: {  	[dreg:$0x4] =	wrdreg $0x9  }
0xb7: {  	_ =	task.clear_ibuf [dreg:s7], $0x5FFFF;
	_ =	strace $0x90000046  }
0xb8: {  	s29 =	simm.s32 $0x9;
	_ =	strace $0x80000048  }
0xb9: {  	_ =	swait.ge [sflag:s29], $0x1  }
0xba: {  	[sflag:s29] =	ssyncadd.s32 $0xFFFFFFFF  }
0xbb: {  	_ =	strace $0x90000048  }
0xbc: {  	_ =	sfence  }
0xbd: {  	s30 =	sld [smem:$0x0];
	_ =	sdelay $0x2  }
0xbe: {  	s31 =	sshll.u32 s1, $0xD;
	s1 =	sshrl.u32 s1, $0x2  }
0xbf: {  	s3 =	sand.u32 $0x4000, s31;
	s1 =	sadd.s32 s1, s30  }
0xc0: {  	s0 =	sor.u32 s3, s0;
	s1 =	sshll.u32 s1, $0x11  }
0xc1: {  	s0 =	sor.u32 s1, s0  }
0xc2: {  	s0 =	sadd.s32 $0x8F2B, s0  }
0xc3: {  	[sflag:s0] =	ssyncadd.remote.s32 $0x1  }
0xc4: {  	_ =	sfence.sel $0xFFFF  }
0xc5: {  	[dreg:$0x0] =	wrdreg $0xFFFFFFFF;
	(pc) =	sbr.abs _section_cstart, $3  }
0xc6: {  	[dreg:$0x1] =	wrdreg $0xFFFFFFFF  }
0xc7: {  	_ =	task.clear_ibuf [dreg:s7], $0x2FFFF;
	_ =	strace $0x9FFFFFFF  }
0xc8: {  	(tm) =	ssettm $0x7FFFFFFF  }
0xc9: {  	_ =	shalt  }
tec
execute0_lowered:
.L_overlay_start_1:
0x0: {  	(tag) =	ssettag $0x1  }
0x1: {  	s0 =	rddreg [dreg:$0x0]  }
0x2: {  	s1 =	rddreg [dreg:$0x1];
	s2 =	srdreg.scid  }
0x3: {  	s3 =	simm.s32 $0x0;
	s5 =	stileid.u32;
	s15 =	simm.s32 $0x5  }
0x4: {  	s16 =	simm.s32 $0x80;
	s17 =	simm.s32 $0x50;
	s18 =	simm.s32 $0x100  }
0x5: {  	s19 =	simm.s32 $0x2900;
	s20 =	simm.s32 $0x5100;
	s21 =	simm.s32 $0x5180  }
0x6: {  	s22 =	simm.s32 $0x5200;
	s23 =	simm.s32 $0x7A00;
	s24 =	simm.s32 $0x1  }
0x7: {  	s25 =	simm.s32 $0x2;
	s28 =	simm.s32 $0x4;
	s2 =	sand.u32 $0x1, s2  }
0x8: {  	s29 =	simm.s32 $0x0;
	[smem:$0x7FF] =	sst s3;
	s4 =	sshll.u32 s2, $0x4  }
0x9: {  	s6 =	sadd.s32 $0x3600, s0;
	s8 =	sadd.s32 $0x65600, s0;
	s7 =	sor.u32 s5, s4  }
0xa: {  	_ =	strace $0x80000047;
	s2 =	ssub.s32 $0x2, s2;
	s5 =	smul.u32 $0x2710, s7  }
0xb: {  	s4 =	sadd.s32 $0xD400, s0;
	s26 =	sshrl.u32 s2, $0x1;
	s9 =	smul.u32 $0x138800, s7  }
0xc: {  	s7 =	sadd.s32 $0x17200, s0;
	s0 =	ssub.s32 s2, s26;
	s30 =	sshrl.u32 s5, $0x3  }
0xd: {  	s26 =	simm.s32 $0x3;
	s9 =	sshrl.u32 s9, $0x3;
	s10 =	sadd.s32 s4, s30  }
0xe: {  	s2 =	sadd.s32 s6, s30;
	s31 =	sadd.s32 s8, s9;
	[dreg:$0x3] =	wrdreg s10  }
0xf: {  	s14 =	smax.u32 s0, $0x1;
	[dreg:$0x4] =	wrdreg s2;
	s2 =	sadd.s32 $0x26C00, s31  }
0x10: {  	s11 =	sadd.s32 $0x50, s5;
	s12 =	sadd.s32 $0xA0, s5;
	[dreg:$0x5] =	wrdreg s2  }
.LBB2_1:
0x11: {  	s0 =	rddreg [dreg:$0x3]  }
0x12: {  	[tilespmem:s3], [sflag:$0x5] =	stream.linear.gather [hbm4b:s0+s3], $0x50, $0x38;
	[tilespmem:$0xA200] =	vst v63  }
0x13: {  	_ =	swait.ge [sflag:s15], $0x50  }
0x14: {  	[sflag:s15] =	ssyncset.done $0x0  }
0x15: {  	s31 =	rddreg [dreg:$0x4];
	[sflag:s15] =	ssyncadd.s32 $0xFFFFFFB0  }
0x16: {  	[tilespmem:s16], [sflag:$0x5] =	stream.linear.gather [hbm4b:s31+s3], $0x50, $0x38;
	[tilespmem:$0xA200] =	vst v63  }
0x17: {  	_ =	swait.ge [sflag:s15], $0x50  }
0x18: {  	[sflag:s15] =	ssyncset.done $0x0  }
0x19: {  	[sflag:s15] =	ssyncadd.s32 $0xFFFFFFB0  }
0x1a: {  	[tilespmem:s18], [sflag:$0x1] =	stream.indirect.gather [hbm4b:s1+s17], $0x80, s3, s17, $0xb8;
	[tilespmem:$0xA200] =	vst v63  }
0x1b: {  	s30 =	simm.s32 $0x0  }
0x1c: {  	[tilespmem:s19], [sflag:$0x1] =	stream.indirect.gather [hbm4b:s7+s17], $0x80, s16, s17, $0xb8;
	[tilespmem:$0xA200] =	vst v63  }
.LBB2_2:
0x1d: {  	p0 =	seq.s32 s30, $0x0;
	s0 =	smul.u32 $0xA0, s30  }
0x1e: {  	s2 =	simm.s32 @!p0 $0x4  }
0x1f: {  	_ =	swait.ge @!p0 [sflag:s2], $0x2800;
	s31 =	sadd.s32 s0, s11  }
0x20: {  	[sflag:s2] =	ssyncset.done @!p0 $0x0;
	s9 =	sshrl.u32 s31, $0x3  }
0x21: {  	[sflag:s2] =	ssyncadd.s32 @!p0 $0xFFFFD800;
	s10 =	sadd.s32 s4, s9  }
0x22: {  	[tilespmem:s20], [sflag:$0x5] =	stream.linear.gather [hbm4b:s10+s3], $0x50, $0x38;
	[tilespmem:$0xA200] =	vst v63  }
0x23: {  	_ =	swait.ge [sflag:s15], $0x50  }
0x24: {  	[sflag:s15] =	ssyncset.done $0x0  }
0x25: {  	s13 =	sadd.s32 s6, s9;
	[sflag:s15] =	ssyncadd.s32 $0xFFFFFFB0  }
0x26: {  	[tilespmem:s21], [sflag:$0x5] =	stream.linear.gather [hbm4b:s13+s3], $0x50, $0x38;
	[tilespmem:$0xA200] =	vst v63  }
0x27: {  	_ =	swait.ge [sflag:s15], $0x50  }
0x28: {  	[sflag:s15] =	ssyncset.done $0x0  }
0x29: {  	[sflag:s15] =	ssyncadd.s32 $0xFFFFFFB0  }
0x2a: {  	[tilespmem:s22], [sflag:$0x3] =	stream.indirect.gather [hbm4b:s1+s17], $0x80, s20, s17, $0xb8;
	[tilespmem:$0xA200] =	vst v63  }
0x2b: {  	_ = 	snop  }
0x2c: {  	[tilespmem:s23], [sflag:$0x3] =	stream.indirect.gather [hbm4b:s7+s17], $0x80, s21, s17, $0xb8;
	[tilespmem:$0xA200] =	vst v63  }
0x2d: {  	_ =	swait.ge [sflag:s24], $0x2800  }
0x2e: {  	[sflag:s24] =	ssyncset.done $0x0  }
0x2f: {  	[sflag:s24] =	ssyncadd.s32 $0xFFFFD800  }
0x30: {  	_ =	swait.ge [sflag:s24], $0x2800  }
0x31: {  	[sflag:s24] =	ssyncset.done $0x0  }
0x32: {  	s2 =	simm.s32 $0x200;
	[sflag:s24] =	ssyncadd.s32 $0xFFFFD800  }
0x33: {  	s9 =	simm.s32 $0x2A00;
	v0 =	vld [tilespmem:s2+$0x80]  }
0x34: {  	v1 =	vld [tilespmem:s9+$0x80]  }
0x35: {  	v2 =	vld [tilespmem:s2+$0xFFFFFF80]  }
0x36: {  	v3 =	vld [tilespmem:s9+$0xFFFFFF80]  }
0x37: {  	v4 =	vld [tilespmem:s2+$0x0]  }
0x38: {  	v5 =	vld [tilespmem:s9+$0x0]  }
0x39: {  	v6 =	vld [tilespmem:s2+$0xFFFFFF00];
	v0 =	vadd.f32 v1, v0  }
0x3a: {  	v1 =	vld [tilespmem:s9+$0xFFFFFF00]  }
0x3b: {  	[tilespmem:s2+$0x80] =	vst v0;
	v0 =	vld [tilespmem:s2+$0x90]  }
0x3c: {  	v2 =	vadd.f32 v3, v2;
	v3 =	vld [tilespmem:s9+$0x90]  }
0x3d: {  	v7 =	vld [tilespmem:s2+$0xFFFFFF10]  }
0x3e: {  	[tilespmem:s2+$0xFFFFFF80] =	vst v2;
	v2 =	vadd.f32 v5, v4;
	v4 =	vld [tilespmem:s2+$0xFFFFFF90]  }
0x3f: {  	v5 =	vld [tilespmem:s9+$0xFFFFFF90];
	v1 =	vadd.f32 v1, v6  }
0x40: {  	[tilespmem:s2+$0x0] =	vst v2;
	v2 =	vld [tilespmem:s2+$0x10]  }
0x41: {  	v6 =	vld [tilespmem:s9+$0x10];
	[tilespmem:s2+$0xFFFFFF00] =	vst v1;
	v0 =	vadd.f32 v3, v0  }
0x42: {  	v1 =	vld [tilespmem:s9+$0xFFFFFF10]  }
0x43: {  	[tilespmem:s2+$0x90] =	vst v0;
	v0 =	vld [tilespmem:s2+$0xA0]  }
0x44: {  	v3 =	vadd.f32 v5, v4;
	v4 =	vld [tilespmem:s9+$0xA0]  }
0x45: {  	v5 =	vld [tilespmem:s2+$0xFFFFFF20]  }
0x46: {  	[tilespmem:s2+$0xFFFFFF90] =	vst v3;
	v2 =	vadd.f32 v6, v2;
	v3 =	vld [tilespmem:s2+$0xFFFFFFA0]  }
0x47: {  	v6 =	vld [tilespmem:s9+$0xFFFFFFA0];
	v1 =	vadd.f32 v1, v7  }
0x48: {  	[tilespmem:s2+$0x10] =	vst v2;
	v2 =	vld [tilespmem:s2+$0x20]  }
0x49: {  	v7 =	vld [tilespmem:s9+$0x20];
	[tilespmem:s2+$0xFFFFFF10] =	vst v1;
	v0 =	vadd.f32 v4, v0  }
0x4a: {  	v1 =	vld [tilespmem:s9+$0xFFFFFF20]  }
0x4b: {  	[tilespmem:s2+$0xA0] =	vst v0;
	v0 =	vld [tilespmem:s2+$0xB0]  }
0x4c: {  	v3 =	vadd.f32 v6, v3;
	v4 =	vld [tilespmem:s9+$0xB0]  }
0x4d: {  	v6 =	vld [tilespmem:s2+$0xFFFFFF30]  }
0x4e: {  	[tilespmem:s2+$0xFFFFFFA0] =	vst v3;
	v2 =	vadd.f32 v7, v2;
	v3 =	vld [tilespmem:s2+$0xFFFFFFB0]  }
0x4f: {  	v7 =	vld [tilespmem:s9+$0xFFFFFFB0];
	v1 =	vadd.f32 v1, v5  }
0x50: {  	[tilespmem:s2+$0x20] =	vst v2;
	v2 =	vld [tilespmem:s2+$0x30]  }
0x51: {  	v5 =	vld [tilespmem:s9+$0x30];
	[tilespmem:s2+$0xFFFFFF20] =	vst v1;
	v0 =	vadd.f32 v4, v0  }
0x52: {  	v1 =	vld [tilespmem:s9+$0xFFFFFF30]  }
0x53: {  	[tilespmem:s2+$0xB0] =	vst v0;
	v0 =	vld [tilespmem:s2+$0xC0]  }
0x54: {  	v3 =	vadd.f32 v7, v3;
	v4 =	vld [tilespmem:s9+$0xC0]  }
0x55: {  	v7 =	vld [tilespmem:s2+$0xFFFFFF40]  }
0x56: {  	[tilespmem:s2+$0xFFFFFFB0] =	vst v3;
	v2 =	vadd.f32 v5, v2;
	v3 =	vld [tilespmem:s2+$0xFFFFFFC0]  }
0x57: {  	v5 =	vld [tilespmem:s9+$0xFFFFFFC0];
	v1 =	vadd.f32 v1, v6  }
0x58: {  	[tilespmem:s2+$0x30] =	vst v2;
	v2 =	vld [tilespmem:s2+$0x40]  }
0x59: {  	v6 =	vld [tilespmem:s9+$0x40];
	[tilespmem:s2+$0xFFFFFF30] =	vst v1;
	v0 =	vadd.f32 v4, v0  }
0x5a: {  	v1 =	vld [tilespmem:s9+$0xFFFFFF40]  }
0x5b: {  	[tilespmem:s2+$0xC0] =	vst v0;
	v0 =	vld [tilespmem:s2+$0xD0]  }
0x5c: {  	v3 =	vadd.f32 v5, v3;
	v4 =	vld [tilespmem:s9+$0xD0]  }
0x5d: {  	v5 =	vld [tilespmem:s2+$0xFFFFFF50]  }
0x5e: {  	[tilespmem:s2+$0xFFFFFFC0] =	vst v3;
	v2 =	vadd.f32 v6, v2;
	v3 =	vld [tilespmem:s2+$0xFFFFFFD0]  }
0x5f: {  	v6 =	vld [tilespmem:s9+$0xFFFFFFD0];
	v1 =	vadd.f32 v1, v7  }
0x60: {  	[tilespmem:s2+$0x40] =	vst v2;
	v2 =	vld [tilespmem:s2+$0x50]  }
0x61: {  	v7 =	vld [tilespmem:s9+$0x50];
	[tilespmem:s2+$0xFFFFFF40] =	vst v1;
	v0 =	vadd.f32 v4, v0  }
0x62: {  	v1 =	vld [tilespmem:s9+$0xFFFFFF50]  }
0x63: {  	[tilespmem:s2+$0xD0] =	vst v0;
	v0 =	vld [tilespmem:s2+$0xE0]  }
0x64: {  	v3 =	vadd.f32 v6, v3;
	v4 =	vld [tilespmem:s9+$0xE0]  }
0x65: {  	v6 =	vld [tilespmem:s2+$0xFFFFFF60]  }
0x66: {  	[tilespmem:s2+$0xFFFFFFD0] =	vst v3;
	v2 =	vadd.f32 v7, v2;
	v3 =	vld [tilespmem:s2+$0xFFFFFFE0]  }
0x67: {  	v7 =	vld [tilespmem:s9+$0xFFFFFFE0];
	v1 =	vadd.f32 v1, v5  }
0x68: {  	[tilespmem:s2+$0x50] =	vst v2;
	v2 =	vld [tilespmem:s2+$0x60]  }
0x69: {  	v5 =	vld [tilespmem:s9+$0x60];
	[tilespmem:s2+$0xFFFFFF50] =	vst v1;
	v0 =	vadd.f32 v4, v0  }
0x6a: {  	v4 =	vld [tilespmem:s9+$0xFFFFFF60]  }
0x6b: {  	v8 =	vld [tilespmem:s2+$0xF0];
	[tilespmem:s2+$0xE0] =	vst v0  }
0x6c: {  	v1 =	vadd.f32 v7, v3;
	v7 =	vld [tilespmem:s9+$0xF0]  }
0x6d: {  	v0 =	vld [tilespmem:s2+$0xFFFFFF70]  }
0x6e: {  	[tilespmem:s2+$0xFFFFFFE0] =	vst v1;
	v2 =	vadd.f32 v5, v2;
	v1 =	vld [tilespmem:s2+$0xFFFFFFF0]  }
0x6f: {  	v3 =	vld [tilespmem:s9+$0xFFFFFFF0];
	v4 =	vadd.f32 v4, v6  }
0x70: {  	[tilespmem:s2+$0x60] =	vst v2;
	v2 =	vld [tilespmem:s2+$0x70]  }
0x71: {  	[tilespmem:s2+$0xFFFFFF60] =	vst v4;
	v4 =	vld [tilespmem:s9+$0x70];
	v6 =	vadd.f32 v7, v8  }
0x72: {  	s10 =	simm.s32 $0x0;
	s13 =	simm.s32 $0x400;
	v5 =	vld [tilespmem:s9+$0xFFFFFF70]  }
.LBB2_3:
0x73: {  	v7 =	vld [tilespmem:s13+$0x80];
	[tilespmem:s2+$0xF0] =	vst v6;
	s9 =	sadd.s32 $0x200, s9  }
0x74: {  	s10 =	sadd.s32 $0x4, s10;
	v6 =	vld [tilespmem:s9+$0x80];
	v1 =	vadd.f32 v3, v1  }
0x75: {  	p0 =	slt.u32 s10, $0x4C;
	v3 =	vld [tilespmem:s9+$0xFFFFFF00]  }
0x76: {  	v8 =	vld [tilespmem:s13+$0xFFFFFF80];
	[tilespmem:s2+$0xFFFFFFF0] =	vst v1;
	v1 =	vadd.f32 v4, v2  }
0x77: {  	v2 =	vld [tilespmem:s9+$0xFFFFFF80];
	v0 =	vadd.f32 v5, v0  }
0x78: {  	v4 =	vld [tilespmem:s13+$0x0];
	[tilespmem:s2+$0x70] =	vst v1  }
0x79: {  	v1 =	vld [tilespmem:s9+$0x0];
	v5 =	vadd.f32 v6, v7;
	[tilespmem:s2+$0xFFFFFF70] =	vst v0;
	s2 =	smov.u32 s13  }
0x7a: {  	v0 =	vld [tilespmem:s13+$0xFFFFFF00]  }
0x7b: {  	[tilespmem:s13+$0x80] =	vst v5;
	v5 =	vld [tilespmem:s13+$0x90]  }
0x7c: {  	v2 =	vadd.f32 v2, v8;
	v6 =	vld [tilespmem:s9+$0x90]  }
0x7d: {  	v7 =	vld [tilespmem:s13+$0xFFFFFF10]  }
0x7e: {  	[tilespmem:s13+$0xFFFFFF80] =	vst v2;
	v2 =	vld [tilespmem:s13+$0xFFFFFF90];
	v1 =	vadd.f32 v1, v4  }
0x7f: {  	v0 =	vadd.f32 v3, v0;
	v3 =	vld [tilespmem:s9+$0xFFFFFF90]  }
0x80: {  	[tilespmem:s13+$0x0] =	vst v1;
	v1 =	vld [tilespmem:s13+$0x10]  }
0x81: {  	[tilespmem:s13+$0xFFFFFF00] =	vst v0;
	v0 =	vld [tilespmem:s9+$0x10];
	v4 =	vadd.f32 v6, v5  }
0x82: {  	v5 =	vld [tilespmem:s9+$0xFFFFFF10]  }
0x83: {  	[tilespmem:s13+$0x90] =	vst v4;
	v4 =	vld [tilespmem:s13+$0xA0]  }
0x84: {  	v2 =	vadd.f32 v3, v2;
	v3 =	vld [tilespmem:s9+$0xA0]  }
0x85: {  	v6 =	vld [tilespmem:s13+$0xFFFFFF20]  }
0x86: {  	[tilespmem:s13+$0xFFFFFF90] =	vst v2;
	v2 =	vld [tilespmem:s13+$0xFFFFFFA0];
	v0 =	vadd.f32 v0, v1  }
0x87: {  	v1 =	vadd.f32 v5, v7;
	v5 =	vld [tilespmem:s9+$0xFFFFFFA0]  }
0x88: {  	[tilespmem:s13+$0x10] =	vst v0;
	v0 =	vld [tilespmem:s13+$0x20]  }
0x89: {  	[tilespmem:s13+$0xFFFFFF10] =	vst v1;
	v1 =	vld [tilespmem:s9+$0x20];
	v3 =	vadd.f32 v3, v4  }
0x8a: {  	v4 =	vld [tilespmem:s9+$0xFFFFFF20]  }
0x8b: {  	[tilespmem:s13+$0xA0] =	vst v3;
	v3 =	vld [tilespmem:s13+$0xB0]  }
0x8c: {  	v2 =	vadd.f32 v5, v2;
	v5 =	vld [tilespmem:s9+$0xB0]  }
0x8d: {  	v7 =	vld [tilespmem:s13+$0xFFFFFF30]  }
0x8e: {  	[tilespmem:s13+$0xFFFFFFA0] =	vst v2;
	v2 =	vld [tilespmem:s13+$0xFFFFFFB0];
	v0 =	vadd.f32 v1, v0  }
0x8f: {  	v1 =	vadd.f32 v4, v6;
	v4 =	vld [tilespmem:s9+$0xFFFFFFB0]  }
0x90: {  	[tilespmem:s13+$0x20] =	vst v0;
	v0 =	vld [tilespmem:s13+$0x30]  }
0x91: {  	[tilespmem:s13+$0xFFFFFF20] =	vst v1;
	v1 =	vld [tilespmem:s9+$0x30];
	v3 =	vadd.f32 v5, v3  }
0x92: {  	v5 =	vld [tilespmem:s9+$0xFFFFFF30]  }
0x93: {  	[tilespmem:s13+$0xB0] =	vst v3;
	v3 =	vld [tilespmem:s13+$0xC0]  }
0x94: {  	v2 =	vadd.f32 v4, v2;
	v4 =	vld [tilespmem:s9+$0xC0]  }
0x95: {  	v6 =	vld [tilespmem:s13+$0xFFFFFF40]  }
0x96: {  	[tilespmem:s13+$0xFFFFFFB0] =	vst v2;
	v2 =	vld [tilespmem:s13+$0xFFFFFFC0];
	v0 =	vadd.f32 v1, v0  }
0x97: {  	v1 =	vadd.f32 v5, v7;
	v5 =	vld [tilespmem:s9+$0xFFFFFFC0]  }
0x98: {  	[tilespmem:s13+$0x30] =	vst v0;
	v0 =	vld [tilespmem:s13+$0x40]  }
0x99: {  	[tilespmem:s13+$0xFFFFFF30] =	vst v1;
	v1 =	vld [tilespmem:s9+$0x40];
	v3 =	vadd.f32 v4, v3  }
0x9a: {  	v4 =	vld [tilespmem:s9+$0xFFFFFF40]  }
0x9b: {  	[tilespmem:s13+$0xC0] =	vst v3;
	v3 =	vld [tilespmem:s13+$0xD0]  }
0x9c: {  	v2 =	vadd.f32 v5, v2;
	v5 =	vld [tilespmem:s9+$0xD0]  }
0x9d: {  	v7 =	vld [tilespmem:s13+$0xFFFFFF50]  }
0x9e: {  	[tilespmem:s13+$0xFFFFFFC0] =	vst v2;
	v2 =	vld [tilespmem:s13+$0xFFFFFFD0];
	v0 =	vadd.f32 v1, v0  }
0x9f: {  	v1 =	vadd.f32 v4, v6;
	v4 =	vld [tilespmem:s9+$0xFFFFFFD0]  }
0xa0: {  	[tilespmem:s13+$0x40] =	vst v0;
	v0 =	vld [tilespmem:s13+$0x50]  }
0xa1: {  	[tilespmem:s13+$0xFFFFFF40] =	vst v1;
	v1 =	vld [tilespmem:s9+$0x50];
	v3 =	vadd.f32 v5, v3  }
0xa2: {  	v5 =	vld [tilespmem:s9+$0xFFFFFF50]  }
0xa3: {  	[tilespmem:s13+$0xD0] =	vst v3;
	v3 =	vld [tilespmem:s13+$0xE0]  }
0xa4: {  	v2 =	vadd.f32 v4, v2;
	v4 =	vld [tilespmem:s9+$0xE0]  }
0xa5: {  	v6 =	vld [tilespmem:s13+$0xFFFFFF60]  }
0xa6: {  	[tilespmem:s13+$0xFFFFFFD0] =	vst v2;
	v2 =	vld [tilespmem:s13+$0xFFFFFFE0];
	v0 =	vadd.f32 v1, v0  }
0xa7: {  	v1 =	vadd.f32 v5, v7;
	v5 =	vld [tilespmem:s9+$0xFFFFFFE0]  }
0xa8: {  	[tilespmem:s13+$0x50] =	vst v0;
	v7 =	vld [tilespmem:s13+$0x60]  }
0xa9: {  	[tilespmem:s13+$0xFFFFFF50] =	vst v1;
	v8 =	vld [tilespmem:s9+$0x60];
	v0 =	vadd.f32 v4, v3  }
0xaa: {  	v3 =	vld [tilespmem:s9+$0xFFFFFF60]  }
0xab: {  	[tilespmem:s13+$0xE0] =	vst v0;
	v9 =	vld [tilespmem:s13+$0xF0]  }
0xac: {  	v1 =	vadd.f32 v5, v2;
	v5 =	vld [tilespmem:s9+$0xF0]  }
0xad: {  	v0 =	vld [tilespmem:s13+$0xFFFFFF70]  }
.Ltmp0:
0xae: {  	[tilespmem:s13+$0xFFFFFFE0] =	vst v1;
	v1 =	vld [tilespmem:s13+$0xFFFFFFF0];
	v2 =	vadd.f32 v8, v7;
	(pc) =	sbr.rel @p0 .LBB2_3-.Ltmp0, $4  }
0xaf: {  	v4 =	vadd.f32 v3, v6;
	v3 =	vld [tilespmem:s9+$0xFFFFFFF0]  }
0xb0: {  	[tilespmem:s13+$0x60] =	vst v2;
	v2 =	vld [tilespmem:s13+$0x70]  }
0xb1: {  	[tilespmem:s13+$0xFFFFFF60] =	vst v4;
	v4 =	vld [tilespmem:s9+$0x70];
	v6 =	vadd.f32 v5, v9  }
0xb2: {  	s13 =	sadd.s32 $0x200, s13;
	v5 =	vld [tilespmem:s9+$0xFFFFFF70]  }
0xb3: {  	_ =	sdelay $0x1  }
0xb4: {  	v1 =	vadd.f32 v3, v1  }
0xb5: {  	[tilespmem:s2+$0xF0] =	vst v6;
	v2 =	vadd.f32 v4, v2  }
0xb6: {  	s9 =	sadd.s32 s5, s0;
	[tilespmem:s2+$0xFFFFFFF0] =	vst v1;
	v0 =	vadd.f32 v5, v0  }
0xb7: {  	s9 =	sshll.u32 s9, $0x4;
	[tilespmem:s2+$0x70] =	vst v2  }
0xb8: {  	s9 =	sadd.s32 s8, s9;
	[tilespmem:s2+$0xFFFFFF70] =	vst v0  }
0xb9: {  	[hbm4b:s9+s3] =	stream.linear.scatter [tilespmem:s18], [sflag:$0x2], $0x2800, $0x38;
	[tilespmem:$0xA200] =	vst v63  }
0xba: {  	s10 =	sadd.s32 s0, s12;
	_ =	swait.ge [sflag:s25], $0x2800  }
0xbb: {  	s0 =	sshrl.u32 s10, $0x3;
	[sflag:s25] =	ssyncset.done $0x0  }
0xbc: {  	s13 =	sadd.s32 s4, s0;
	[sflag:s25] =	ssyncadd.s32 $0xFFFFD800  }
0xbd: {  	[tilespmem:s3], [sflag:$0x5] =	stream.linear.gather [hbm4b:s13+s3], $0x50, $0x38;
	[tilespmem:$0xA200] =	vst v63  }
0xbe: {  	_ =	swait.ge [sflag:s15], $0x50  }
0xbf: {  	[sflag:s15] =	ssyncset.done $0x0  }
0xc0: {  	s0 =	sadd.s32 s6, s0;
	[sflag:s15] =	ssyncadd.s32 $0xFFFFFFB0  }
0xc1: {  	[tilespmem:s16], [sflag:$0x5] =	stream.linear.gather [hbm4b:s0+s3], $0x50, $0x38;
	[tilespmem:$0xA200] =	vst v63  }
0xc2: {  	_ =	swait.ge [sflag:s15], $0x50  }
0xc3: {  	[sflag:s15] =	ssyncset.done $0x0  }
0xc4: {  	[sflag:s15] =	ssyncadd.s32 $0xFFFFFFB0  }
0xc5: {  	[tilespmem:s18], [sflag:$0x1] =	stream.indirect.gather [hbm4b:s1+s17], $0x80, s3, s17, $0xb8;
	[tilespmem:$0xA200] =	vst v63  }
0xc6: {  	_ = 	snop  }
0xc7: {  	[tilespmem:s19], [sflag:$0x1] =	stream.indirect.gather [hbm4b:s7+s17], $0x80, s16, s17, $0xb8;
	[tilespmem:$0xA200] =	vst v63  }
0xc8: {  	_ =	swait.ge [sflag:s26], $0x2800  }
0xc9: {  	[sflag:s26] =	ssyncset.done $0x0  }
0xca: {  	[sflag:s26] =	ssyncadd.s32 $0xFFFFD800  }
0xcb: {  	_ =	swait.ge [sflag:s26], $0x2800  }
0xcc: {  	[sflag:s26] =	ssyncset.done $0x0  }
0xcd: {  	s0 =	simm.s32 $0x5300;
	[sflag:s26] =	ssyncadd.s32 $0xFFFFD800  }
0xce: {  	s2 =	simm.s32 $0x7B00;
	v0 =	vld [tilespmem:s0+$0x80]  }
0xcf: {  	v1 =	vld [tilespmem:s2+$0x80]  }
0xd0: {  	v2 =	vld [tilespmem:s0+$0xFFFFFF80]  }
0xd1: {  	v3 =	vld [tilespmem:s2+$0xFFFFFF80]  }
0xd2: {  	v4 =	vld [tilespmem:s0+$0x0]  }
0xd3: {  	v5 =	vld [tilespmem:s2+$0x0]  }
0xd4: {  	v6 =	vld [tilespmem:s0+$0xFFFFFF00];
	v0 =	vadd.f32 v1, v0  }
0xd5: {  	v1 =	vld [tilespmem:s2+$0xFFFFFF00]  }
0xd6: {  	[tilespmem:s0+$0x80] =	vst v0;
	v0 =	vld [tilespmem:s0+$0x90]  }
0xd7: {  	v2 =	vadd.f32 v3, v2;
	v3 =	vld [tilespmem:s2+$0x90]  }
0xd8: {  	v7 =	vld [tilespmem:s0+$0xFFFFFF10]  }
0xd9: {  	[tilespmem:s0+$0xFFFFFF80] =	vst v2;
	v2 =	vadd.f32 v5, v4;
	v4 =	vld [tilespmem:s0+$0xFFFFFF90]  }
0xda: {  	v5 =	vld [tilespmem:s2+$0xFFFFFF90];
	v1 =	vadd.f32 v1, v6  }
0xdb: {  	[tilespmem:s0+$0x0] =	vst v2;
	v2 =	vld [tilespmem:s0+$0x10]  }
0xdc: {  	v6 =	vld [tilespmem:s2+$0x10];
	[tilespmem:s0+$0xFFFFFF00] =	vst v1;
	v0 =	vadd.f32 v3, v0  }
0xdd: {  	v1 =	vld [tilespmem:s2+$0xFFFFFF10]  }
0xde: {  	[tilespmem:s0+$0x90] =	vst v0;
	v0 =	vld [tilespmem:s0+$0xA0]  }
0xdf: {  	v3 =	vadd.f32 v5, v4;
	v4 =	vld [tilespmem:s2+$0xA0]  }
0xe0: {  	v5 =	vld [tilespmem:s0+$0xFFFFFF20]  }
0xe1: {  	[tilespmem:s0+$0xFFFFFF90] =	vst v3;
	v2 =	vadd.f32 v6, v2;
	v3 =	vld [tilespmem:s0+$0xFFFFFFA0]  }
0xe2: {  	v6 =	vld [tilespmem:s2+$0xFFFFFFA0];
	v1 =	vadd.f32 v1, v7  }
0xe3: {  	[tilespmem:s0+$0x10] =	vst v2;
	v2 =	vld [tilespmem:s0+$0x20]  }
0xe4: {  	v7 =	vld [tilespmem:s2+$0x20];
	[tilespmem:s0+$0xFFFFFF10] =	vst v1;
	v0 =	vadd.f32 v4, v0  }
0xe5: {  	v1 =	vld [tilespmem:s2+$0xFFFFFF20]  }
0xe6: {  	[tilespmem:s0+$0xA0] =	vst v0;
	v0 =	vld [tilespmem:s0+$0xB0]  }
0xe7: {  	v3 =	vadd.f32 v6, v3;
	v4 =	vld [tilespmem:s2+$0xB0]  }
0xe8: {  	v6 =	vld [tilespmem:s0+$0xFFFFFF30]  }
0xe9: {  	[tilespmem:s0+$0xFFFFFFA0] =	vst v3;
	v2 =	vadd.f32 v7, v2;
	v3 =	vld [tilespmem:s0+$0xFFFFFFB0]  }
0xea: {  	v7 =	vld [tilespmem:s2+$0xFFFFFFB0];
	v1 =	vadd.f32 v1, v5  }
0xeb: {  	[tilespmem:s0+$0x20] =	vst v2;
	v2 =	vld [tilespmem:s0+$0x30]  }
0xec: {  	v5 =	vld [tilespmem:s2+$0x30];
	[tilespmem:s0+$0xFFFFFF20] =	vst v1;
	v0 =	vadd.f32 v4, v0  }
0xed: {  	v1 =	vld [tilespmem:s2+$0xFFFFFF30]  }
0xee: {  	[tilespmem:s0+$0xB0] =	vst v0;
	v0 =	vld [tilespmem:s0+$0xC0]  }
0xef: {  	v3 =	vadd.f32 v7, v3;
	v4 =	vld [tilespmem:s2+$0xC0]  }
0xf0: {  	v7 =	vld [tilespmem:s0+$0xFFFFFF40]  }
0xf1: {  	[tilespmem:s0+$0xFFFFFFB0] =	vst v3;
	v2 =	vadd.f32 v5, v2;
	v3 =	vld [tilespmem:s0+$0xFFFFFFC0]  }
0xf2: {  	v5 =	vld [tilespmem:s2+$0xFFFFFFC0];
	v1 =	vadd.f32 v1, v6  }
0xf3: {  	[tilespmem:s0+$0x30] =	vst v2;
	v2 =	vld [tilespmem:s0+$0x40]  }
0xf4: {  	v6 =	vld [tilespmem:s2+$0x40];
	[tilespmem:s0+$0xFFFFFF30] =	vst v1;
	v0 =	vadd.f32 v4, v0  }
0xf5: {  	v1 =	vld [tilespmem:s2+$0xFFFFFF40]  }
0xf6: {  	[tilespmem:s0+$0xC0] =	vst v0;
	v0 =	vld [tilespmem:s0+$0xD0]  }
0xf7: {  	v3 =	vadd.f32 v5, v3;
	v4 =	vld [tilespmem:s2+$0xD0]  }
0xf8: {  	v5 =	vld [tilespmem:s0+$0xFFFFFF50]  }
0xf9: {  	[tilespmem:s0+$0xFFFFFFC0] =	vst v3;
	v2 =	vadd.f32 v6, v2;
	v3 =	vld [tilespmem:s0+$0xFFFFFFD0]  }
0xfa: {  	v6 =	vld [tilespmem:s2+$0xFFFFFFD0];
	v1 =	vadd.f32 v1, v7  }
0xfb: {  	[tilespmem:s0+$0x40] =	vst v2;
	v2 =	vld [tilespmem:s0+$0x50]  }
0xfc: {  	v7 =	vld [tilespmem:s2+$0x50];
	[tilespmem:s0+$0xFFFFFF40] =	vst v1;
	v0 =	vadd.f32 v4, v0  }
0xfd: {  	v1 =	vld [tilespmem:s2+$0xFFFFFF50]  }
0xfe: {  	[tilespmem:s0+$0xD0] =	vst v0;
	v0 =	vld [tilespmem:s0+$0xE0]  }
0xff: {  	v3 =	vadd.f32 v6, v3;
	v4 =	vld [tilespmem:s2+$0xE0]  }
0x100: {  	v6 =	vld [tilespmem:s0+$0xFFFFFF60]  }
0x101: {  	[tilespmem:s0+$0xFFFFFFD0] =	vst v3;
	v2 =	vadd.f32 v7, v2;
	v3 =	vld [tilespmem:s0+$0xFFFFFFE0]  }
0x102: {  	v7 =	vld [tilespmem:s2+$0xFFFFFFE0];
	v1 =	vadd.f32 v1, v5  }
0x103: {  	[tilespmem:s0+$0x50] =	vst v2;
	v2 =	vld [tilespmem:s0+$0x60]  }
0x104: {  	v5 =	vld [tilespmem:s2+$0x60];
	[tilespmem:s0+$0xFFFFFF50] =	vst v1;
	v0 =	vadd.f32 v4, v0  }
0x105: {  	v4 =	vld [tilespmem:s2+$0xFFFFFF60]  }
0x106: {  	v8 =	vld [tilespmem:s0+$0xF0];
	[tilespmem:s0+$0xE0] =	vst v0  }
0x107: {  	v1 =	vadd.f32 v7, v3;
	v7 =	vld [tilespmem:s2+$0xF0]  }
0x108: {  	v0 =	vld [tilespmem:s0+$0xFFFFFF70]  }
0x109: {  	[tilespmem:s0+$0xFFFFFFE0] =	vst v1;
	v2 =	vadd.f32 v5, v2;
	v1 =	vld [tilespmem:s0+$0xFFFFFFF0]  }
0x10a: {  	v3 =	vld [tilespmem:s2+$0xFFFFFFF0];
	v4 =	vadd.f32 v4, v6  }
0x10b: {  	[tilespmem:s0+$0x60] =	vst v2;
	v2 =	vld [tilespmem:s0+$0x70]  }
0x10c: {  	[tilespmem:s0+$0xFFFFFF60] =	vst v4;
	v4 =	vld [tilespmem:s2+$0x70];
	v6 =	vadd.f32 v7, v8  }
0x10d: {  	s10 =	simm.s32 $0x5500;
	s9 =	simm.s32 $0x0;
	v5 =	vld [tilespmem:s2+$0xFFFFFF70]  }
.LBB2_5:
0x10e: {  	v7 =	vld [tilespmem:s10+$0x80];
	[tilespmem:s0+$0xF0] =	vst v6;
	s2 =	sadd.s32 $0x200, s2  }
0x10f: {  	s9 =	sadd.s32 $0x4, s9;
	v6 =	vld [tilespmem:s2+$0x80];
	v1 =	vadd.f32 v3, v1  }
0x110: {  	p0 =	slt.u32 s9, $0x4C;
	v3 =	vld [tilespmem:s2+$0xFFFFFF00]  }
0x111: {  	v8 =	vld [tilespmem:s10+$0xFFFFFF80];
	[tilespmem:s0+$0xFFFFFFF0] =	vst v1;
	v1 =	vadd.f32 v4, v2  }
0x112: {  	v2 =	vld [tilespmem:s2+$0xFFFFFF80];
	v0 =	vadd.f32 v5, v0  }
0x113: {  	v4 =	vld [tilespmem:s10+$0x0];
	[tilespmem:s0+$0x70] =	vst v1  }
0x114: {  	v1 =	vld [tilespmem:s2+$0x0];
	v5 =	vadd.f32 v6, v7;
	[tilespmem:s0+$0xFFFFFF70] =	vst v0;
	s0 =	smov.u32 s10  }
0x115: {  	v0 =	vld [tilespmem:s10+$0xFFFFFF00]  }
0x116: {  	[tilespmem:s10+$0x80] =	vst v5;
	v5 =	vld [tilespmem:s10+$0x90]  }
0x117: {  	v2 =	vadd.f32 v2, v8;
	v6 =	vld [tilespmem:s2+$0x90]  }
0x118: {  	v7 =	vld [tilespmem:s10+$0xFFFFFF10]  }
0x119: {  	[tilespmem:s10+$0xFFFFFF80] =	vst v2;
	v2 =	vld [tilespmem:s10+$0xFFFFFF90];
	v1 =	vadd.f32 v1, v4  }
0x11a: {  	v0 =	vadd.f32 v3, v0;
	v3 =	vld [tilespmem:s2+$0xFFFFFF90]  }
0x11b: {  	[tilespmem:s10+$0x0] =	vst v1;
	v1 =	vld [tilespmem:s10+$0x10]  }
0x11c: {  	[tilespmem:s10+$0xFFFFFF00] =	vst v0;
	v0 =	vld [tilespmem:s2+$0x10];
	v4 =	vadd.f32 v6, v5  }
0x11d: {  	v5 =	vld [tilespmem:s2+$0xFFFFFF10]  }
0x11e: {  	[tilespmem:s10+$0x90] =	vst v4;
	v4 =	vld [tilespmem:s10+$0xA0]  }
0x11f: {  	v2 =	vadd.f32 v3, v2;
	v3 =	vld [tilespmem:s2+$0xA0]  }
0x120: {  	v6 =	vld [tilespmem:s10+$0xFFFFFF20]  }
0x121: {  	[tilespmem:s10+$0xFFFFFF90] =	vst v2;
	v2 =	vld [tilespmem:s10+$0xFFFFFFA0];
	v0 =	vadd.f32 v0, v1  }
0x122: {  	v1 =	vadd.f32 v5, v7;
	v5 =	vld [tilespmem:s2+$0xFFFFFFA0]  }
0x123: {  	[tilespmem:s10+$0x10] =	vst v0;
	v0 =	vld [tilespmem:s10+$0x20]  }
0x124: {  	[tilespmem:s10+$0xFFFFFF10] =	vst v1;
	v1 =	vld [tilespmem:s2+$0x20];
	v3 =	vadd.f32 v3, v4  }
0x125: {  	v4 =	vld [tilespmem:s2+$0xFFFFFF20]  }
0x126: {  	[tilespmem:s10+$0xA0] =	vst v3;
	v3 =	vld [tilespmem:s10+$0xB0]  }
0x127: {  	v2 =	vadd.f32 v5, v2;
	v5 =	vld [tilespmem:s2+$0xB0]  }
0x128: {  	v7 =	vld [tilespmem:s10+$0xFFFFFF30]  }
0x129: {  	[tilespmem:s10+$0xFFFFFFA0] =	vst v2;
	v2 =	vld [tilespmem:s10+$0xFFFFFFB0];
	v0 =	vadd.f32 v1, v0  }
0x12a: {  	v1 =	vadd.f32 v4, v6;
	v4 =	vld [tilespmem:s2+$0xFFFFFFB0]  }
0x12b: {  	[tilespmem:s10+$0x20] =	vst v0;
	v0 =	vld [tilespmem:s10+$0x30]  }
0x12c: {  	[tilespmem:s10+$0xFFFFFF20] =	vst v1;
	v1 =	vld [tilespmem:s2+$0x30];
	v3 =	vadd.f32 v5, v3  }
0x12d: {  	v5 =	vld [tilespmem:s2+$0xFFFFFF30]  }
0x12e: {  	[tilespmem:s10+$0xB0] =	vst v3;
	v3 =	vld [tilespmem:s10+$0xC0]  }
0x12f: {  	v2 =	vadd.f32 v4, v2;
	v4 =	vld [tilespmem:s2+$0xC0]  }
0x130: {  	v6 =	vld [tilespmem:s10+$0xFFFFFF40]  }
0x131: {  	[tilespmem:s10+$0xFFFFFFB0] =	vst v2;
	v2 =	vld [tilespmem:s10+$0xFFFFFFC0];
	v0 =	vadd.f32 v1, v0  }
0x132: {  	v1 =	vadd.f32 v5, v7;
	v5 =	vld [tilespmem:s2+$0xFFFFFFC0]  }
0x133: {  	[tilespmem:s10+$0x30] =	vst v0;
	v0 =	vld [tilespmem:s10+$0x40]  }
0x134: {  	[tilespmem:s10+$0xFFFFFF30] =	vst v1;
	v1 =	vld [tilespmem:s2+$0x40];
	v3 =	vadd.f32 v4, v3  }
0x135: {  	v4 =	vld [tilespmem:s2+$0xFFFFFF40]  }
0x136: {  	[tilespmem:s10+$0xC0] =	vst v3;
	v3 =	vld [tilespmem:s10+$0xD0]  }
0x137: {  	v2 =	vadd.f32 v5, v2;
	v5 =	vld [tilespmem:s2+$0xD0]  }
0x138: {  	v7 =	vld [tilespmem:s10+$0xFFFFFF50]  }
0x139: {  	[tilespmem:s10+$0xFFFFFFC0] =	vst v2;
	v2 =	vld [tilespmem:s10+$0xFFFFFFD0];
	v0 =	vadd.f32 v1, v0  }
0x13a: {  	v1 =	vadd.f32 v4, v6;
	v4 =	vld [tilespmem:s2+$0xFFFFFFD0]  }
0x13b: {  	[tilespmem:s10+$0x40] =	vst v0;
	v0 =	vld [tilespmem:s10+$0x50]  }
0x13c: {  	[tilespmem:s10+$0xFFFFFF40] =	vst v1;
	v1 =	vld [tilespmem:s2+$0x50];
	v3 =	vadd.f32 v5, v3  }
0x13d: {  	v5 =	vld [tilespmem:s2+$0xFFFFFF50]  }
0x13e: {  	[tilespmem:s10+$0xD0] =	vst v3;
	v3 =	vld [tilespmem:s10+$0xE0]  }
0x13f: {  	v2 =	vadd.f32 v4, v2;
	v4 =	vld [tilespmem:s2+$0xE0]  }
0x140: {  	v6 =	vld [tilespmem:s10+$0xFFFFFF60]  }
0x141: {  	[tilespmem:s10+$0xFFFFFFD0] =	vst v2;
	v2 =	vld [tilespmem:s10+$0xFFFFFFE0];
	v0 =	vadd.f32 v1, v0  }
0x142: {  	v1 =	vadd.f32 v5, v7;
	v5 =	vld [tilespmem:s2+$0xFFFFFFE0]  }
0x143: {  	[tilespmem:s10+$0x50] =	vst v0;
	v7 =	vld [tilespmem:s10+$0x60]  }
0x144: {  	[tilespmem:s10+$0xFFFFFF50] =	vst v1;
	v8 =	vld [tilespmem:s2+$0x60];
	v0 =	vadd.f32 v4, v3  }
0x145: {  	v3 =	vld [tilespmem:s2+$0xFFFFFF60]  }
0x146: {  	[tilespmem:s10+$0xE0] =	vst v0;
	v9 =	vld [tilespmem:s10+$0xF0]  }
0x147: {  	v1 =	vadd.f32 v5, v2;
	v5 =	vld [tilespmem:s2+$0xF0]  }
0x148: {  	v0 =	vld [tilespmem:s10+$0xFFFFFF70]  }
.Ltmp1:
0x149: {  	[tilespmem:s10+$0xFFFFFFE0] =	vst v1;
	v1 =	vld [tilespmem:s10+$0xFFFFFFF0];
	v2 =	vadd.f32 v8, v7;
	(pc) =	sbr.rel @p0 .LBB2_5-.Ltmp1, $4  }
0x14a: {  	v4 =	vadd.f32 v3, v6;
	v3 =	vld [tilespmem:s2+$0xFFFFFFF0]  }
0x14b: {  	[tilespmem:s10+$0x60] =	vst v2;
	v2 =	vld [tilespmem:s10+$0x70]  }
0x14c: {  	[tilespmem:s10+$0xFFFFFF60] =	vst v4;
	v4 =	vld [tilespmem:s2+$0x70];
	v6 =	vadd.f32 v5, v9  }
0x14d: {  	s10 =	sadd.s32 $0x200, s10;
	v5 =	vld [tilespmem:s2+$0xFFFFFF70]  }
0x14e: {  	_ = 	snop  }
0x14f: {  	s30 =	sadd.s32 $0x1, s30  }
0x150: {  	v1 =	vadd.f32 v3, v1;
	p0 =	sne.s32 s30, $0x3E  }
.Ltmp2:
0x151: {  	[tilespmem:s0+$0xF0] =	vst v6;
	v2 =	vadd.f32 v4, v2;
	(pc) =	sbr.rel @p0 .LBB2_2-.Ltmp2, $4  }
0x152: {  	[tilespmem:s0+$0xFFFFFFF0] =	vst v1;
	v0 =	vadd.f32 v5, v0  }
0x153: {  	s2 =	sshll.u32 s31, $0x4;
	[tilespmem:s0+$0x70] =	vst v2  }
0x154: {  	s31 =	sadd.s32 s8, s2;
	[tilespmem:s0+$0xFFFFFF70] =	vst v0  }
0x155: {  	[hbm4b:s31+s3] =	stream.linear.scatter [tilespmem:s22], [sflag:$0x4], $0x2800, $0x38;
	[tilespmem:$0xA200] =	vst v63  }
0x156: {  	_ =	swait.ge [sflag:s24], $0x2800  }
0x157: {  	[sflag:s24] =	ssyncset.done $0x0  }
0x158: {  	[sflag:s24] =	ssyncadd.s32 $0xFFFFD800  }
0x159: {  	_ =	swait.ge [sflag:s24], $0x2800  }
0x15a: {  	[sflag:s24] =	ssyncset.done $0x0  }
0x15b: {  	s0 =	simm.s32 $0x200;
	[sflag:s24] =	ssyncadd.s32 $0xFFFFD800  }
0x15c: {  	s2 =	simm.s32 $0x2A00;
	v0 =	vld [tilespmem:s0+$0x80]  }
0x15d: {  	v1 =	vld [tilespmem:s2+$0x80]  }
0x15e: {  	v2 =	vld [tilespmem:s0+$0xFFFFFF80]  }
0x15f: {  	v3 =	vld [tilespmem:s2+$0xFFFFFF80]  }
0x160: {  	v4 =	vld [tilespmem:s0+$0x0]  }
0x161: {  	v5 =	vld [tilespmem:s2+$0x0]  }
0x162: {  	v6 =	vld [tilespmem:s0+$0xFFFFFF00];
	v0 =	vadd.f32 v1, v0  }
0x163: {  	v1 =	vld [tilespmem:s2+$0xFFFFFF00]  }
0x164: {  	[tilespmem:s0+$0x80] =	vst v0;
	v0 =	vld [tilespmem:s0+$0x90]  }
0x165: {  	v2 =	vadd.f32 v3, v2;
	v3 =	vld [tilespmem:s2+$0x90]  }
0x166: {  	v7 =	vld [tilespmem:s0+$0xFFFFFF10]  }
0x167: {  	[tilespmem:s0+$0xFFFFFF80] =	vst v2;
	v2 =	vadd.f32 v5, v4;
	v4 =	vld [tilespmem:s0+$0xFFFFFF90]  }
0x168: {  	v5 =	vld [tilespmem:s2+$0xFFFFFF90];
	v1 =	vadd.f32 v1, v6  }
0x169: {  	[tilespmem:s0+$0x0] =	vst v2;
	v2 =	vld [tilespmem:s0+$0x10]  }
0x16a: {  	v6 =	vld [tilespmem:s2+$0x10];
	[tilespmem:s0+$0xFFFFFF00] =	vst v1;
	v0 =	vadd.f32 v3, v0  }
0x16b: {  	v1 =	vld [tilespmem:s2+$0xFFFFFF10]  }
0x16c: {  	[tilespmem:s0+$0x90] =	vst v0;
	v0 =	vld [tilespmem:s0+$0xA0]  }
0x16d: {  	v3 =	vadd.f32 v5, v4;
	v4 =	vld [tilespmem:s2+$0xA0]  }
0x16e: {  	v5 =	vld [tilespmem:s0+$0xFFFFFF20]  }
0x16f: {  	[tilespmem:s0+$0xFFFFFF90] =	vst v3;
	v2 =	vadd.f32 v6, v2;
	v3 =	vld [tilespmem:s0+$0xFFFFFFA0]  }
0x170: {  	v6 =	vld [tilespmem:s2+$0xFFFFFFA0];
	v1 =	vadd.f32 v1, v7  }
0x171: {  	[tilespmem:s0+$0x10] =	vst v2;
	v2 =	vld [tilespmem:s0+$0x20]  }
0x172: {  	v7 =	vld [tilespmem:s2+$0x20];
	[tilespmem:s0+$0xFFFFFF10] =	vst v1;
	v0 =	vadd.f32 v4, v0  }
0x173: {  	v1 =	vld [tilespmem:s2+$0xFFFFFF20]  }
0x174: {  	[tilespmem:s0+$0xA0] =	vst v0;
	v0 =	vld [tilespmem:s0+$0xB0]  }
0x175: {  	v3 =	vadd.f32 v6, v3;
	v4 =	vld [tilespmem:s2+$0xB0]  }
0x176: {  	v6 =	vld [tilespmem:s0+$0xFFFFFF30]  }
0x177: {  	[tilespmem:s0+$0xFFFFFFA0] =	vst v3;
	v2 =	vadd.f32 v7, v2;
	v3 =	vld [tilespmem:s0+$0xFFFFFFB0]  }
0x178: {  	v7 =	vld [tilespmem:s2+$0xFFFFFFB0];
	v1 =	vadd.f32 v1, v5  }
0x179: {  	[tilespmem:s0+$0x20] =	vst v2;
	v2 =	vld [tilespmem:s0+$0x30]  }
0x17a: {  	v5 =	vld [tilespmem:s2+$0x30];
	[tilespmem:s0+$0xFFFFFF20] =	vst v1;
	v0 =	vadd.f32 v4, v0  }
0x17b: {  	v1 =	vld [tilespmem:s2+$0xFFFFFF30]  }
0x17c: {  	[tilespmem:s0+$0xB0] =	vst v0;
	v0 =	vld [tilespmem:s0+$0xC0]  }
0x17d: {  	v3 =	vadd.f32 v7, v3;
	v4 =	vld [tilespmem:s2+$0xC0]  }
0x17e: {  	v7 =	vld [tilespmem:s0+$0xFFFFFF40]  }
0x17f: {  	[tilespmem:s0+$0xFFFFFFB0] =	vst v3;
	v2 =	vadd.f32 v5, v2;
	v3 =	vld [tilespmem:s0+$0xFFFFFFC0]  }
0x180: {  	v5 =	vld [tilespmem:s2+$0xFFFFFFC0];
	v1 =	vadd.f32 v1, v6  }
0x181: {  	[tilespmem:s0+$0x30] =	vst v2;
	v2 =	vld [tilespmem:s0+$0x40]  }
0x182: {  	v6 =	vld [tilespmem:s2+$0x40];
	[tilespmem:s0+$0xFFFFFF30] =	vst v1;
	v0 =	vadd.f32 v4, v0  }
0x183: {  	v1 =	vld [tilespmem:s2+$0xFFFFFF40]  }
0x184: {  	[tilespmem:s0+$0xC0] =	vst v0;
	v0 =	vld [tilespmem:s0+$0xD0]  }
0x185: {  	v3 =	vadd.f32 v5, v3;
	v4 =	vld [tilespmem:s2+$0xD0]  }
0x186: {  	v5 =	vld [tilespmem:s0+$0xFFFFFF50]  }
0x187: {  	[tilespmem:s0+$0xFFFFFFC0] =	vst v3;
	v2 =	vadd.f32 v6, v2;
	v3 =	vld [tilespmem:s0+$0xFFFFFFD0]  }
0x188: {  	v6 =	vld [tilespmem:s2+$0xFFFFFFD0];
	v1 =	vadd.f32 v1, v7  }
0x189: {  	[tilespmem:s0+$0x40] =	vst v2;
	v2 =	vld [tilespmem:s0+$0x50]  }
0x18a: {  	v7 =	vld [tilespmem:s2+$0x50];
	[tilespmem:s0+$0xFFFFFF40] =	vst v1;
	v0 =	vadd.f32 v4, v0  }
0x18b: {  	v1 =	vld [tilespmem:s2+$0xFFFFFF50]  }
0x18c: {  	[tilespmem:s0+$0xD0] =	vst v0;
	v0 =	vld [tilespmem:s0+$0xE0]  }
0x18d: {  	v3 =	vadd.f32 v6, v3;
	v4 =	vld [tilespmem:s2+$0xE0]  }
0x18e: {  	v6 =	vld [tilespmem:s0+$0xFFFFFF60]  }
0x18f: {  	[tilespmem:s0+$0xFFFFFFD0] =	vst v3;
	v2 =	vadd.f32 v7, v2;
	v3 =	vld [tilespmem:s0+$0xFFFFFFE0]  }
0x190: {  	v7 =	vld [tilespmem:s2+$0xFFFFFFE0];
	v1 =	vadd.f32 v1, v5  }
0x191: {  	[tilespmem:s0+$0x50] =	vst v2;
	v2 =	vld [tilespmem:s0+$0x60]  }
0x192: {  	v5 =	vld [tilespmem:s2+$0x60];
	[tilespmem:s0+$0xFFFFFF50] =	vst v1;
	v0 =	vadd.f32 v4, v0  }
0x193: {  	v4 =	vld [tilespmem:s2+$0xFFFFFF60]  }
0x194: {  	v8 =	vld [tilespmem:s0+$0xF0];
	[tilespmem:s0+$0xE0] =	vst v0  }
0x195: {  	v1 =	vadd.f32 v7, v3;
	v7 =	vld [tilespmem:s2+$0xF0]  }
0x196: {  	v0 =	vld [tilespmem:s0+$0xFFFFFF70]  }
0x197: {  	[tilespmem:s0+$0xFFFFFFE0] =	vst v1;
	v2 =	vadd.f32 v5, v2;
	v1 =	vld [tilespmem:s0+$0xFFFFFFF0]  }
0x198: {  	v3 =	vld [tilespmem:s2+$0xFFFFFFF0];
	v4 =	vadd.f32 v4, v6  }
0x199: {  	[tilespmem:s0+$0x60] =	vst v2;
	v2 =	vld [tilespmem:s0+$0x70]  }
0x19a: {  	[tilespmem:s0+$0xFFFFFF60] =	vst v4;
	v4 =	vld [tilespmem:s2+$0x70];
	v6 =	vadd.f32 v7, v8  }
0x19b: {  	s9 =	simm.s32 $0x0;
	s10 =	simm.s32 $0x400;
	v5 =	vld [tilespmem:s2+$0xFFFFFF70]  }
.LBB2_8:
0x19c: {  	v7 =	vld [tilespmem:s10+$0x80];
	[tilespmem:s0+$0xF0] =	vst v6;
	s2 =	sadd.s32 $0x200, s2  }
0x19d: {  	s9 =	sadd.s32 $0x4, s9;
	v6 =	vld [tilespmem:s2+$0x80];
	v1 =	vadd.f32 v3, v1  }
0x19e: {  	p0 =	slt.u32 s9, $0x4C;
	v3 =	vld [tilespmem:s2+$0xFFFFFF00]  }
0x19f: {  	v8 =	vld [tilespmem:s10+$0xFFFFFF80];
	[tilespmem:s0+$0xFFFFFFF0] =	vst v1;
	v1 =	vadd.f32 v4, v2  }
0x1a0: {  	v2 =	vld [tilespmem:s2+$0xFFFFFF80];
	v0 =	vadd.f32 v5, v0  }
0x1a1: {  	v4 =	vld [tilespmem:s10+$0x0];
	[tilespmem:s0+$0x70] =	vst v1  }
0x1a2: {  	v1 =	vld [tilespmem:s2+$0x0];
	v5 =	vadd.f32 v6, v7;
	[tilespmem:s0+$0xFFFFFF70] =	vst v0;
	s0 =	smov.u32 s10  }
0x1a3: {  	v0 =	vld [tilespmem:s10+$0xFFFFFF00]  }
0x1a4: {  	[tilespmem:s10+$0x80] =	vst v5;
	v5 =	vld [tilespmem:s10+$0x90]  }
0x1a5: {  	v2 =	vadd.f32 v2, v8;
	v6 =	vld [tilespmem:s2+$0x90]  }
0x1a6: {  	v7 =	vld [tilespmem:s10+$0xFFFFFF10]  }
0x1a7: {  	[tilespmem:s10+$0xFFFFFF80] =	vst v2;
	v2 =	vld [tilespmem:s10+$0xFFFFFF90];
	v1 =	vadd.f32 v1, v4  }
0x1a8: {  	v0 =	vadd.f32 v3, v0;
	v3 =	vld [tilespmem:s2+$0xFFFFFF90]  }
0x1a9: {  	[tilespmem:s10+$0x0] =	vst v1;
	v1 =	vld [tilespmem:s10+$0x10]  }
0x1aa: {  	[tilespmem:s10+$0xFFFFFF00] =	vst v0;
	v0 =	vld [tilespmem:s2+$0x10];
	v4 =	vadd.f32 v6, v5  }
0x1ab: {  	v5 =	vld [tilespmem:s2+$0xFFFFFF10]  }
0x1ac: {  	[tilespmem:s10+$0x90] =	vst v4;
	v4 =	vld [tilespmem:s10+$0xA0]  }
0x1ad: {  	v2 =	vadd.f32 v3, v2;
	v3 =	vld [tilespmem:s2+$0xA0]  }
0x1ae: {  	v6 =	vld [tilespmem:s10+$0xFFFFFF20]  }
0x1af: {  	[tilespmem:s10+$0xFFFFFF90] =	vst v2;
	v2 =	vld [tilespmem:s10+$0xFFFFFFA0];
	v0 =	vadd.f32 v0, v1  }
0x1b0: {  	v1 =	vadd.f32 v5, v7;
	v5 =	vld [tilespmem:s2+$0xFFFFFFA0]  }
0x1b1: {  	[tilespmem:s10+$0x10] =	vst v0;
	v0 =	vld [tilespmem:s10+$0x20]  }
0x1b2: {  	[tilespmem:s10+$0xFFFFFF10] =	vst v1;
	v1 =	vld [tilespmem:s2+$0x20];
	v3 =	vadd.f32 v3, v4  }
0x1b3: {  	v4 =	vld [tilespmem:s2+$0xFFFFFF20]  }
0x1b4: {  	[tilespmem:s10+$0xA0] =	vst v3;
	v3 =	vld [tilespmem:s10+$0xB0]  }
0x1b5: {  	v2 =	vadd.f32 v5, v2;
	v5 =	vld [tilespmem:s2+$0xB0]  }
0x1b6: {  	v7 =	vld [tilespmem:s10+$0xFFFFFF30]  }
0x1b7: {  	[tilespmem:s10+$0xFFFFFFA0] =	vst v2;
	v2 =	vld [tilespmem:s10+$0xFFFFFFB0];
	v0 =	vadd.f32 v1, v0  }
0x1b8: {  	v1 =	vadd.f32 v4, v6;
	v4 =	vld [tilespmem:s2+$0xFFFFFFB0]  }
0x1b9: {  	[tilespmem:s10+$0x20] =	vst v0;
	v0 =	vld [tilespmem:s10+$0x30]  }
0x1ba: {  	[tilespmem:s10+$0xFFFFFF20] =	vst v1;
	v1 =	vld [tilespmem:s2+$0x30];
	v3 =	vadd.f32 v5, v3  }
0x1bb: {  	v5 =	vld [tilespmem:s2+$0xFFFFFF30]  }
0x1bc: {  	[tilespmem:s10+$0xB0] =	vst v3;
	v3 =	vld [tilespmem:s10+$0xC0]  }
0x1bd: {  	v2 =	vadd.f32 v4, v2;
	v4 =	vld [tilespmem:s2+$0xC0]  }
0x1be: {  	v6 =	vld [tilespmem:s10+$0xFFFFFF40]  }
0x1bf: {  	[tilespmem:s10+$0xFFFFFFB0] =	vst v2;
	v2 =	vld [tilespmem:s10+$0xFFFFFFC0];
	v0 =	vadd.f32 v1, v0  }
0x1c0: {  	v1 =	vadd.f32 v5, v7;
	v5 =	vld [tilespmem:s2+$0xFFFFFFC0]  }
0x1c1: {  	[tilespmem:s10+$0x30] =	vst v0;
	v0 =	vld [tilespmem:s10+$0x40]  }
0x1c2: {  	[tilespmem:s10+$0xFFFFFF30] =	vst v1;
	v1 =	vld [tilespmem:s2+$0x40];
	v3 =	vadd.f32 v4, v3  }
0x1c3: {  	v4 =	vld [tilespmem:s2+$0xFFFFFF40]  }
0x1c4: {  	[tilespmem:s10+$0xC0] =	vst v3;
	v3 =	vld [tilespmem:s10+$0xD0]  }
0x1c5: {  	v2 =	vadd.f32 v5, v2;
	v5 =	vld [tilespmem:s2+$0xD0]  }
0x1c6: {  	v7 =	vld [tilespmem:s10+$0xFFFFFF50]  }
0x1c7: {  	[tilespmem:s10+$0xFFFFFFC0] =	vst v2;
	v2 =	vld [tilespmem:s10+$0xFFFFFFD0];
	v0 =	vadd.f32 v1, v0  }
0x1c8: {  	v1 =	vadd.f32 v4, v6;
	v4 =	vld [tilespmem:s2+$0xFFFFFFD0]  }
0x1c9: {  	[tilespmem:s10+$0x40] =	vst v0;
	v0 =	vld [tilespmem:s10+$0x50]  }
0x1ca: {  	[tilespmem:s10+$0xFFFFFF40] =	vst v1;
	v1 =	vld [tilespmem:s2+$0x50];
	v3 =	vadd.f32 v5, v3  }
0x1cb: {  	v5 =	vld [tilespmem:s2+$0xFFFFFF50]  }
0x1cc: {  	[tilespmem:s10+$0xD0] =	vst v3;
	v3 =	vld [tilespmem:s10+$0xE0]  }
0x1cd: {  	v2 =	vadd.f32 v4, v2;
	v4 =	vld [tilespmem:s2+$0xE0]  }
0x1ce: {  	v6 =	vld [tilespmem:s10+$0xFFFFFF60]  }
0x1cf: {  	[tilespmem:s10+$0xFFFFFFD0] =	vst v2;
	v2 =	vld [tilespmem:s10+$0xFFFFFFE0];
	v0 =	vadd.f32 v1, v0  }
0x1d0: {  	v1 =	vadd.f32 v5, v7;
	v5 =	vld [tilespmem:s2+$0xFFFFFFE0]  }
0x1d1: {  	[tilespmem:s10+$0x50] =	vst v0;
	v7 =	vld [tilespmem:s10+$0x60]  }
0x1d2: {  	[tilespmem:s10+$0xFFFFFF50] =	vst v1;
	v8 =	vld [tilespmem:s2+$0x60];
	v0 =	vadd.f32 v4, v3  }
0x1d3: {  	v3 =	vld [tilespmem:s2+$0xFFFFFF60]  }
0x1d4: {  	[tilespmem:s10+$0xE0] =	vst v0;
	v9 =	vld [tilespmem:s10+$0xF0]  }
0x1d5: {  	v1 =	vadd.f32 v5, v2;
	v5 =	vld [tilespmem:s2+$0xF0]  }
0x1d6: {  	v0 =	vld [tilespmem:s10+$0xFFFFFF70]  }
.Ltmp3:
0x1d7: {  	[tilespmem:s10+$0xFFFFFFE0] =	vst v1;
	v1 =	vld [tilespmem:s10+$0xFFFFFFF0];
	v2 =	vadd.f32 v8, v7;
	(pc) =	sbr.rel @p0 .LBB2_8-.Ltmp3, $4  }
0x1d8: {  	v4 =	vadd.f32 v3, v6;
	v3 =	vld [tilespmem:s2+$0xFFFFFFF0]  }
0x1d9: {  	[tilespmem:s10+$0x60] =	vst v2;
	v2 =	vld [tilespmem:s10+$0x70]  }
0x1da: {  	[tilespmem:s10+$0xFFFFFF60] =	vst v4;
	v4 =	vld [tilespmem:s2+$0x70];
	v6 =	vadd.f32 v5, v9  }
0x1db: {  	s10 =	sadd.s32 $0x200, s10;
	v5 =	vld [tilespmem:s2+$0xFFFFFF70]  }
0x1dc: {  	_ =	sdelay $0x1  }
0x1dd: {  	v1 =	vadd.f32 v3, v1  }
0x1de: {  	[tilespmem:s0+$0xF0] =	vst v6;
	v2 =	vadd.f32 v4, v2  }
0x1df: {  	[tilespmem:s0+$0xFFFFFFF0] =	vst v1;
	v0 =	vadd.f32 v5, v0  }
0x1e0: {  	[tilespmem:s0+$0x70] =	vst v2  }
0x1e1: {  	[tilespmem:s0+$0xFFFFFF70] =	vst v0  }
0x1e2: {  	s29 =	sadd.s32 $0x1, s29;
	s0 =	rddreg [dreg:$0x5]  }
0x1e3: {  	[hbm4b:s0+s3] =	stream.linear.scatter [tilespmem:s18], [sflag:$0x2], $0x2800, $0x38;
	[tilespmem:$0xA200] =	vst v63  }
0x1e4: {  	p0 =	sne.s32 s29, s14;
	_ =	swait.ge [sflag:s28], $0x2800  }
.Ltmp4:
0x1e5: {  	[sflag:s28] =	ssyncset.done $0x0;
	(pc) =	sbr.rel @p0 .LBB2_1-.Ltmp4, $4  }
0x1e6: {  	[sflag:s28] =	ssyncadd.s32 $0xFFFFD800  }
0x1e7: {  	_ =	swait.ge [sflag:s25], $0x2800  }
0x1e8: {  	[sflag:s25] =	ssyncset.done $0x0  }
0x1e9: {  	[sflag:s25] =	ssyncadd.s32 $0xFFFFD800  }
0x1ea: {  	_ =	sfence.sel $0x180000  }
0x1eb: {  	[bflag:$0x0] =	sbarrier.arrive $0xFFFF  }
0x1ec: {  	_ =	strace $0x90000047  }
0x1ed: {  	s0 =	stileid.u32;
	[bflag:$0x2] =	sbarrier.arrive $0xFFFF  }
0x1ee: {  	p0 =	sne.s32 s0, $0x0;
	s0 =	rddreg [dreg:$0x2]  }
0x1ef: {  	s0 =	sadd.s32 @!p0 $0x100000, s0  }
0x1f0: {  	[sflag:s0] =	ssyncadd.tile.s32 @!p0 $0x1;
	_ =	shalt  }
.Lfunc_end2:
_tile_overlayer_lowered:
.L_overlay_start_2:
0x1f1: {  	(tag) =	ssettag $0x2  }
0x1f2: {  	s0 =	rddreg [dreg:$0x0];
	s2 =	stileid.u32  }
0x1f3: {  	s1 =	rddreg [dreg:$0x1];
	p0 =	sne.s32 s2, $0x0  }
0x1f4: {  	s3 =	rddreg [dreg:$0x2];
	[bflag:$0x3] =	sbarrier.arrive $0xFFFF;
	s2 =	simm.s32 @!p0 $0x1C05  }
0x1f5: {  	[timem:s3], [sflag:s2] =	dma.local @!p0 [hbm:s0], s1  }
0x1f6: {  	s0 =	simm.s32 @!p0 $0x5  }
0x1f7: {  	_ =	swait.ge @!p0 [sflag:s0], s1  }
0x1f8: {  	s1 =	ssub.s32 @!p0 $0x0, s1;
	[sflag:s0] =	ssyncset.done @!p0 $0x0  }
0x1f9: {  	[sflag:s0] =	ssyncadd.s32 @!p0 s1  }
0x1fa: {  	[bflag:$0x3] =	sbarrier.arrive $0xFFFF  }
0x1fb: {  	_ =	shalt  }

</sc_bundles>
